<compile_context>
chip_gen: v7x
topology: tpu7x:2x2x1
jax: 0.10.2.dev20260603
libtpu: 0.0.44.dev20260713+nightly
codegen_flags: <defaults>
</compile_context>

<pallas_src>
import functools

import jax
import jax.numpy as jnp
from jax import lax
from jax.experimental import pallas as pl
from jax.experimental.pallas import tpu as pltpu
from jax.experimental.pallas import tpu_sc as plsc

B = 4096 * 200
D = 64
NC, NS = 2, 16
NW = NC * NS
B_PER_W = B // NW
CHUNK = 800
N_CHUNKS = B_PER_W // CHUNK
NBUF = 2


@functools.partial(
    pl.kernel,
    mesh=plsc.VectorSubcoreMesh(core_axis_name="c", subcore_axis_name="s"),
    out_type=jax.ShapeDtypeStruct((B, D), jnp.float32),
    compiler_params=pltpu.CompilerParams(use_tc_tiling_on_sc=False),
    scratch_types=(
        [pltpu.VMEM((CHUNK,), jnp.int32) for _ in range(NBUF)]
        + [pltpu.VMEM((CHUNK, D), jnp.float32) for _ in range(NBUF)]
        + [pltpu.SemaphoreType.DMA for _ in range(3 * NBUF)]
    ),
)
def _gather_rows(table_hbm, ids_hbm, out_hbm, idx0, idx1, rows0, rows1,
                 si0, si1, sg0, sg1, so0, so1):
    idx = [idx0, idx1]
    rows = [rows0, rows1]
    s_idx = [si0, si1]
    s_gat = [sg0, sg1]
    s_out = [so0, so1]

    wid = lax.axis_index("s") * NC + lax.axis_index("c")
    base = wid * B_PER_W

    def off(i):
        return base + i * CHUNK

    idx_cp, gat_cp, out_cp = {}, {}, {}

    def start_idx(i):
        b = i % NBUF
        idx_cp[i] = pltpu.async_copy(
            ids_hbm.at[pl.ds(off(i), CHUNK)], idx[b], s_idx[b])

    def start_gat(i):
        b = i % NBUF
        gat_cp[i] = pltpu.async_copy(table_hbm.at[idx[b]], rows[b], s_gat[b])

    def start_out(i):
        b = i % NBUF
        out_cp[i] = pltpu.async_copy(
            rows[b], out_hbm.at[pl.ds(off(i), CHUNK)], s_out[b])

    start_idx(0)
    if N_CHUNKS > 1:
        start_idx(1)
    idx_cp[0].wait()
    start_gat(0)
    for i in range(N_CHUNKS):
        gat_cp[i].wait()
        start_out(i)
        if i + 2 < N_CHUNKS:
            start_idx(i + 2)
        if i + 1 < N_CHUNKS:
            idx_cp[i + 1].wait()
            if i >= 1:
                out_cp[i - 1].wait()
            start_gat(i + 1)
    if N_CHUNKS > 1:
        out_cp[N_CHUNKS - 2].wait()
    out_cp[N_CHUNKS - 1].wait()


def kernel(input_ids, weight):
    flat = input_ids.reshape(B)
    out = _gather_rows(weight, flat)
    return out.reshape(input_ids.shape + (D,))

# --- scband reference (transcript-rebuilt; emitter-appended) ---
"""Pipeline reference for scband-manual-embedding-4372276707929 (READ-ONLY COPY).

The authoritative reference and input builder live on the scoring server;
editing this copy changes nothing except your own understanding.
"""

import jax, jax.numpy as jnp
import numpy as np

VOCAB = 1000000
D_MODEL = 64

def setup_inputs(seed: int = 0) -> dict:
    key = jax.random.key(seed)
    k1, k2 = jax.random.split(key)
    input_ids = jax.random.randint(k1, (4096, 200), 0, VOCAB, dtype=jnp.int64 if jax.config.read('jax_enable_x64') else jnp.int32)
    weight = jax.random.normal(k2, (VOCAB, D_MODEL), dtype=jnp.float32) * 0.1
    return {"input_ids": input_ids, "weight": weight}

def reference(input_ids, weight):
    # F.embedding(input_ids, weight) -> gather rows of weight
    return jnp.take(weight, input_ids, axis=0)

if __name__ == "__main__":
    import jax
    _d = setup_inputs()
    print(jax.jit(kernel)(*tuple(_d.values())))

</pallas_src>

<mosaic_0001>
#map = affine_map<(d0, d1) -> (0, 0)>
#map1 = affine_map<(d0, d1) -> (0)>
module attributes {stable_mosaic.version = 14 : i64} {
  func.func @_gather_rows(%arg0: i32, %arg1: i32, %arg2: memref<1000000x64xf32, #tpu.memory_space<hbm>>, %arg3: memref<819200xi32, #tpu.memory_space<hbm>>, %arg4: memref<819200x64xf32, #tpu.memory_space<hbm>>, %arg5: memref<800xi32, #tpu.memory_space<vmem>>, %arg6: memref<800xi32, #tpu.memory_space<vmem>>, %arg7: memref<800x64xf32, #tpu.memory_space<vmem>>, %arg8: memref<800x64xf32, #tpu.memory_space<vmem>>, %arg9: memref<!tpu.dma_semaphore, #tpu.memory_space<semaphore_mem>>, %arg10: memref<!tpu.dma_semaphore, #tpu.memory_space<semaphore_mem>>, %arg11: memref<!tpu.dma_semaphore, #tpu.memory_space<semaphore_mem>>, %arg12: memref<!tpu.dma_semaphore, #tpu.memory_space<semaphore_mem>>, %arg13: memref<!tpu.dma_semaphore, #tpu.memory_space<semaphore_mem>>, %arg14: memref<!tpu.dma_semaphore, #tpu.memory_space<semaphore_mem>>) attributes {dimension_semantics = [#tpu.dimension_semantics<core_parallel>, #tpu.dimension_semantics<subcore_parallel>], iteration_bounds = array<i64: 2, 16>, scalar_prefetch = 0 : i64, scratch_operands = 10 : i64, tpu.core_type = #tpu.core_type<sc_vector_subcore>, window_params = [{transform_indices = #map}, {transform_indices = #map1}, {transform_indices = #map}]} {
    %mul3A = arith.constant 2 : i32
    %mul3A_0 = arith.muli %arg1, %mul3A : i32
    %add3A = arith.addi %mul3A_0, %arg0 : i32
    %mul3A_1 = arith.constant 25600 : i32
    %mul3A_2 = arith.muli %add3A, %mul3A_1 : i32
    %add3A_3 = arith.constant 0 : i32
    %add3A_4 = arith.addi %mul3A_2, %add3A_3 : i32
    %dma_start3A = tpu.memref_slice %arg3[%add3A_4] : memref<819200xi32, #tpu.memory_space<hbm>> -> memref<800xi32, #tpu.memory_space<hbm>>
    %dma_start3A_5 = tpu.memref_slice %arg3[%add3A_4] : memref<819200xi32, #tpu.memory_space<hbm>> -> memref<800xi32, #tpu.memory_space<hbm>>
    tpu.enqueue_dma source(%dma_start3A_5 : memref<800xi32, #tpu.memory_space<hbm>>) target(%arg5 : memref<800xi32, #tpu.memory_space<vmem>>) target_semaphore(%arg9 : memref<!tpu.dma_semaphore, #tpu.memory_space<semaphore_mem>>)
    %add3A_6 = arith.constant 800 : i32
    %add3A_7 = arith.addi %mul3A_2, %add3A_6 : i32
    %dma_start3A_8 = tpu.memref_slice %arg3[%add3A_7] : memref<819200xi32, #tpu.memory_space<hbm>> -> memref<800xi32, #tpu.memory_space<hbm>>
    %dma_start3A_9 = tpu.memref_slice %arg3[%add3A_7] : memref<819200xi32, #tpu.memory_space<hbm>> -> memref<800xi32, #tpu.memory_space<hbm>>
    tpu.enqueue_dma source(%dma_start3A_9 : memref<800xi32, #tpu.memory_space<hbm>>) target(%arg6 : memref<800xi32, #tpu.memory_space<vmem>>) target_semaphore(%arg10 : memref<!tpu.dma_semaphore, #tpu.memory_space<semaphore_mem>>)
    %dma_wait3A = tpu.memref_slice %arg3[%add3A_4] : memref<819200xi32, #tpu.memory_space<hbm>> -> memref<800xi32, #tpu.memory_space<hbm>>
    %dma_wait3A_10 = tpu.memref_slice %arg3[%add3A_4] : memref<819200xi32, #tpu.memory_space<hbm>> -> memref<800xi32, #tpu.memory_space<hbm>>
    tpu.wait_dma2 semaphore(%arg9 : memref<!tpu.dma_semaphore, #tpu.memory_space<semaphore_mem>>) src(%dma_wait3A_10 : memref<800xi32, #tpu.memory_space<hbm>>) dst(%arg5 : memref<800xi32, #tpu.memory_space<vmem>>)
    %dma_start3A_11 = arith.constant 0 : i32
    %dma_start3A_12 = arith.constant 0 : i32
    %dma_start3A_13 = tpu.memref_slice %arg2[%dma_start3A_11, %dma_start3A_12] : memref<1000000x64xf32, #tpu.memory_space<hbm>> -> memref<1000000x64xf32, #tpu.memory_space<hbm>>
    tpu.enqueue_indirect_dma source(%dma_start3A_13 : memref<1000000x64xf32, #tpu.memory_space<hbm>>) target(%arg7 : memref<800x64xf32, #tpu.memory_space<vmem>>) offsets(%arg5 : memref<800xi32, #tpu.memory_space<vmem>>) semaphore(%arg11 : memref<!tpu.dma_semaphore, #tpu.memory_space<semaphore_mem>>)
    %dma_wait3A_14 = arith.constant 0 : i32
    %dma_wait3A_15 = arith.constant 0 : i32
    %dma_wait3A_16 = tpu.memref_slice %arg2[%dma_wait3A_14, %dma_wait3A_15] : memref<1000000x64xf32, #tpu.memory_space<hbm>> -> memref<1000000x64xf32, #tpu.memory_space<hbm>>
    tpu.wait_indirect_dma semaphore(%arg11 : memref<!tpu.dma_semaphore, #tpu.memory_space<semaphore_mem>>) src(%dma_wait3A_16 : memref<1000000x64xf32, #tpu.memory_space<hbm>>) dst(%arg7 : memref<800x64xf32, #tpu.memory_space<vmem>>)
    %add3A_17 = arith.constant 0 : i32
    %add3A_18 = arith.addi %mul3A_2, %add3A_17 : i32
    %dma_start3A_19 = arith.constant 0 : i32
    %dma_start3A_20 = tpu.memref_slice %arg4[%add3A_18, %dma_start3A_19] : memref<819200x64xf32, #tpu.memory_space<hbm>> -> memref<800x64xf32, #tpu.memory_space<hbm>>
    %dma_start3A_21 = arith.constant 0 : i32
    %dma_start3A_22 = tpu.memref_slice %arg4[%add3A_18, %dma_start3A_21] : memref<819200x64xf32, #tpu.memory_space<hbm>> -> memref<800x64xf32, #tpu.memory_space<hbm>>
    tpu.enqueue_dma source(%arg7 : memref<800x64xf32, #tpu.memory_space<vmem>>) target(%dma_start3A_22 : memref<800x64xf32, #tpu.memory_space<hbm>>) target_semaphore(%arg13 : memref<!tpu.dma_semaphore, #tpu.memory_space<semaphore_mem>>)
    %add3A_23 = arith.constant 1600 : i32
    %add3A_24 = arith.addi %mul3A_2, %add3A_23 : i32
    %dma_start3A_25 = tpu.memref_slice %arg3[%add3A_24] : memref<819200xi32, #tpu.memory_space<hbm>> -> memref<800xi32, #tpu.memory_space<hbm>>
    %dma_start3A_26 = tpu.memref_slice %arg3[%add3A_24] : memref<819200xi32, #tpu.memory_space<hbm>> -> memref<800xi32, #tpu.memory_space<hbm>>
    tpu.enqueue_dma source(%dma_start3A_26 : memref<800xi32, #tpu.memory_space<hbm>>) target(%arg5 : memref<800xi32, #tpu.memory_space<vmem>>) target_semaphore(%arg9 : memref<!tpu.dma_semaphore, #tpu.memory_space<semaphore_mem>>)
    %dma_wait3A_27 = tpu.memref_slice %arg3[%add3A_7] : memref<819200xi32, #tpu.memory_space<hbm>> -> memref<800xi32, #tpu.memory_space<hbm>>
    %dma_wait3A_28 = tpu.memref_slice %arg3[%add3A_7] : memref<819200xi32, #tpu.memory_space<hbm>> -> memref<800xi32, #tpu.memory_space<hbm>>
    tpu.wait_dma2 semaphore(%arg10 : memref<!tpu.dma_semaphore, #tpu.memory_space<semaphore_mem>>) src(%dma_wait3A_28 : memref<800xi32, #tpu.memory_space<hbm>>) dst(%arg6 : memref<800xi32, #tpu.memory_space<vmem>>)
    %dma_start3A_29 = arith.constant 0 : i32
    %dma_start3A_30 = arith.constant 0 : i32
    %dma_start3A_31 = tpu.memref_slice %arg2[%dma_start3A_29, %dma_start3A_30] : memref<1000000x64xf32, #tpu.memory_space<hbm>> -> memref<1000000x64xf32, #tpu.memory_space<hbm>>
    tpu.enqueue_indirect_dma source(%dma_start3A_31 : memref<1000000x64xf32, #tpu.memory_space<hbm>>) target(%arg8 : memref<800x64xf32, #tpu.memory_space<vmem>>) offsets(%arg6 : memref<800xi32, #tpu.memory_space<vmem>>) semaphore(%arg12 : memref<!tpu.dma_semaphore, #tpu.memory_space<semaphore_mem>>)
    %dma_wait3A_32 = arith.constant 0 : i32
    %dma_wait3A_33 = arith.constant 0 : i32
    %dma_wait3A_34 = tpu.memref_slice %arg2[%dma_wait3A_32, %dma_wait3A_33] : memref<1000000x64xf32, #tpu.memory_space<hbm>> -> memref<1000000x64xf32, #tpu.memory_space<hbm>>
    tpu.wait_indirect_dma semaphore(%arg12 : memref<!tpu.dma_semaphore, #tpu.memory_space<semaphore_mem>>) src(%dma_wait3A_34 : memref<1000000x64xf32, #tpu.memory_space<hbm>>) dst(%arg8 : memref<800x64xf32, #tpu.memory_space<vmem>>)
    %add3A_35 = arith.constant 800 : i32
    %add3A_36 = arith.addi %mul3A_2, %add3A_35 : i32
    %dma_start3A_37 = arith.constant 0 : i32
    %dma_start3A_38 = tpu.memref_slice %arg4[%add3A_36, %dma_start3A_37] : memref<819200x64xf32, #tpu.memory_space<hbm>> -> memref<800x64xf32, #tpu.memory_space<hbm>>
    %dma_start3A_39 = arith.constant 0 : i32
    %dma_start3A_40 = tpu.memref_slice %arg4[%add3A_36, %dma_start3A_39] : memref<819200x64xf32, #tpu.memory_space<hbm>> -> memref<800x64xf32, #tpu.memory_space<hbm>>
    tpu.enqueue_dma source(%arg8 : memref<800x64xf32, #tpu.memory_space<vmem>>) target(%dma_start3A_40 : memref<800x64xf32, #tpu.memory_space<hbm>>) target_semaphore(%arg14 : memref<!tpu.dma_semaphore, #tpu.memory_space<semaphore_mem>>)
    %add3A_41 = arith.constant 2400 : i32
    %add3A_42 = arith.addi %mul3A_2, %add3A_41 : i32
    %dma_start3A_43 = tpu.memref_slice %arg3[%add3A_42] : memref<819200xi32, #tpu.memory_space<hbm>> -> memref<800xi32, #tpu.memory_space<hbm>>
    %dma_start3A_44 = tpu.memref_slice %arg3[%add3A_42] : memref<819200xi32, #tpu.memory_space<hbm>> -> memref<800xi32, #tpu.memory_space<hbm>>
    tpu.enqueue_dma source(%dma_start3A_44 : memref<800xi32, #tpu.memory_space<hbm>>) target(%arg6 : memref<800xi32, #tpu.memory_space<vmem>>) target_semaphore(%arg10 : memref<!tpu.dma_semaphore, #tpu.memory_space<semaphore_mem>>)
    %dma_wait3A_45 = tpu.memref_slice %arg3[%add3A_24] : memref<819200xi32, #tpu.memory_space<hbm>> -> memref<800xi32, #tpu.memory_space<hbm>>
    %dma_wait3A_46 = tpu.memref_slice %arg3[%add3A_24] : memref<819200xi32, #tpu.memory_space<hbm>> -> memref<800xi32, #tpu.memory_space<hbm>>
    tpu.wait_dma2 semaphore(%arg9 : memref<!tpu.dma_semaphore, #tpu.memory_space<semaphore_mem>>) src(%dma_wait3A_46 : memref<800xi32, #tpu.memory_space<hbm>>) dst(%arg5 : memref<800xi32, #tpu.memory_space<vmem>>)
    %dma_wait3A_47 = arith.constant 0 : i32
    %dma_wait3A_48 = tpu.memref_slice %arg4[%add3A_18, %dma_wait3A_47] : memref<819200x64xf32, #tpu.memory_space<hbm>> -> memref<800x64xf32, #tpu.memory_space<hbm>>
    %dma_wait3A_49 = arith.constant 0 : i32
    %dma_wait3A_50 = tpu.memref_slice %arg4[%add3A_18, %dma_wait3A_49] : memref<819200x64xf32, #tpu.memory_space<hbm>> -> memref<800x64xf32, #tpu.memory_space<hbm>>
    tpu.wait_dma2 semaphore(%arg13 : memref<!tpu.dma_semaphore, #tpu.memory_space<semaphore_mem>>) src(%arg7 : memref<800x64xf32, #tpu.memory_space<vmem>>) dst(%dma_wait3A_50 : memref<800x64xf32, #tpu.memory_space<hbm>>)
    %dma_start3A_51 = arith.constant 0 : i32
    %dma_start3A_52 = arith.constant 0 : i32
    %dma_start3A_53 = tpu.memref_slice %arg2[%dma_start3A_51, %dma_start3A_52] : memref<1000000x64xf32, #tpu.memory_space<hbm>> -> memref<1000000x64xf32, #tpu.memory_space<hbm>>
    tpu.enqueue_indirect_dma source(%dma_start3A_53 : memref<1000000x64xf32, #tpu.memory_space<hbm>>) target(%arg7 : memref<800x64xf32, #tpu.memory_space<vmem>>) offsets(%arg5 : memref<800xi32, #tpu.memory_space<vmem>>) semaphore(%arg11 : memref<!tpu.dma_semaphore, #tpu.memory_space<semaphore_mem>>)
    %dma_wait3A_54 = arith.constant 0 : i32
    %dma_wait3A_55 = arith.constant 0 : i32
    %dma_wait3A_56 = tpu.memref_slice %arg2[%dma_wait3A_54, %dma_wait3A_55] : memref<1000000x64xf32, #tpu.memory_space<hbm>> -> memref<1000000x64xf32, #tpu.memory_space<hbm>>
    tpu.wait_indirect_dma semaphore(%arg11 : memref<!tpu.dma_semaphore, #tpu.memory_space<semaphore_mem>>) src(%dma_wait3A_56 : memref<1000000x64xf32, #tpu.memory_space<hbm>>) dst(%arg7 : memref<800x64xf32, #tpu.memory_space<vmem>>)
    %add3A_57 = arith.constant 1600 : i32
    %add3A_58 = arith.addi %mul3A_2, %add3A_57 : i32
    %dma_start3A_59 = arith.constant 0 : i32
    %dma_start3A_60 = tpu.memref_slice %arg4[%add3A_58, %dma_start3A_59] : memref<819200x64xf32, #tpu.memory_space<hbm>> -> memref<800x64xf32, #tpu.memory_space<hbm>>
    %dma_start3A_61 = arith.constant 0 : i32
    %dma_start3A_62 = tpu.memref_slice %arg4[%add3A_58, %dma_start3A_61] : memref<819200x64xf32, #tpu.memory_space<hbm>> -> memref<800x64xf32, #tpu.memory_space<hbm>>
    tpu.enqueue_dma source(%arg7 : memref<800x64xf32, #tpu.memory_space<vmem>>) target(%dma_start3A_62 : memref<800x64xf32, #tpu.memory_space<hbm>>) target_semaphore(%arg13 : memref<!tpu.dma_semaphore, #tpu.memory_space<semaphore_mem>>)
    %add3A_63 = arith.constant 3200 : i32
    %add3A_64 = arith.addi %mul3A_2, %add3A_63 : i32
    %dma_start3A_65 = tpu.memref_slice %arg3[%add3A_64] : memref<819200xi32, #tpu.memory_space<hbm>> -> memref<800xi32, #tpu.memory_space<hbm>>
    %dma_start3A_66 = tpu.memref_slice %arg3[%add3A_64] : memref<819200xi32, #tpu.memory_space<hbm>> -> memref<800xi32, #tpu.memory_space<hbm>>
    tpu.enqueue_dma source(%dma_start3A_66 : memref<800xi32, #tpu.memory_space<hbm>>) target(%arg5 : memref<800xi32, #tpu.memory_space<vmem>>) target_semaphore(%arg9 : memref<!tpu.dma_semaphore, #tpu.memory_space<semaphore_mem>>)
    %dma_wait3A_67 = tpu.memref_slice %arg3[%add3A_42] : memref<819200xi32, #tpu.memory_space<hbm>> -> memref<800xi32, #tpu.memory_space<hbm>>
    %dma_wait3A_68 = tpu.memref_slice %arg3[%add3A_42] : memref<819200xi32, #tpu.memory_space<hbm>> -> memref<800xi32, #tpu.memory_space<hbm>>
    tpu.wait_dma2 semaphore(%arg10 : memref<!tpu.dma_semaphore, #tpu.memory_space<semaphore_mem>>) src(%dma_wait3A_68 : memref<800xi32, #tpu.memory_space<hbm>>) dst(%arg6 : memref<800xi32, #tpu.memory_space<vmem>>)
    %dma_wait3A_69 = arith.constant 0 : i32
    %dma_wait3A_70 = tpu.memref_slice %arg4[%add3A_36, %dma_wait3A_69] : memref<819200x64xf32, #tpu.memory_space<hbm>> -> memref<800x64xf32, #tpu.memory_space<hbm>>
    %dma_wait3A_71 = arith.constant 0 : i32
    %dma_wait3A_72 = tpu.memref_slice %arg4[%add3A_36, %dma_wait3A_71] : memref<819200x64xf32, #tpu.memory_space<hbm>> -> memref<800x64xf32, #tpu.memory_space<hbm>>
    tpu.wait_dma2 semaphore(%arg14 : memref<!tpu.dma_semaphore, #tpu.memory_space<semaphore_mem>>) src(%arg8 : memref<800x64xf32, #tpu.memory_space<vmem>>) dst(%dma_wait3A_72 : memref<800x64xf32, #tpu.memory_space<hbm>>)
    %dma_start3A_73 = arith.constant 0 : i32
    %dma_start3A_74 = arith.constant 0 : i32
    %dma_start3A_75 = tpu.memref_slice %arg2[%dma_start3A_73, %dma_start3A_74] : memref<1000000x64xf32, #tpu.memory_space<hbm>> -> memref<1000000x64xf32, #tpu.memory_space<hbm>>
    tpu.enqueue_indirect_dma source(%dma_start3A_75 : memref<1000000x64xf32, #tpu.memory_space<hbm>>) target(%arg8 : memref<800x64xf32, #tpu.memory_space<vmem>>) offsets(%arg6 : memref<800xi32, #tpu.memory_space<vmem>>) semaphore(%arg12 : memref<!tpu.dma_semaphore, #tpu.memory_space<semaphore_mem>>)
    %dma_wait3A_76 = arith.constant 0 : i32
    %dma_wait3A_77 = arith.constant 0 : i32
    %dma_wait3A_78 = tpu.memref_slice %arg2[%dma_wait3A_76, %dma_wait3A_77] : memref<1000000x64xf32, #tpu.memory_space<hbm>> -> memref<1000000x64xf32, #tpu.memory_space<hbm>>
    tpu.wait_indirect_dma semaphore(%arg12 : memref<!tpu.dma_semaphore, #tpu.memory_space<semaphore_mem>>) src(%dma_wait3A_78 : memref<1000000x64xf32, #tpu.memory_space<hbm>>) dst(%arg8 : memref<800x64xf32, #tpu.memory_space<vmem>>)
    %add3A_79 = arith.constant 2400 : i32
    %add3A_80 = arith.addi %mul3A_2, %add3A_79 : i32
    %dma_start3A_81 = arith.constant 0 : i32
    %dma_start3A_82 = tpu.memref_slice %arg4[%add3A_80, %dma_start3A_81] : memref<819200x64xf32, #tpu.memory_space<hbm>> -> memref<800x64xf32, #tpu.memory_space<hbm>>
    %dma_start3A_83 = arith.constant 0 : i32
    %dma_start3A_84 = tpu.memref_slice %arg4[%add3A_80, %dma_start3A_83] : memref<819200x64xf32, #tpu.memory_space<hbm>> -> memref<800x64xf32, #tpu.memory_space<hbm>>
    tpu.enqueue_dma source(%arg8 : memref<800x64xf32, #tpu.memory_space<vmem>>) target(%dma_start3A_84 : memref<800x64xf32, #tpu.memory_space<hbm>>) target_semaphore(%arg14 : memref<!tpu.dma_semaphore, #tpu.memory_space<semaphore_mem>>)
    %add3A_85 = arith.constant 4000 : i32
    %add3A_86 = arith.addi %mul3A_2, %add3A_85 : i32
    %dma_start3A_87 = tpu.memref_slice %arg3[%add3A_86] : memref<819200xi32, #tpu.memory_space<hbm>> -> memref<800xi32, #tpu.memory_space<hbm>>
    %dma_start3A_88 = tpu.memref_slice %arg3[%add3A_86] : memref<819200xi32, #tpu.memory_space<hbm>> -> memref<800xi32, #tpu.memory_space<hbm>>
    tpu.enqueue_dma source(%dma_start3A_88 : memref<800xi32, #tpu.memory_space<hbm>>) target(%arg6 : memref<800xi32, #tpu.memory_space<vmem>>) target_semaphore(%arg10 : memref<!tpu.dma_semaphore, #tpu.memory_space<semaphore_mem>>)
    %dma_wait3A_89 = tpu.memref_slice %arg3[%add3A_64] : memref<819200xi32, #tpu.memory_space<hbm>> -> memref<800xi32, #tpu.memory_space<hbm>>
    %dma_wait3A_90 = tpu.memref_slice %arg3[%add3A_64] : memref<819200xi32, #tpu.memory_space<hbm>> -> memref<800xi32, #tpu.memory_space<hbm>>
    tpu.wait_dma2 semaphore(%arg9 : memref<!tpu.dma_semaphore, #tpu.memory_space<semaphore_mem>>) src(%dma_wait3A_90 : memref<800xi32, #tpu.memory_space<hbm>>) dst(%arg5 : memref<800xi32, #tpu.memory_space<vmem>>)
    %dma_wait3A_91 = arith.constant 0 : i32
    %dma_wait3A_92 = tpu.memref_slice %arg4[%add3A_58, %dma_wait3A_91] : memref<819200x64xf32, #tpu.memory_space<hbm>> -> memref<800x64xf32, #tpu.memory_space<hbm>>
    %dma_wait3A_93 = arith.constant 0 : i32
    %dma_wait3A_94 = tpu.memref_slice %arg4[%add3A_58, %dma_wait3A_93] : memref<819200x64xf32, #tpu.memory_space<hbm>> -> memref<800x64xf32, #tpu.memory_space<hbm>>
    tpu.wait_dma2 semaphore(%arg13 : memref<!tpu.dma_semaphore, #tpu.memory_space<semaphore_mem>>) src(%arg7 : memref<800x64xf32, #tpu.memory_space<vmem>>) dst(%dma_wait3A_94 : memref<800x64xf32, #tpu.memory_space<hbm>>)
    %dma_start3A_95 = arith.constant 0 : i32
    %dma_start3A_96 = arith.constant 0 : i32
    %dma_start3A_97 = tpu.memref_slice %arg2[%dma_start3A_95, %dma_start3A_96] : memref<1000000x64xf32, #tpu.memory_space<hbm>> -> memref<1000000x64xf32, #tpu.memory_space<hbm>>
    tpu.enqueue_indirect_dma source(%dma_start3A_97 : memref<1000000x64xf32, #tpu.memory_space<hbm>>) target(%arg7 : memref<800x64xf32, #tpu.memory_space<vmem>>) offsets(%arg5 : memref<800xi32, #tpu.memory_space<vmem>>) semaphore(%arg11 : memref<!tpu.dma_semaphore, #tpu.memory_space<semaphore_mem>>)
    %dma_wait3A_98 = arith.constant 0 : i32
    %dma_wait3A_99 = arith.constant 0 : i32
    %dma_wait3A_100 = tpu.memref_slice %arg2[%dma_wait3A_98, %dma_wait3A_99] : memref<1000000x64xf32, #tpu.memory_space<hbm>> -> memref<1000000x64xf32, #tpu.memory_space<hbm>>
    tpu.wait_indirect_dma semaphore(%arg11 : memref<!tpu.dma_semaphore, #tpu.memory_space<semaphore_mem>>) src(%dma_wait3A_100 : memref<1000000x64xf32, #tpu.memory_space<hbm>>) dst(%arg7 : memref<800x64xf32, #tpu.memory_space<vmem>>)
    %add3A_101 = arith.constant 3200 : i32
    %add3A_102 = arith.addi %mul3A_2, %add3A_101 : i32
    %dma_start3A_103 = arith.constant 0 : i32
    %dma_start3A_104 = tpu.memref_slice %arg4[%add3A_102, %dma_start3A_103] : memref<819200x64xf32, #tpu.memory_space<hbm>> -> memref<800x64xf32, #tpu.memory_space<hbm>>
    %dma_start3A_105 = arith.constant 0 : i32
    %dma_start3A_106 = tpu.memref_slice %arg4[%add3A_102, %dma_start3A_105] : memref<819200x64xf32, #tpu.memory_space<hbm>> -> memref<800x64xf32, #tpu.memory_space<hbm>>
    tpu.enqueue_dma source(%arg7 : memref<800x64xf32, #tpu.memory_space<vmem>>) target(%dma_start3A_106 : memref<800x64xf32, #tpu.memory_space<hbm>>) target_semaphore(%arg13 : memref<!tpu.dma_semaphore, #tpu.memory_space<semaphore_mem>>)
    %add3A_107 = arith.constant 4800 : i32
    %add3A_108 = arith.addi %mul3A_2, %add3A_107 : i32
    %dma_start3A_109 = tpu.memref_slice %arg3[%add3A_108] : memref<819200xi32, #tpu.memory_space<hbm>> -> memref<800xi32, #tpu.memory_space<hbm>>
    %dma_start3A_110 = tpu.memref_slice %arg3[%add3A_108] : memref<819200xi32, #tpu.memory_space<hbm>> -> memref<800xi32, #tpu.memory_space<hbm>>
    tpu.enqueue_dma source(%dma_start3A_110 : memref<800xi32, #tpu.memory_space<hbm>>) target(%arg5 : memref<800xi32, #tpu.memory_space<vmem>>) target_semaphore(%arg9 : memref<!tpu.dma_semaphore, #tpu.memory_space<semaphore_mem>>)
    %dma_wait3A_111 = tpu.memref_slice %arg3[%add3A_86] : memref<819200xi32, #tpu.memory_space<hbm>> -> memref<800xi32, #tpu.memory_space<hbm>>
    %dma_wait3A_112 = tpu.memref_slice %arg3[%add3A_86] : memref<819200xi32, #tpu.memory_space<hbm>> -> memref<800xi32, #tpu.memory_space<hbm>>
    tpu.wait_dma2 semaphore(%arg10 : memref<!tpu.dma_semaphore, #tpu.memory_space<semaphore_mem>>) src(%dma_wait3A_112 : memref<800xi32, #tpu.memory_space<hbm>>) dst(%arg6 : memref<800xi32, #tpu.memory_space<vmem>>)
    %dma_wait3A_113 = arith.constant 0 : i32
    %dma_wait3A_114 = tpu.memref_slice %arg4[%add3A_80, %dma_wait3A_113] : memref<819200x64xf32, #tpu.memory_space<hbm>> -> memref<800x64xf32, #tpu.memory_space<hbm>>
    %dma_wait3A_115 = arith.constant 0 : i32
    %dma_wait3A_116 = tpu.memref_slice %arg4[%add3A_80, %dma_wait3A_115] : memref<819200x64xf32, #tpu.memory_space<hbm>> -> memref<800x64xf32, #tpu.memory_space<hbm>>
    tpu.wait_dma2 semaphore(%arg14 : memref<!tpu.dma_semaphore, #tpu.memory_space<semaphore_mem>>) src(%arg8 : memref<800x64xf32, #tpu.memory_space<vmem>>) dst(%dma_wait3A_116 : memref<800x64xf32, #tpu.memory_space<hbm>>)
    %dma_start3A_117 = arith.constant 0 : i32
    %dma_start3A_118 = arith.constant 0 : i32
    %dma_start3A_119 = tpu.memref_slice %arg2[%dma_start3A_117, %dma_start3A_118] : memref<1000000x64xf32, #tpu.memory_space<hbm>> -> memref<1000000x64xf32, #tpu.memory_space<hbm>>
    tpu.enqueue_indirect_dma source(%dma_start3A_119 : memref<1000000x64xf32, #tpu.memory_space<hbm>>) target(%arg8 : memref<800x64xf32, #tpu.memory_space<vmem>>) offsets(%arg6 : memref<800xi32, #tpu.memory_space<vmem>>) semaphore(%arg12 : memref<!tpu.dma_semaphore, #tpu.memory_space<semaphore_mem>>)
    %dma_wait3A_120 = arith.constant 0 : i32
    %dma_wait3A_121 = arith.constant 0 : i32
    %dma_wait3A_122 = tpu.memref_slice %arg2[%dma_wait3A_120, %dma_wait3A_121] : memref<1000000x64xf32, #tpu.memory_space<hbm>> -> memref<1000000x64xf32, #tpu.memory_space<hbm>>
    tpu.wait_indirect_dma semaphore(%arg12 : memref<!tpu.dma_semaphore, #tpu.memory_space<semaphore_mem>>) src(%dma_wait3A_122 : memref<1000000x64xf32, #tpu.memory_space<hbm>>) dst(%arg8 : memref<800x64xf32, #tpu.memory_space<vmem>>)
    %add3A_123 = arith.constant 4000 : i32
    %add3A_124 = arith.addi %mul3A_2, %add3A_123 : i32
    %dma_start3A_125 = arith.constant 0 : i32
    %dma_start3A_126 = tpu.memref_slice %arg4[%add3A_124, %dma_start3A_125] : memref<819200x64xf32, #tpu.memory_space<hbm>> -> memref<800x64xf32, #tpu.memory_space<hbm>>
    %dma_start3A_127 = arith.constant 0 : i32
    %dma_start3A_128 = tpu.memref_slice %arg4[%add3A_124, %dma_start3A_127] : memref<819200x64xf32, #tpu.memory_space<hbm>> -> memref<800x64xf32, #tpu.memory_space<hbm>>
    tpu.enqueue_dma source(%arg8 : memref<800x64xf32, #tpu.memory_space<vmem>>) target(%dma_start3A_128 : memref<800x64xf32, #tpu.memory_space<hbm>>) target_semaphore(%arg14 : memref<!tpu.dma_semaphore, #tpu.memory_space<semaphore_mem>>)
    %add3A_129 = arith.constant 5600 : i32
    %add3A_130 = arith.addi %mul3A_2, %add3A_129 : i32
    %dma_start3A_131 = tpu.memref_slice %arg3[%add3A_130] : memref<819200xi32, #tpu.memory_space<hbm>> -> memref<800xi32, #tpu.memory_space<hbm>>
    %dma_start3A_132 = tpu.memref_slice %arg3[%add3A_130] : memref<819200xi32, #tpu.memory_space<hbm>> -> memref<800xi32, #tpu.memory_space<hbm>>
    tpu.enqueue_dma source(%dma_start3A_132 : memref<800xi32, #tpu.memory_space<hbm>>) target(%arg6 : memref<800xi32, #tpu.memory_space<vmem>>) target_semaphore(%arg10 : memref<!tpu.dma_semaphore, #tpu.memory_space<semaphore_mem>>)
    %dma_wait3A_133 = tpu.memref_slice %arg3[%add3A_108] : memref<819200xi32, #tpu.memory_space<hbm>> -> memref<800xi32, #tpu.memory_space<hbm>>
    %dma_wait3A_134 = tpu.memref_slice %arg3[%add3A_108] : memref<819200xi32, #tpu.memory_space<hbm>> -> memref<800xi32, #tpu.memory_space<hbm>>
    tpu.wait_dma2 semaphore(%arg9 : memref<!tpu.dma_semaphore, #tpu.memory_space<semaphore_mem>>) src(%dma_wait3A_134 : memref<800xi32, #tpu.memory_space<hbm>>) dst(%arg5 : memref<800xi32, #tpu.memory_space<vmem>>)
    %dma_wait3A_135 = arith.constant 0 : i32
    %dma_wait3A_136 = tpu.memref_slice %arg4[%add3A_102, %dma_wait3A_135] : memref<819200x64xf32, #tpu.memory_space<hbm>> -> memref<800x64xf32, #tpu.memory_space<hbm>>
    %dma_wait3A_137 = arith.constant 0 : i32
    %dma_wait3A_138 = tpu.memref_slice %arg4[%add3A_102, %dma_wait3A_137] : memref<819200x64xf32, #tpu.memory_space<hbm>> -> memref<800x64xf32, #tpu.memory_space<hbm>>
    tpu.wait_dma2 semaphore(%arg13 : memref<!tpu.dma_semaphore, #tpu.memory_space<semaphore_mem>>) src(%arg7 : memref<800x64xf32, #tpu.memory_space<vmem>>) dst(%dma_wait3A_138 : memref<800x64xf32, #tpu.memory_space<hbm>>)
    %dma_start3A_139 = arith.constant 0 : i32
    %dma_start3A_140 = arith.constant 0 : i32
    %dma_start3A_141 = tpu.memref_slice %arg2[%dma_start3A_139, %dma_start3A_140] : memref<1000000x64xf32, #tpu.memory_space<hbm>> -> memref<1000000x64xf32, #tpu.memory_space<hbm>>
    tpu.enqueue_indirect_dma source(%dma_start3A_141 : memref<1000000x64xf32, #tpu.memory_space<hbm>>) target(%arg7 : memref<800x64xf32, #tpu.memory_space<vmem>>) offsets(%arg5 : memref<800xi32, #tpu.memory_space<vmem>>) semaphore(%arg11 : memref<!tpu.dma_semaphore, #tpu.memory_space<semaphore_mem>>)
    %dma_wait3A_142 = arith.constant 0 : i32
    %dma_wait3A_143 = arith.constant 0 : i32
    %dma_wait3A_144 = tpu.memref_slice %arg2[%dma_wait3A_142, %dma_wait3A_143] : memref<1000000x64xf32, #tpu.memory_space<hbm>> -> memref<1000000x64xf32, #tpu.memory_space<hbm>>
    tpu.wait_indirect_dma semaphore(%arg11 : memref<!tpu.dma_semaphore, #tpu.memory_space<semaphore_mem>>) src(%dma_wait3A_144 : memref<1000000x64xf32, #tpu.memory_space<hbm>>) dst(%arg7 : memref<800x64xf32, #tpu.memory_space<vmem>>)
    %add3A_145 = arith.constant 4800 : i32
    %add3A_146 = arith.addi %mul3A_2, %add3A_145 : i32
    %dma_start3A_147 = arith.constant 0 : i32
    %dma_start3A_148 = tpu.memref_slice %arg4[%add3A_146, %dma_start3A_147] : memref<819200x64xf32, #tpu.memory_space<hbm>> -> memref<800x64xf32, #tpu.memory_space<hbm>>
    %dma_start3A_149 = arith.constant 0 : i32
    %dma_start3A_150 = tpu.memref_slice %arg4[%add3A_146, %dma_start3A_149] : memref<819200x64xf32, #tpu.memory_space<hbm>> -> memref<800x64xf32, #tpu.memory_space<hbm>>
    tpu.enqueue_dma source(%arg7 : memref<800x64xf32, #tpu.memory_space<vmem>>) target(%dma_start3A_150 : memref<800x64xf32, #tpu.memory_space<hbm>>) target_semaphore(%arg13 : memref<!tpu.dma_semaphore, #tpu.memory_space<semaphore_mem>>)
    %add3A_151 = arith.constant 6400 : i32
    %add3A_152 = arith.addi %mul3A_2, %add3A_151 : i32
    %dma_start3A_153 = tpu.memref_slice %arg3[%add3A_152] : memref<819200xi32, #tpu.memory_space<hbm>> -> memref<800xi32, #tpu.memory_space<hbm>>
    %dma_start3A_154 = tpu.memref_slice %arg3[%add3A_152] : memref<819200xi32, #tpu.memory_space<hbm>> -> memref<800xi32, #tpu.memory_space<hbm>>
    tpu.enqueue_dma source(%dma_start3A_154 : memref<800xi32, #tpu.memory_space<hbm>>) target(%arg5 : memref<800xi32, #tpu.memory_space<vmem>>) target_semaphore(%arg9 : memref<!tpu.dma_semaphore, #tpu.memory_space<semaphore_mem>>)
    %dma_wait3A_155 = tpu.memref_slice %arg3[%add3A_130] : memref<819200xi32, #tpu.memory_space<hbm>> -> memref<800xi32, #tpu.memory_space<hbm>>
    %dma_wait3A_156 = tpu.memref_slice %arg3[%add3A_130] : memref<819200xi32, #tpu.memory_space<hbm>> -> memref<800xi32, #tpu.memory_space<hbm>>
    tpu.wait_dma2 semaphore(%arg10 : memref<!tpu.dma_semaphore, #tpu.memory_space<semaphore_mem>>) src(%dma_wait3A_156 : memref<800xi32, #tpu.memory_space<hbm>>) dst(%arg6 : memref<800xi32, #tpu.memory_space<vmem>>)
    %dma_wait3A_157 = arith.constant 0 : i32
    %dma_wait3A_158 = tpu.memref_slice %arg4[%add3A_124, %dma_wait3A_157] : memref<819200x64xf32, #tpu.memory_space<hbm>> -> memref<800x64xf32, #tpu.memory_space<hbm>>
    %dma_wait3A_159 = arith.constant 0 : i32
    %dma_wait3A_160 = tpu.memref_slice %arg4[%add3A_124, %dma_wait3A_159] : memref<819200x64xf32, #tpu.memory_space<hbm>> -> memref<800x64xf32, #tpu.memory_space<hbm>>
    tpu.wait_dma2 semaphore(%arg14 : memref<!tpu.dma_semaphore, #tpu.memory_space<semaphore_mem>>) src(%arg8 : memref<800x64xf32, #tpu.memory_space<vmem>>) dst(%dma_wait3A_160 : memref<800x64xf32, #tpu.memory_space<hbm>>)
    %dma_start3A_161 = arith.constant 0 : i32
    %dma_start3A_162 = arith.constant 0 : i32
    %dma_start3A_163 = tpu.memref_slice %arg2[%dma_start3A_161, %dma_start3A_162] : memref<1000000x64xf32, #tpu.memory_space<hbm>> -> memref<1000000x64xf32, #tpu.memory_space<hbm>>
    tpu.enqueue_indirect_dma source(%dma_start3A_163 : memref<1000000x64xf32, #tpu.memory_space<hbm>>) target(%arg8 : memref<800x64xf32, #tpu.memory_space<vmem>>) offsets(%arg6 : memref<800xi32, #tpu.memory_space<vmem>>) semaphore(%arg12 : memref<!tpu.dma_semaphore, #tpu.memory_space<semaphore_mem>>)
    %dma_wait3A_164 = arith.constant 0 : i32
    %dma_wait3A_165 = arith.constant 0 : i32
    %dma_wait3A_166 = tpu.memref_slice %arg2[%dma_wait3A_164, %dma_wait3A_165] : memref<1000000x64xf32, #tpu.memory_space<hbm>> -> memref<1000000x64xf32, #tpu.memory_space<hbm>>
    tpu.wait_indirect_dma semaphore(%arg12 : memref<!tpu.dma_semaphore, #tpu.memory_space<semaphore_mem>>) src(%dma_wait3A_166 : memref<1000000x64xf32, #tpu.memory_space<hbm>>) dst(%arg8 : memref<800x64xf32, #tpu.memory_space<vmem>>)
    %add3A_167 = arith.constant 5600 : i32
    %add3A_168 = arith.addi %mul3A_2, %add3A_167 : i32
    %dma_start3A_169 = arith.constant 0 : i32
    %dma_start3A_170 = tpu.memref_slice %arg4[%add3A_168, %dma_start3A_169] : memref<819200x64xf32, #tpu.memory_space<hbm>> -> memref<800x64xf32, #tpu.memory_space<hbm>>
    %dma_start3A_171 = arith.constant 0 : i32
    %dma_start3A_172 = tpu.memref_slice %arg4[%add3A_168, %dma_start3A_171] : memref<819200x64xf32, #tpu.memory_space<hbm>> -> memref<800x64xf32, #tpu.memory_space<hbm>>
    tpu.enqueue_dma source(%arg8 : memref<800x64xf32, #tpu.memory_space<vmem>>) target(%dma_start3A_172 : memref<800x64xf32, #tpu.memory_space<hbm>>) target_semaphore(%arg14 : memref<!tpu.dma_semaphore, #tpu.memory_space<semaphore_mem>>)
    %add3A_173 = arith.constant 7200 : i32
    %add3A_174 = arith.addi %mul3A_2, %add3A_173 : i32
    %dma_start3A_175 = tpu.memref_slice %arg3[%add3A_174] : memref<819200xi32, #tpu.memory_space<hbm>> -> memref<800xi32, #tpu.memory_space<hbm>>
    %dma_start3A_176 = tpu.memref_slice %arg3[%add3A_174] : memref<819200xi32, #tpu.memory_space<hbm>> -> memref<800xi32, #tpu.memory_space<hbm>>
    tpu.enqueue_dma source(%dma_start3A_176 : memref<800xi32, #tpu.memory_space<hbm>>) target(%arg6 : memref<800xi32, #tpu.memory_space<vmem>>) target_semaphore(%arg10 : memref<!tpu.dma_semaphore, #tpu.memory_space<semaphore_mem>>)
    %dma_wait3A_177 = tpu.memref_slice %arg3[%add3A_152] : memref<819200xi32, #tpu.memory_space<hbm>> -> memref<800xi32, #tpu.memory_space<hbm>>
    %dma_wait3A_178 = tpu.memref_slice %arg3[%add3A_152] : memref<819200xi32, #tpu.memory_space<hbm>> -> memref<800xi32, #tpu.memory_space<hbm>>
    tpu.wait_dma2 semaphore(%arg9 : memref<!tpu.dma_semaphore, #tpu.memory_space<semaphore_mem>>) src(%dma_wait3A_178 : memref<800xi32, #tpu.memory_space<hbm>>) dst(%arg5 : memref<800xi32, #tpu.memory_space<vmem>>)
    %dma_wait3A_179 = arith.constant 0 : i32
    %dma_wait3A_180 = tpu.memref_slice %arg4[%add3A_146, %dma_wait3A_179] : memref<819200x64xf32, #tpu.memory_space<hbm>> -> memref<800x64xf32, #tpu.memory_space<hbm>>
    %dma_wait3A_181 = arith.constant 0 : i32
    %dma_wait3A_182 = tpu.memref_slice %arg4[%add3A_146, %dma_wait3A_181] : memref<819200x64xf32, #tpu.memory_space<hbm>> -> memref<800x64xf32, #tpu.memory_space<hbm>>
    tpu.wait_dma2 semaphore(%arg13 : memref<!tpu.dma_semaphore, #tpu.memory_space<semaphore_mem>>) src(%arg7 : memref<800x64xf32, #tpu.memory_space<vmem>>) dst(%dma_wait3A_182 : memref<800x64xf32, #tpu.memory_space<hbm>>)
    %dma_start3A_183 = arith.constant 0 : i32
    %dma_start3A_184 = arith.constant 0 : i32
    %dma_start3A_185 = tpu.memref_slice %arg2[%dma_start3A_183, %dma_start3A_184] : memref<1000000x64xf32, #tpu.memory_space<hbm>> -> memref<1000000x64xf32, #tpu.memory_space<hbm>>
    tpu.enqueue_indirect_dma source(%dma_start3A_185 : memref<1000000x64xf32, #tpu.memory_space<hbm>>) target(%arg7 : memref<800x64xf32, #tpu.memory_space<vmem>>) offsets(%arg5 : memref<800xi32, #tpu.memory_space<vmem>>) semaphore(%arg11 : memref<!tpu.dma_semaphore, #tpu.memory_space<semaphore_mem>>)
    %dma_wait3A_186 = arith.constant 0 : i32
    %dma_wait3A_187 = arith.constant 0 : i32
    %dma_wait3A_188 = tpu.memref_slice %arg2[%dma_wait3A_186, %dma_wait3A_187] : memref<1000000x64xf32, #tpu.memory_space<hbm>> -> memref<1000000x64xf32, #tpu.memory_space<hbm>>
    tpu.wait_indirect_dma semaphore(%arg11 : memref<!tpu.dma_semaphore, #tpu.memory_space<semaphore_mem>>) src(%dma_wait3A_188 : memref<1000000x64xf32, #tpu.memory_space<hbm>>) dst(%arg7 : memref<800x64xf32, #tpu.memory_space<vmem>>)
    %add3A_189 = arith.constant 6400 : i32
    %add3A_190 = arith.addi %mul3A_2, %add3A_189 : i32
    %dma_start3A_191 = arith.constant 0 : i32
    %dma_start3A_192 = tpu.memref_slice %arg4[%add3A_190, %dma_start3A_191] : memref<819200x64xf32, #tpu.memory_space<hbm>> -> memref<800x64xf32, #tpu.memory_space<hbm>>
    %dma_start3A_193 = arith.constant 0 : i32
    %dma_start3A_194 = tpu.memref_slice %arg4[%add3A_190, %dma_start3A_193] : memref<819200x64xf32, #tpu.memory_space<hbm>> -> memref<800x64xf32, #tpu.memory_space<hbm>>
    tpu.enqueue_dma source(%arg7 : memref<800x64xf32, #tpu.memory_space<vmem>>) target(%dma_start3A_194 : memref<800x64xf32, #tpu.memory_space<hbm>>) target_semaphore(%arg13 : memref<!tpu.dma_semaphore, #tpu.memory_space<semaphore_mem>>)
    %add3A_195 = arith.constant 8000 : i32
    %add3A_196 = arith.addi %mul3A_2, %add3A_195 : i32
    %dma_start3A_197 = tpu.memref_slice %arg3[%add3A_196] : memref<819200xi32, #tpu.memory_space<hbm>> -> memref<800xi32, #tpu.memory_space<hbm>>
    %dma_start3A_198 = tpu.memref_slice %arg3[%add3A_196] : memref<819200xi32, #tpu.memory_space<hbm>> -> memref<800xi32, #tpu.memory_space<hbm>>
    tpu.enqueue_dma source(%dma_start3A_198 : memref<800xi32, #tpu.memory_space<hbm>>) target(%arg5 : memref<800xi32, #tpu.memory_space<vmem>>) target_semaphore(%arg9 : memref<!tpu.dma_semaphore, #tpu.memory_space<semaphore_mem>>)
    %dma_wait3A_199 = tpu.memref_slice %arg3[%add3A_174] : memref<819200xi32, #tpu.memory_space<hbm>> -> memref<800xi32, #tpu.memory_space<hbm>>
    %dma_wait3A_200 = tpu.memref_slice %arg3[%add3A_174] : memref<819200xi32, #tpu.memory_space<hbm>> -> memref<800xi32, #tpu.memory_space<hbm>>
    tpu.wait_dma2 semaphore(%arg10 : memref<!tpu.dma_semaphore, #tpu.memory_space<semaphore_mem>>) src(%dma_wait3A_200 : memref<800xi32, #tpu.memory_space<hbm>>) dst(%arg6 : memref<800xi32, #tpu.memory_space<vmem>>)
    %dma_wait3A_201 = arith.constant 0 : i32
    %dma_wait3A_202 = tpu.memref_slice %arg4[%add3A_168, %dma_wait3A_201] : memref<819200x64xf32, #tpu.memory_space<hbm>> -> memref<800x64xf32, #tpu.memory_space<hbm>>
    %dma_wait3A_203 = arith.constant 0 : i32
    %dma_wait3A_204 = tpu.memref_slice %arg4[%add3A_168, %dma_wait3A_203] : memref<819200x64xf32, #tpu.memory_space<hbm>> -> memref<800x64xf32, #tpu.memory_space<hbm>>
    tpu.wait_dma2 semaphore(%arg14 : memref<!tpu.dma_semaphore, #tpu.memory_space<semaphore_mem>>) src(%arg8 : memref<800x64xf32, #tpu.memory_space<vmem>>) dst(%dma_wait3A_204 : memref<800x64xf32, #tpu.memory_space<hbm>>)
    %dma_start3A_205 = arith.constant 0 : i32
    %dma_start3A_206 = arith.constant 0 : i32
    %dma_start3A_207 = tpu.memref_slice %arg2[%dma_start3A_205, %dma_start3A_206] : memref<1000000x64xf32, #tpu.memory_space<hbm>> -> memref<1000000x64xf32, #tpu.memory_space<hbm>>
    tpu.enqueue_indirect_dma source(%dma_start3A_207 : memref<1000000x64xf32, #tpu.memory_space<hbm>>) target(%arg8 : memref<800x64xf32, #tpu.memory_space<vmem>>) offsets(%arg6 : memref<800xi32, #tpu.memory_space<vmem>>) semaphore(%arg12 : memref<!tpu.dma_semaphore, #tpu.memory_space<semaphore_mem>>)
    %dma_wait3A_208 = arith.constant 0 : i32
    %dma_wait3A_209 = arith.constant 0 : i32
    %dma_wait3A_210 = tpu.memref_slice %arg2[%dma_wait3A_208, %dma_wait3A_209] : memref<1000000x64xf32, #tpu.memory_space<hbm>> -> memref<1000000x64xf32, #tpu.memory_space<hbm>>
    tpu.wait_indirect_dma semaphore(%arg12 : memref<!tpu.dma_semaphore, #tpu.memory_space<semaphore_mem>>) src(%dma_wait3A_210 : memref<1000000x64xf32, #tpu.memory_space<hbm>>) dst(%arg8 : memref<800x64xf32, #tpu.memory_space<vmem>>)
    %add3A_211 = arith.constant 7200 : i32
    %add3A_212 = arith.addi %mul3A_2, %add3A_211 : i32
    %dma_start3A_213 = arith.constant 0 : i32
    %dma_start3A_214 = tpu.memref_slice %arg4[%add3A_212, %dma_start3A_213] : memref<819200x64xf32, #tpu.memory_space<hbm>> -> memref<800x64xf32, #tpu.memory_space<hbm>>
    %dma_start3A_215 = arith.constant 0 : i32
    %dma_start3A_216 = tpu.memref_slice %arg4[%add3A_212, %dma_start3A_215] : memref<819200x64xf32, #tpu.memory_space<hbm>> -> memref<800x64xf32, #tpu.memory_space<hbm>>
    tpu.enqueue_dma source(%arg8 : memref<800x64xf32, #tpu.memory_space<vmem>>) target(%dma_start3A_216 : memref<800x64xf32, #tpu.memory_space<hbm>>) target_semaphore(%arg14 : memref<!tpu.dma_semaphore, #tpu.memory_space<semaphore_mem>>)
    %add3A_217 = arith.constant 8800 : i32
    %add3A_218 = arith.addi %mul3A_2, %add3A_217 : i32
    %dma_start3A_219 = tpu.memref_slice %arg3[%add3A_218] : memref<819200xi32, #tpu.memory_space<hbm>> -> memref<800xi32, #tpu.memory_space<hbm>>
    %dma_start3A_220 = tpu.memref_slice %arg3[%add3A_218] : memref<819200xi32, #tpu.memory_space<hbm>> -> memref<800xi32, #tpu.memory_space<hbm>>
    tpu.enqueue_dma source(%dma_start3A_220 : memref<800xi32, #tpu.memory_space<hbm>>) target(%arg6 : memref<800xi32, #tpu.memory_space<vmem>>) target_semaphore(%arg10 : memref<!tpu.dma_semaphore, #tpu.memory_space<semaphore_mem>>)
    %dma_wait3A_221 = tpu.memref_slice %arg3[%add3A_196] : memref<819200xi32, #tpu.memory_space<hbm>> -> memref<800xi32, #tpu.memory_space<hbm>>
    %dma_wait3A_222 = tpu.memref_slice %arg3[%add3A_196] : memref<819200xi32, #tpu.memory_space<hbm>> -> memref<800xi32, #tpu.memory_space<hbm>>
    tpu.wait_dma2 semaphore(%arg9 : memref<!tpu.dma_semaphore, #tpu.memory_space<semaphore_mem>>) src(%dma_wait3A_222 : memref<800xi32, #tpu.memory_space<hbm>>) dst(%arg5 : memref<800xi32, #tpu.memory_space<vmem>>)
    %dma_wait3A_223 = arith.constant 0 : i32
    %dma_wait3A_224 = tpu.memref_slice %arg4[%add3A_190, %dma_wait3A_223] : memref<819200x64xf32, #tpu.memory_space<hbm>> -> memref<800x64xf32, #tpu.memory_space<hbm>>
    %dma_wait3A_225 = arith.constant 0 : i32
    %dma_wait3A_226 = tpu.memref_slice %arg4[%add3A_190, %dma_wait3A_225] : memref<819200x64xf32, #tpu.memory_space<hbm>> -> memref<800x64xf32, #tpu.memory_space<hbm>>
    tpu.wait_dma2 semaphore(%arg13 : memref<!tpu.dma_semaphore, #tpu.memory_space<semaphore_mem>>) src(%arg7 : memref<800x64xf32, #tpu.memory_space<vmem>>) dst(%dma_wait3A_226 : memref<800x64xf32, #tpu.memory_space<hbm>>)
    %dma_start3A_227 = arith.constant 0 : i32
    %dma_start3A_228 = arith.constant 0 : i32
    %dma_start3A_229 = tpu.memref_slice %arg2[%dma_start3A_227, %dma_start3A_228] : memref<1000000x64xf32, #tpu.memory_space<hbm>> -> memref<1000000x64xf32, #tpu.memory_space<hbm>>
    tpu.enqueue_indirect_dma source(%dma_start3A_229 : memref<1000000x64xf32, #tpu.memory_space<hbm>>) target(%arg7 : memref<800x64xf32, #tpu.memory_space<vmem>>) offsets(%arg5 : memref<800xi32, #tpu.memory_space<vmem>>) semaphore(%arg11 : memref<!tpu.dma_semaphore, #tpu.memory_space<semaphore_mem>>)
    %dma_wait3A_230 = arith.constant 0 : i32
    %dma_wait3A_231 = arith.constant 0 : i32
    %dma_wait3A_232 = tpu.memref_slice %arg2[%dma_wait3A_230, %dma_wait3A_231] : memref<1000000x64xf32, #tpu.memory_space<hbm>> -> memref<1000000x64xf32, #tpu.memory_space<hbm>>
    tpu.wait_indirect_dma semaphore(%arg11 : memref<!tpu.dma_semaphore, #tpu.memory_space<semaphore_mem>>) src(%dma_wait3A_232 : memref<1000000x64xf32, #tpu.memory_space<hbm>>) dst(%arg7 : memref<800x64xf32, #tpu.memory_space<vmem>>)
    %add3A_233 = arith.constant 8000 : i32
    %add3A_234 = arith.addi %mul3A_2, %add3A_233 : i32
    %dma_start3A_235 = arith.constant 0 : i32
    %dma_start3A_236 = tpu.memref_slice %arg4[%add3A_234, %dma_start3A_235] : memref<819200x64xf32, #tpu.memory_space<hbm>> -> memref<800x64xf32, #tpu.memory_space<hbm>>
    %dma_start3A_237 = arith.constant 0 : i32
    %dma_start3A_238 = tpu.memref_slice %arg4[%add3A_234, %dma_start3A_237] : memref<819200x64xf32, #tpu.memory_space<hbm>> -> memref<800x64xf32, #tpu.memory_space<hbm>>
    tpu.enqueue_dma source(%arg7 : memref<800x64xf32, #tpu.memory_space<vmem>>) target(%dma_start3A_238 : memref<800x64xf32, #tpu.memory_space<hbm>>) target_semaphore(%arg13 : memref<!tpu.dma_semaphore, #tpu.memory_space<semaphore_mem>>)
    %add3A_239 = arith.constant 9600 : i32
    %add3A_240 = arith.addi %mul3A_2, %add3A_239 : i32
    %dma_start3A_241 = tpu.memref_slice %arg3[%add3A_240] : memref<819200xi32, #tpu.memory_space<hbm>> -> memref<800xi32, #tpu.memory_space<hbm>>
    %dma_start3A_242 = tpu.memref_slice %arg3[%add3A_240] : memref<819200xi32, #tpu.memory_space<hbm>> -> memref<800xi32, #tpu.memory_space<hbm>>
    tpu.enqueue_dma source(%dma_start3A_242 : memref<800xi32, #tpu.memory_space<hbm>>) target(%arg5 : memref<800xi32, #tpu.memory_space<vmem>>) target_semaphore(%arg9 : memref<!tpu.dma_semaphore, #tpu.memory_space<semaphore_mem>>)
    %dma_wait3A_243 = tpu.memref_slice %arg3[%add3A_218] : memref<819200xi32, #tpu.memory_space<hbm>> -> memref<800xi32, #tpu.memory_space<hbm>>
    %dma_wait3A_244 = tpu.memref_slice %arg3[%add3A_218] : memref<819200xi32, #tpu.memory_space<hbm>> -> memref<800xi32, #tpu.memory_space<hbm>>
    tpu.wait_dma2 semaphore(%arg10 : memref<!tpu.dma_semaphore, #tpu.memory_space<semaphore_mem>>) src(%dma_wait3A_244 : memref<800xi32, #tpu.memory_space<hbm>>) dst(%arg6 : memref<800xi32, #tpu.memory_space<vmem>>)
    %dma_wait3A_245 = arith.constant 0 : i32
    %dma_wait3A_246 = tpu.memref_slice %arg4[%add3A_212, %dma_wait3A_245] : memref<819200x64xf32, #tpu.memory_space<hbm>> -> memref<800x64xf32, #tpu.memory_space<hbm>>
    %dma_wait3A_247 = arith.constant 0 : i32
    %dma_wait3A_248 = tpu.memref_slice %arg4[%add3A_212, %dma_wait3A_247] : memref<819200x64xf32, #tpu.memory_space<hbm>> -> memref<800x64xf32, #tpu.memory_space<hbm>>
    tpu.wait_dma2 semaphore(%arg14 : memref<!tpu.dma_semaphore, #tpu.memory_space<semaphore_mem>>) src(%arg8 : memref<800x64xf32, #tpu.memory_space<vmem>>) dst(%dma_wait3A_248 : memref<800x64xf32, #tpu.memory_space<hbm>>)
    %dma_start3A_249 = arith.constant 0 : i32
    %dma_start3A_250 = arith.constant 0 : i32
    %dma_start3A_251 = tpu.memref_slice %arg2[%dma_start3A_249, %dma_start3A_250] : memref<1000000x64xf32, #tpu.memory_space<hbm>> -> memref<1000000x64xf32, #tpu.memory_space<hbm>>
    tpu.enqueue_indirect_dma source(%dma_start3A_251 : memref<1000000x64xf32, #tpu.memory_space<hbm>>) target(%arg8 : memref<800x64xf32, #tpu.memory_space<vmem>>) offsets(%arg6 : memref<800xi32, #tpu.memory_space<vmem>>) semaphore(%arg12 : memref<!tpu.dma_semaphore, #tpu.memory_space<semaphore_mem>>)
    %dma_wait3A_252 = arith.constant 0 : i32
    %dma_wait3A_253 = arith.constant 0 : i32
    %dma_wait3A_254 = tpu.memref_slice %arg2[%dma_wait3A_252, %dma_wait3A_253] : memref<1000000x64xf32, #tpu.memory_space<hbm>> -> memref<1000000x64xf32, #tpu.memory_space<hbm>>
    tpu.wait_indirect_dma semaphore(%arg12 : memref<!tpu.dma_semaphore, #tpu.memory_space<semaphore_mem>>) src(%dma_wait3A_254 : memref<1000000x64xf32, #tpu.memory_space<hbm>>) dst(%arg8 : memref<800x64xf32, #tpu.memory_space<vmem>>)
    %add3A_255 = arith.constant 8800 : i32
    %add3A_256 = arith.addi %mul3A_2, %add3A_255 : i32
    %dma_start3A_257 = arith.constant 0 : i32
    %dma_start3A_258 = tpu.memref_slice %arg4[%add3A_256, %dma_start3A_257] : memref<819200x64xf32, #tpu.memory_space<hbm>> -> memref<800x64xf32, #tpu.memory_space<hbm>>
    %dma_start3A_259 = arith.constant 0 : i32
    %dma_start3A_260 = tpu.memref_slice %arg4[%add3A_256, %dma_start3A_259] : memref<819200x64xf32, #tpu.memory_space<hbm>> -> memref<800x64xf32, #tpu.memory_space<hbm>>
    tpu.enqueue_dma source(%arg8 : memref<800x64xf32, #tpu.memory_space<vmem>>) target(%dma_start3A_260 : memref<800x64xf32, #tpu.memory_space<hbm>>) target_semaphore(%arg14 : memref<!tpu.dma_semaphore, #tpu.memory_space<semaphore_mem>>)
    %add3A_261 = arith.constant 10400 : i32
    %add3A_262 = arith.addi %mul3A_2, %add3A_261 : i32
    %dma_start3A_263 = tpu.memref_slice %arg3[%add3A_262] : memref<819200xi32, #tpu.memory_space<hbm>> -> memref<800xi32, #tpu.memory_space<hbm>>
    %dma_start3A_264 = tpu.memref_slice %arg3[%add3A_262] : memref<819200xi32, #tpu.memory_space<hbm>> -> memref<800xi32, #tpu.memory_space<hbm>>
    tpu.enqueue_dma source(%dma_start3A_264 : memref<800xi32, #tpu.memory_space<hbm>>) target(%arg6 : memref<800xi32, #tpu.memory_space<vmem>>) target_semaphore(%arg10 : memref<!tpu.dma_semaphore, #tpu.memory_space<semaphore_mem>>)
    %dma_wait3A_265 = tpu.memref_slice %arg3[%add3A_240] : memref<819200xi32, #tpu.memory_space<hbm>> -> memref<800xi32, #tpu.memory_space<hbm>>
    %dma_wait3A_266 = tpu.memref_slice %arg3[%add3A_240] : memref<819200xi32, #tpu.memory_space<hbm>> -> memref<800xi32, #tpu.memory_space<hbm>>
    tpu.wait_dma2 semaphore(%arg9 : memref<!tpu.dma_semaphore, #tpu.memory_space<semaphore_mem>>) src(%dma_wait3A_266 : memref<800xi32, #tpu.memory_space<hbm>>) dst(%arg5 : memref<800xi32, #tpu.memory_space<vmem>>)
    %dma_wait3A_267 = arith.constant 0 : i32
    %dma_wait3A_268 = tpu.memref_slice %arg4[%add3A_234, %dma_wait3A_267] : memref<819200x64xf32, #tpu.memory_space<hbm>> -> memref<800x64xf32, #tpu.memory_space<hbm>>
    %dma_wait3A_269 = arith.constant 0 : i32
    %dma_wait3A_270 = tpu.memref_slice %arg4[%add3A_234, %dma_wait3A_269] : memref<819200x64xf32, #tpu.memory_space<hbm>> -> memref<800x64xf32, #tpu.memory_space<hbm>>
    tpu.wait_dma2 semaphore(%arg13 : memref<!tpu.dma_semaphore, #tpu.memory_space<semaphore_mem>>) src(%arg7 : memref<800x64xf32, #tpu.memory_space<vmem>>) dst(%dma_wait3A_270 : memref<800x64xf32, #tpu.memory_space<hbm>>)
    %dma_start3A_271 = arith.constant 0 : i32
    %dma_start3A_272 = arith.constant 0 : i32
    %dma_start3A_273 = tpu.memref_slice %arg2[%dma_start3A_271, %dma_start3A_272] : memref<1000000x64xf32, #tpu.memory_space<hbm>> -> memref<1000000x64xf32, #tpu.memory_space<hbm>>
    tpu.enqueue_indirect_dma source(%dma_start3A_273 : memref<1000000x64xf32, #tpu.memory_space<hbm>>) target(%arg7 : memref<800x64xf32, #tpu.memory_space<vmem>>) offsets(%arg5 : memref<800xi32, #tpu.memory_space<vmem>>) semaphore(%arg11 : memref<!tpu.dma_semaphore, #tpu.memory_space<semaphore_mem>>)
    %dma_wait3A_274 = arith.constant 0 : i32
    %dma_wait3A_275 = arith.constant 0 : i32
    %dma_wait3A_276 = tpu.memref_slice %arg2[%dma_wait3A_274, %dma_wait3A_275] : memref<1000000x64xf32, #tpu.memory_space<hbm>> -> memref<1000000x64xf32, #tpu.memory_space<hbm>>
    tpu.wait_indirect_dma semaphore(%arg11 : memref<!tpu.dma_semaphore, #tpu.memory_space<semaphore_mem>>) src(%dma_wait3A_276 : memref<1000000x64xf32, #tpu.memory_space<hbm>>) dst(%arg7 : memref<800x64xf32, #tpu.memory_space<vmem>>)
    %add3A_277 = arith.constant 9600 : i32
    %add3A_278 = arith.addi %mul3A_2, %add3A_277 : i32
    %dma_start3A_279 = arith.constant 0 : i32
    %dma_start3A_280 = tpu.memref_slice %arg4[%add3A_278, %dma_start3A_279] : memref<819200x64xf32, #tpu.memory_space<hbm>> -> memref<800x64xf32, #tpu.memory_space<hbm>>
    %dma_start3A_281 = arith.constant 0 : i32
    %dma_start3A_282 = tpu.memref_slice %arg4[%add3A_278, %dma_start3A_281] : memref<819200x64xf32, #tpu.memory_space<hbm>> -> memref<800x64xf32, #tpu.memory_space<hbm>>
    tpu.enqueue_dma source(%arg7 : memref<800x64xf32, #tpu.memory_space<vmem>>) target(%dma_start3A_282 : memref<800x64xf32, #tpu.memory_space<hbm>>) target_semaphore(%arg13 : memref<!tpu.dma_semaphore, #tpu.memory_space<semaphore_mem>>)
    %add3A_283 = arith.constant 11200 : i32
    %add3A_284 = arith.addi %mul3A_2, %add3A_283 : i32
    %dma_start3A_285 = tpu.memref_slice %arg3[%add3A_284] : memref<819200xi32, #tpu.memory_space<hbm>> -> memref<800xi32, #tpu.memory_space<hbm>>
    %dma_start3A_286 = tpu.memref_slice %arg3[%add3A_284] : memref<819200xi32, #tpu.memory_space<hbm>> -> memref<800xi32, #tpu.memory_space<hbm>>
    tpu.enqueue_dma source(%dma_start3A_286 : memref<800xi32, #tpu.memory_space<hbm>>) target(%arg5 : memref<800xi32, #tpu.memory_space<vmem>>) target_semaphore(%arg9 : memref<!tpu.dma_semaphore, #tpu.memory_space<semaphore_mem>>)
    %dma_wait3A_287 = tpu.memref_slice %arg3[%add3A_262] : memref<819200xi32, #tpu.memory_space<hbm>> -> memref<800xi32, #tpu.memory_space<hbm>>
    %dma_wait3A_288 = tpu.memref_slice %arg3[%add3A_262] : memref<819200xi32, #tpu.memory_space<hbm>> -> memref<800xi32, #tpu.memory_space<hbm>>
    tpu.wait_dma2 semaphore(%arg10 : memref<!tpu.dma_semaphore, #tpu.memory_space<semaphore_mem>>) src(%dma_wait3A_288 : memref<800xi32, #tpu.memory_space<hbm>>) dst(%arg6 : memref<800xi32, #tpu.memory_space<vmem>>)
    %dma_wait3A_289 = arith.constant 0 : i32
    %dma_wait3A_290 = tpu.memref_slice %arg4[%add3A_256, %dma_wait3A_289] : memref<819200x64xf32, #tpu.memory_space<hbm>> -> memref<800x64xf32, #tpu.memory_space<hbm>>
    %dma_wait3A_291 = arith.constant 0 : i32
    %dma_wait3A_292 = tpu.memref_slice %arg4[%add3A_256, %dma_wait3A_291] : memref<819200x64xf32, #tpu.memory_space<hbm>> -> memref<800x64xf32, #tpu.memory_space<hbm>>
    tpu.wait_dma2 semaphore(%arg14 : memref<!tpu.dma_semaphore, #tpu.memory_space<semaphore_mem>>) src(%arg8 : memref<800x64xf32, #tpu.memory_space<vmem>>) dst(%dma_wait3A_292 : memref<800x64xf32, #tpu.memory_space<hbm>>)
    %dma_start3A_293 = arith.constant 0 : i32
    %dma_start3A_294 = arith.constant 0 : i32
    %dma_start3A_295 = tpu.memref_slice %arg2[%dma_start3A_293, %dma_start3A_294] : memref<1000000x64xf32, #tpu.memory_space<hbm>> -> memref<1000000x64xf32, #tpu.memory_space<hbm>>
    tpu.enqueue_indirect_dma source(%dma_start3A_295 : memref<1000000x64xf32, #tpu.memory_space<hbm>>) target(%arg8 : memref<800x64xf32, #tpu.memory_space<vmem>>) offsets(%arg6 : memref<800xi32, #tpu.memory_space<vmem>>) semaphore(%arg12 : memref<!tpu.dma_semaphore, #tpu.memory_space<semaphore_mem>>)
    %dma_wait3A_296 = arith.constant 0 : i32
    %dma_wait3A_297 = arith.constant 0 : i32
    %dma_wait3A_298 = tpu.memref_slice %arg2[%dma_wait3A_296, %dma_wait3A_297] : memref<1000000x64xf32, #tpu.memory_space<hbm>> -> memref<1000000x64xf32, #tpu.memory_space<hbm>>
    tpu.wait_indirect_dma semaphore(%arg12 : memref<!tpu.dma_semaphore, #tpu.memory_space<semaphore_mem>>) src(%dma_wait3A_298 : memref<1000000x64xf32, #tpu.memory_space<hbm>>) dst(%arg8 : memref<800x64xf32, #tpu.memory_space<vmem>>)
    %add3A_299 = arith.constant 10400 : i32
    %add3A_300 = arith.addi %mul3A_2, %add3A_299 : i32
    %dma_start3A_301 = arith.constant 0 : i32
    %dma_start3A_302 = tpu.memref_slice %arg4[%add3A_300, %dma_start3A_301] : memref<819200x64xf32, #tpu.memory_space<hbm>> -> memref<800x64xf32, #tpu.memory_space<hbm>>
    %dma_start3A_303 = arith.constant 0 : i32
    %dma_start3A_304 = tpu.memref_slice %arg4[%add3A_300, %dma_start3A_303] : memref<819200x64xf32, #tpu.memory_space<hbm>> -> memref<800x64xf32, #tpu.memory_space<hbm>>
    tpu.enqueue_dma source(%arg8 : memref<800x64xf32, #tpu.memory_space<vmem>>) target(%dma_start3A_304 : memref<800x64xf32, #tpu.memory_space<hbm>>) target_semaphore(%arg14 : memref<!tpu.dma_semaphore, #tpu.memory_space<semaphore_mem>>)
    %add3A_305 = arith.constant 12000 : i32
    %add3A_306 = arith.addi %mul3A_2, %add3A_305 : i32
    %dma_start3A_307 = tpu.memref_slice %arg3[%add3A_306] : memref<819200xi32, #tpu.memory_space<hbm>> -> memref<800xi32, #tpu.memory_space<hbm>>
    %dma_start3A_308 = tpu.memref_slice %arg3[%add3A_306] : memref<819200xi32, #tpu.memory_space<hbm>> -> memref<800xi32, #tpu.memory_space<hbm>>
    tpu.enqueue_dma source(%dma_start3A_308 : memref<800xi32, #tpu.memory_space<hbm>>) target(%arg6 : memref<800xi32, #tpu.memory_space<vmem>>) target_semaphore(%arg10 : memref<!tpu.dma_semaphore, #tpu.memory_space<semaphore_mem>>)
    %dma_wait3A_309 = tpu.memref_slice %arg3[%add3A_284] : memref<819200xi32, #tpu.memory_space<hbm>> -> memref<800xi32, #tpu.memory_space<hbm>>
    %dma_wait3A_310 = tpu.memref_slice %arg3[%add3A_284] : memref<819200xi32, #tpu.memory_space<hbm>> -> memref<800xi32, #tpu.memory_space<hbm>>
    tpu.wait_dma2 semaphore(%arg9 : memref<!tpu.dma_semaphore, #tpu.memory_space<semaphore_mem>>) src(%dma_wait3A_310 : memref<800xi32, #tpu.memory_space<hbm>>) dst(%arg5 : memref<800xi32, #tpu.memory_space<vmem>>)
    %dma_wait3A_311 = arith.constant 0 : i32
    %dma_wait3A_312 = tpu.memref_slice %arg4[%add3A_278, %dma_wait3A_311] : memref<819200x64xf32, #tpu.memory_space<hbm>> -> memref<800x64xf32, #tpu.memory_space<hbm>>
    %dma_wait3A_313 = arith.constant 0 : i32
    %dma_wait3A_314 = tpu.memref_slice %arg4[%add3A_278, %dma_wait3A_313] : memref<819200x64xf32, #tpu.memory_space<hbm>> -> memref<800x64xf32, #tpu.memory_space<hbm>>
    tpu.wait_dma2 semaphore(%arg13 : memref<!tpu.dma_semaphore, #tpu.memory_space<semaphore_mem>>) src(%arg7 : memref<800x64xf32, #tpu.memory_space<vmem>>) dst(%dma_wait3A_314 : memref<800x64xf32, #tpu.memory_space<hbm>>)
    %dma_start3A_315 = arith.constant 0 : i32
    %dma_start3A_316 = arith.constant 0 : i32
    %dma_start3A_317 = tpu.memref_slice %arg2[%dma_start3A_315, %dma_start3A_316] : memref<1000000x64xf32, #tpu.memory_space<hbm>> -> memref<1000000x64xf32, #tpu.memory_space<hbm>>
    tpu.enqueue_indirect_dma source(%dma_start3A_317 : memref<1000000x64xf32, #tpu.memory_space<hbm>>) target(%arg7 : memref<800x64xf32, #tpu.memory_space<vmem>>) offsets(%arg5 : memref<800xi32, #tpu.memory_space<vmem>>) semaphore(%arg11 : memref<!tpu.dma_semaphore, #tpu.memory_space<semaphore_mem>>)
    %dma_wait3A_318 = arith.constant 0 : i32
    %dma_wait3A_319 = arith.constant 0 : i32
    %dma_wait3A_320 = tpu.memref_slice %arg2[%dma_wait3A_318, %dma_wait3A_319] : memref<1000000x64xf32, #tpu.memory_space<hbm>> -> memref<1000000x64xf32, #tpu.memory_space<hbm>>
    tpu.wait_indirect_dma semaphore(%arg11 : memref<!tpu.dma_semaphore, #tpu.memory_space<semaphore_mem>>) src(%dma_wait3A_320 : memref<1000000x64xf32, #tpu.memory_space<hbm>>) dst(%arg7 : memref<800x64xf32, #tpu.memory_space<vmem>>)
    %add3A_321 = arith.constant 11200 : i32
    %add3A_322 = arith.addi %mul3A_2, %add3A_321 : i32
    %dma_start3A_323 = arith.constant 0 : i32
    %dma_start3A_324 = tpu.memref_slice %arg4[%add3A_322, %dma_start3A_323] : memref<819200x64xf32, #tpu.memory_space<hbm>> -> memref<800x64xf32, #tpu.memory_space<hbm>>
    %dma_start3A_325 = arith.constant 0 : i32
    %dma_start3A_326 = tpu.memref_slice %arg4[%add3A_322, %dma_start3A_325] : memref<819200x64xf32, #tpu.memory_space<hbm>> -> memref<800x64xf32, #tpu.memory_space<hbm>>
    tpu.enqueue_dma source(%arg7 : memref<800x64xf32, #tpu.memory_space<vmem>>) target(%dma_start3A_326 : memref<800x64xf32, #tpu.memory_space<hbm>>) target_semaphore(%arg13 : memref<!tpu.dma_semaphore, #tpu.memory_space<semaphore_mem>>)
    %add3A_327 = arith.constant 12800 : i32
    %add3A_328 = arith.addi %mul3A_2, %add3A_327 : i32
    %dma_start3A_329 = tpu.memref_slice %arg3[%add3A_328] : memref<819200xi32, #tpu.memory_space<hbm>> -> memref<800xi32, #tpu.memory_space<hbm>>
    %dma_start3A_330 = tpu.memref_slice %arg3[%add3A_328] : memref<819200xi32, #tpu.memory_space<hbm>> -> memref<800xi32, #tpu.memory_space<hbm>>
    tpu.enqueue_dma source(%dma_start3A_330 : memref<800xi32, #tpu.memory_space<hbm>>) target(%arg5 : memref<800xi32, #tpu.memory_space<vmem>>) target_semaphore(%arg9 : memref<!tpu.dma_semaphore, #tpu.memory_space<semaphore_mem>>)
    %dma_wait3A_331 = tpu.memref_slice %arg3[%add3A_306] : memref<819200xi32, #tpu.memory_space<hbm>> -> memref<800xi32, #tpu.memory_space<hbm>>
    %dma_wait3A_332 = tpu.memref_slice %arg3[%add3A_306] : memref<819200xi32, #tpu.memory_space<hbm>> -> memref<800xi32, #tpu.memory_space<hbm>>
    tpu.wait_dma2 semaphore(%arg10 : memref<!tpu.dma_semaphore, #tpu.memory_space<semaphore_mem>>) src(%dma_wait3A_332 : memref<800xi32, #tpu.memory_space<hbm>>) dst(%arg6 : memref<800xi32, #tpu.memory_space<vmem>>)
    %dma_wait3A_333 = arith.constant 0 : i32
    %dma_wait3A_334 = tpu.memref_slice %arg4[%add3A_300, %dma_wait3A_333] : memref<819200x64xf32, #tpu.memory_space<hbm>> -> memref<800x64xf32, #tpu.memory_space<hbm>>
    %dma_wait3A_335 = arith.constant 0 : i32
    %dma_wait3A_336 = tpu.memref_slice %arg4[%add3A_300, %dma_wait3A_335] : memref<819200x64xf32, #tpu.memory_space<hbm>> -> memref<800x64xf32, #tpu.memory_space<hbm>>
    tpu.wait_dma2 semaphore(%arg14 : memref<!tpu.dma_semaphore, #tpu.memory_space<semaphore_mem>>) src(%arg8 : memref<800x64xf32, #tpu.memory_space<vmem>>) dst(%dma_wait3A_336 : memref<800x64xf32, #tpu.memory_space<hbm>>)
    %dma_start3A_337 = arith.constant 0 : i32
    %dma_start3A_338 = arith.constant 0 : i32
    %dma_start3A_339 = tpu.memref_slice %arg2[%dma_start3A_337, %dma_start3A_338] : memref<1000000x64xf32, #tpu.memory_space<hbm>> -> memref<1000000x64xf32, #tpu.memory_space<hbm>>
    tpu.enqueue_indirect_dma source(%dma_start3A_339 : memref<1000000x64xf32, #tpu.memory_space<hbm>>) target(%arg8 : memref<800x64xf32, #tpu.memory_space<vmem>>) offsets(%arg6 : memref<800xi32, #tpu.memory_space<vmem>>) semaphore(%arg12 : memref<!tpu.dma_semaphore, #tpu.memory_space<semaphore_mem>>)
    %dma_wait3A_340 = arith.constant 0 : i32
    %dma_wait3A_341 = arith.constant 0 : i32
    %dma_wait3A_342 = tpu.memref_slice %arg2[%dma_wait3A_340, %dma_wait3A_341] : memref<1000000x64xf32, #tpu.memory_space<hbm>> -> memref<1000000x64xf32, #tpu.memory_space<hbm>>
    tpu.wait_indirect_dma semaphore(%arg12 : memref<!tpu.dma_semaphore, #tpu.memory_space<semaphore_mem>>) src(%dma_wait3A_342 : memref<1000000x64xf32, #tpu.memory_space<hbm>>) dst(%arg8 : memref<800x64xf32, #tpu.memory_space<vmem>>)
    %add3A_343 = arith.constant 12000 : i32
    %add3A_344 = arith.addi %mul3A_2, %add3A_343 : i32
    %dma_start3A_345 = arith.constant 0 : i32
    %dma_start3A_346 = tpu.memref_slice %arg4[%add3A_344, %dma_start3A_345] : memref<819200x64xf32, #tpu.memory_space<hbm>> -> memref<800x64xf32, #tpu.memory_space<hbm>>
    %dma_start3A_347 = arith.constant 0 : i32
    %dma_start3A_348 = tpu.memref_slice %arg4[%add3A_344, %dma_start3A_347] : memref<819200x64xf32, #tpu.memory_space<hbm>> -> memref<800x64xf32, #tpu.memory_space<hbm>>
    tpu.enqueue_dma source(%arg8 : memref<800x64xf32, #tpu.memory_space<vmem>>) target(%dma_start3A_348 : memref<800x64xf32, #tpu.memory_space<hbm>>) target_semaphore(%arg14 : memref<!tpu.dma_semaphore, #tpu.memory_space<semaphore_mem>>)
    %add3A_349 = arith.constant 13600 : i32
    %add3A_350 = arith.addi %mul3A_2, %add3A_349 : i32
    %dma_start3A_351 = tpu.memref_slice %arg3[%add3A_350] : memref<819200xi32, #tpu.memory_space<hbm>> -> memref<800xi32, #tpu.memory_space<hbm>>
    %dma_start3A_352 = tpu.memref_slice %arg3[%add3A_350] : memref<819200xi32, #tpu.memory_space<hbm>> -> memref<800xi32, #tpu.memory_space<hbm>>
    tpu.enqueue_dma source(%dma_start3A_352 : memref<800xi32, #tpu.memory_space<hbm>>) target(%arg6 : memref<800xi32, #tpu.memory_space<vmem>>) target_semaphore(%arg10 : memref<!tpu.dma_semaphore, #tpu.memory_space<semaphore_mem>>)
    %dma_wait3A_353 = tpu.memref_slice %arg3[%add3A_328] : memref<819200xi32, #tpu.memory_space<hbm>> -> memref<800xi32, #tpu.memory_space<hbm>>
    %dma_wait3A_354 = tpu.memref_slice %arg3[%add3A_328] : memref<819200xi32, #tpu.memory_space<hbm>> -> memref<800xi32, #tpu.memory_space<hbm>>
    tpu.wait_dma2 semaphore(%arg9 : memref<!tpu.dma_semaphore, #tpu.memory_space<semaphore_mem>>) src(%dma_wait3A_354 : memref<800xi32, #tpu.memory_space<hbm>>) dst(%arg5 : memref<800xi32, #tpu.memory_space<vmem>>)
    %dma_wait3A_355 = arith.constant 0 : i32
    %dma_wait3A_356 = tpu.memref_slice %arg4[%add3A_322, %dma_wait3A_355] : memref<819200x64xf32, #tpu.memory_space<hbm>> -> memref<800x64xf32, #tpu.memory_space<hbm>>
    %dma_wait3A_357 = arith.constant 0 : i32
    %dma_wait3A_358 = tpu.memref_slice %arg4[%add3A_322, %dma_wait3A_357] : memref<819200x64xf32, #tpu.memory_space<hbm>> -> memref<800x64xf32, #tpu.memory_space<hbm>>
    tpu.wait_dma2 semaphore(%arg13 : memref<!tpu.dma_semaphore, #tpu.memory_space<semaphore_mem>>) src(%arg7 : memref<800x64xf32, #tpu.memory_space<vmem>>) dst(%dma_wait3A_358 : memref<800x64xf32, #tpu.memory_space<hbm>>)
    %dma_start3A_359 = arith.constant 0 : i32
    %dma_start3A_360 = arith.constant 0 : i32
    %dma_start3A_361 = tpu.memref_slice %arg2[%dma_start3A_359, %dma_start3A_360] : memref<1000000x64xf32, #tpu.memory_space<hbm>> -> memref<1000000x64xf32, #tpu.memory_space<hbm>>
    tpu.enqueue_indirect_dma source(%dma_start3A_361 : memref<1000000x64xf32, #tpu.memory_space<hbm>>) target(%arg7 : memref<800x64xf32, #tpu.memory_space<vmem>>) offsets(%arg5 : memref<800xi32, #tpu.memory_space<vmem>>) semaphore(%arg11 : memref<!tpu.dma_semaphore, #tpu.memory_space<semaphore_mem>>)
    %dma_wait3A_362 = arith.constant 0 : i32
    %dma_wait3A_363 = arith.constant 0 : i32
    %dma_wait3A_364 = tpu.memref_slice %arg2[%dma_wait3A_362, %dma_wait3A_363] : memref<1000000x64xf32, #tpu.memory_space<hbm>> -> memref<1000000x64xf32, #tpu.memory_space<hbm>>
    tpu.wait_indirect_dma semaphore(%arg11 : memref<!tpu.dma_semaphore, #tpu.memory_space<semaphore_mem>>) src(%dma_wait3A_364 : memref<1000000x64xf32, #tpu.memory_space<hbm>>) dst(%arg7 : memref<800x64xf32, #tpu.memory_space<vmem>>)
    %add3A_365 = arith.constant 12800 : i32
    %add3A_366 = arith.addi %mul3A_2, %add3A_365 : i32
    %dma_start3A_367 = arith.constant 0 : i32
    %dma_start3A_368 = tpu.memref_slice %arg4[%add3A_366, %dma_start3A_367] : memref<819200x64xf32, #tpu.memory_space<hbm>> -> memref<800x64xf32, #tpu.memory_space<hbm>>
    %dma_start3A_369 = arith.constant 0 : i32
    %dma_start3A_370 = tpu.memref_slice %arg4[%add3A_366, %dma_start3A_369] : memref<819200x64xf32, #tpu.memory_space<hbm>> -> memref<800x64xf32, #tpu.memory_space<hbm>>
    tpu.enqueue_dma source(%arg7 : memref<800x64xf32, #tpu.memory_space<vmem>>) target(%dma_start3A_370 : memref<800x64xf32, #tpu.memory_space<hbm>>) target_semaphore(%arg13 : memref<!tpu.dma_semaphore, #tpu.memory_space<semaphore_mem>>)
    %add3A_371 = arith.constant 14400 : i32
    %add3A_372 = arith.addi %mul3A_2, %add3A_371 : i32
    %dma_start3A_373 = tpu.memref_slice %arg3[%add3A_372] : memref<819200xi32, #tpu.memory_space<hbm>> -> memref<800xi32, #tpu.memory_space<hbm>>
    %dma_start3A_374 = tpu.memref_slice %arg3[%add3A_372] : memref<819200xi32, #tpu.memory_space<hbm>> -> memref<800xi32, #tpu.memory_space<hbm>>
    tpu.enqueue_dma source(%dma_start3A_374 : memref<800xi32, #tpu.memory_space<hbm>>) target(%arg5 : memref<800xi32, #tpu.memory_space<vmem>>) target_semaphore(%arg9 : memref<!tpu.dma_semaphore, #tpu.memory_space<semaphore_mem>>)
    %dma_wait3A_375 = tpu.memref_slice %arg3[%add3A_350] : memref<819200xi32, #tpu.memory_space<hbm>> -> memref<800xi32, #tpu.memory_space<hbm>>
    %dma_wait3A_376 = tpu.memref_slice %arg3[%add3A_350] : memref<819200xi32, #tpu.memory_space<hbm>> -> memref<800xi32, #tpu.memory_space<hbm>>
    tpu.wait_dma2 semaphore(%arg10 : memref<!tpu.dma_semaphore, #tpu.memory_space<semaphore_mem>>) src(%dma_wait3A_376 : memref<800xi32, #tpu.memory_space<hbm>>) dst(%arg6 : memref<800xi32, #tpu.memory_space<vmem>>)
    %dma_wait3A_377 = arith.constant 0 : i32
    %dma_wait3A_378 = tpu.memref_slice %arg4[%add3A_344, %dma_wait3A_377] : memref<819200x64xf32, #tpu.memory_space<hbm>> -> memref<800x64xf32, #tpu.memory_space<hbm>>
    %dma_wait3A_379 = arith.constant 0 : i32
    %dma_wait3A_380 = tpu.memref_slice %arg4[%add3A_344, %dma_wait3A_379] : memref<819200x64xf32, #tpu.memory_space<hbm>> -> memref<800x64xf32, #tpu.memory_space<hbm>>
    tpu.wait_dma2 semaphore(%arg14 : memref<!tpu.dma_semaphore, #tpu.memory_space<semaphore_mem>>) src(%arg8 : memref<800x64xf32, #tpu.memory_space<vmem>>) dst(%dma_wait3A_380 : memref<800x64xf32, #tpu.memory_space<hbm>>)
    %dma_start3A_381 = arith.constant 0 : i32
    %dma_start3A_382 = arith.constant 0 : i32
    %dma_start3A_383 = tpu.memref_slice %arg2[%dma_start3A_381, %dma_start3A_382] : memref<1000000x64xf32, #tpu.memory_space<hbm>> -> memref<1000000x64xf32, #tpu.memory_space<hbm>>
    tpu.enqueue_indirect_dma source(%dma_start3A_383 : memref<1000000x64xf32, #tpu.memory_space<hbm>>) target(%arg8 : memref<800x64xf32, #tpu.memory_space<vmem>>) offsets(%arg6 : memref<800xi32, #tpu.memory_space<vmem>>) semaphore(%arg12 : memref<!tpu.dma_semaphore, #tpu.memory_space<semaphore_mem>>)
    %dma_wait3A_384 = arith.constant 0 : i32
    %dma_wait3A_385 = arith.constant 0 : i32
    %dma_wait3A_386 = tpu.memref_slice %arg2[%dma_wait3A_384, %dma_wait3A_385] : memref<1000000x64xf32, #tpu.memory_space<hbm>> -> memref<1000000x64xf32, #tpu.memory_space<hbm>>
    tpu.wait_indirect_dma semaphore(%arg12 : memref<!tpu.dma_semaphore, #tpu.memory_space<semaphore_mem>>) src(%dma_wait3A_386 : memref<1000000x64xf32, #tpu.memory_space<hbm>>) dst(%arg8 : memref<800x64xf32, #tpu.memory_space<vmem>>)
    %add3A_387 = arith.constant 13600 : i32
    %add3A_388 = arith.addi %mul3A_2, %add3A_387 : i32
    %dma_start3A_389 = arith.constant 0 : i32
    %dma_start3A_390 = tpu.memref_slice %arg4[%add3A_388, %dma_start3A_389] : memref<819200x64xf32, #tpu.memory_space<hbm>> -> memref<800x64xf32, #tpu.memory_space<hbm>>
    %dma_start3A_391 = arith.constant 0 : i32
    %dma_start3A_392 = tpu.memref_slice %arg4[%add3A_388, %dma_start3A_391] : memref<819200x64xf32, #tpu.memory_space<hbm>> -> memref<800x64xf32, #tpu.memory_space<hbm>>
    tpu.enqueue_dma source(%arg8 : memref<800x64xf32, #tpu.memory_space<vmem>>) target(%dma_start3A_392 : memref<800x64xf32, #tpu.memory_space<hbm>>) target_semaphore(%arg14 : memref<!tpu.dma_semaphore, #tpu.memory_space<semaphore_mem>>)
    %add3A_393 = arith.constant 15200 : i32
    %add3A_394 = arith.addi %mul3A_2, %add3A_393 : i32
    %dma_start3A_395 = tpu.memref_slice %arg3[%add3A_394] : memref<819200xi32, #tpu.memory_space<hbm>> -> memref<800xi32, #tpu.memory_space<hbm>>
    %dma_start3A_396 = tpu.memref_slice %arg3[%add3A_394] : memref<819200xi32, #tpu.memory_space<hbm>> -> memref<800xi32, #tpu.memory_space<hbm>>
    tpu.enqueue_dma source(%dma_start3A_396 : memref<800xi32, #tpu.memory_space<hbm>>) target(%arg6 : memref<800xi32, #tpu.memory_space<vmem>>) target_semaphore(%arg10 : memref<!tpu.dma_semaphore, #tpu.memory_space<semaphore_mem>>)
    %dma_wait3A_397 = tpu.memref_slice %arg3[%add3A_372] : memref<819200xi32, #tpu.memory_space<hbm>> -> memref<800xi32, #tpu.memory_space<hbm>>
    %dma_wait3A_398 = tpu.memref_slice %arg3[%add3A_372] : memref<819200xi32, #tpu.memory_space<hbm>> -> memref<800xi32, #tpu.memory_space<hbm>>
    tpu.wait_dma2 semaphore(%arg9 : memref<!tpu.dma_semaphore, #tpu.memory_space<semaphore_mem>>) src(%dma_wait3A_398 : memref<800xi32, #tpu.memory_space<hbm>>) dst(%arg5 : memref<800xi32, #tpu.memory_space<vmem>>)
    %dma_wait3A_399 = arith.constant 0 : i32
    %dma_wait3A_400 = tpu.memref_slice %arg4[%add3A_366, %dma_wait3A_399] : memref<819200x64xf32, #tpu.memory_space<hbm>> -> memref<800x64xf32, #tpu.memory_space<hbm>>
    %dma_wait3A_401 = arith.constant 0 : i32
    %dma_wait3A_402 = tpu.memref_slice %arg4[%add3A_366, %dma_wait3A_401] : memref<819200x64xf32, #tpu.memory_space<hbm>> -> memref<800x64xf32, #tpu.memory_space<hbm>>
    tpu.wait_dma2 semaphore(%arg13 : memref<!tpu.dma_semaphore, #tpu.memory_space<semaphore_mem>>) src(%arg7 : memref<800x64xf32, #tpu.memory_space<vmem>>) dst(%dma_wait3A_402 : memref<800x64xf32, #tpu.memory_space<hbm>>)
    %dma_start3A_403 = arith.constant 0 : i32
    %dma_start3A_404 = arith.constant 0 : i32
    %dma_start3A_405 = tpu.memref_slice %arg2[%dma_start3A_403, %dma_start3A_404] : memref<1000000x64xf32, #tpu.memory_space<hbm>> -> memref<1000000x64xf32, #tpu.memory_space<hbm>>
    tpu.enqueue_indirect_dma source(%dma_start3A_405 : memref<1000000x64xf32, #tpu.memory_space<hbm>>) target(%arg7 : memref<800x64xf32, #tpu.memory_space<vmem>>) offsets(%arg5 : memref<800xi32, #tpu.memory_space<vmem>>) semaphore(%arg11 : memref<!tpu.dma_semaphore, #tpu.memory_space<semaphore_mem>>)
    %dma_wait3A_406 = arith.constant 0 : i32
    %dma_wait3A_407 = arith.constant 0 : i32
    %dma_wait3A_408 = tpu.memref_slice %arg2[%dma_wait3A_406, %dma_wait3A_407] : memref<1000000x64xf32, #tpu.memory_space<hbm>> -> memref<1000000x64xf32, #tpu.memory_space<hbm>>
    tpu.wait_indirect_dma semaphore(%arg11 : memref<!tpu.dma_semaphore, #tpu.memory_space<semaphore_mem>>) src(%dma_wait3A_408 : memref<1000000x64xf32, #tpu.memory_space<hbm>>) dst(%arg7 : memref<800x64xf32, #tpu.memory_space<vmem>>)
    %add3A_409 = arith.constant 14400 : i32
    %add3A_410 = arith.addi %mul3A_2, %add3A_409 : i32
    %dma_start3A_411 = arith.constant 0 : i32
    %dma_start3A_412 = tpu.memref_slice %arg4[%add3A_410, %dma_start3A_411] : memref<819200x64xf32, #tpu.memory_space<hbm>> -> memref<800x64xf32, #tpu.memory_space<hbm>>
    %dma_start3A_413 = arith.constant 0 : i32
    %dma_start3A_414 = tpu.memref_slice %arg4[%add3A_410, %dma_start3A_413] : memref<819200x64xf32, #tpu.memory_space<hbm>> -> memref<800x64xf32, #tpu.memory_space<hbm>>
    tpu.enqueue_dma source(%arg7 : memref<800x64xf32, #tpu.memory_space<vmem>>) target(%dma_start3A_414 : memref<800x64xf32, #tpu.memory_space<hbm>>) target_semaphore(%arg13 : memref<!tpu.dma_semaphore, #tpu.memory_space<semaphore_mem>>)
    %add3A_415 = arith.constant 16000 : i32
    %add3A_416 = arith.addi %mul3A_2, %add3A_415 : i32
    %dma_start3A_417 = tpu.memref_slice %arg3[%add3A_416] : memref<819200xi32, #tpu.memory_space<hbm>> -> memref<800xi32, #tpu.memory_space<hbm>>
    %dma_start3A_418 = tpu.memref_slice %arg3[%add3A_416] : memref<819200xi32, #tpu.memory_space<hbm>> -> memref<800xi32, #tpu.memory_space<hbm>>
    tpu.enqueue_dma source(%dma_start3A_418 : memref<800xi32, #tpu.memory_space<hbm>>) target(%arg5 : memref<800xi32, #tpu.memory_space<vmem>>) target_semaphore(%arg9 : memref<!tpu.dma_semaphore, #tpu.memory_space<semaphore_mem>>)
    %dma_wait3A_419 = tpu.memref_slice %arg3[%add3A_394] : memref<819200xi32, #tpu.memory_space<hbm>> -> memref<800xi32, #tpu.memory_space<hbm>>
    %dma_wait3A_420 = tpu.memref_slice %arg3[%add3A_394] : memref<819200xi32, #tpu.memory_space<hbm>> -> memref<800xi32, #tpu.memory_space<hbm>>
    tpu.wait_dma2 semaphore(%arg10 : memref<!tpu.dma_semaphore, #tpu.memory_space<semaphore_mem>>) src(%dma_wait3A_420 : memref<800xi32, #tpu.memory_space<hbm>>) dst(%arg6 : memref<800xi32, #tpu.memory_space<vmem>>)
    %dma_wait3A_421 = arith.constant 0 : i32
    %dma_wait3A_422 = tpu.memref_slice %arg4[%add3A_388, %dma_wait3A_421] : memref<819200x64xf32, #tpu.memory_space<hbm>> -> memref<800x64xf32, #tpu.memory_space<hbm>>
    %dma_wait3A_423 = arith.constant 0 : i32
    %dma_wait3A_424 = tpu.memref_slice %arg4[%add3A_388, %dma_wait3A_423] : memref<819200x64xf32, #tpu.memory_space<hbm>> -> memref<800x64xf32, #tpu.memory_space<hbm>>
    tpu.wait_dma2 semaphore(%arg14 : memref<!tpu.dma_semaphore, #tpu.memory_space<semaphore_mem>>) src(%arg8 : memref<800x64xf32, #tpu.memory_space<vmem>>) dst(%dma_wait3A_424 : memref<800x64xf32, #tpu.memory_space<hbm>>)
    %dma_start3A_425 = arith.constant 0 : i32
    %dma_start3A_426 = arith.constant 0 : i32
    %dma_start3A_427 = tpu.memref_slice %arg2[%dma_start3A_425, %dma_start3A_426] : memref<1000000x64xf32, #tpu.memory_space<hbm>> -> memref<1000000x64xf32, #tpu.memory_space<hbm>>
    tpu.enqueue_indirect_dma source(%dma_start3A_427 : memref<1000000x64xf32, #tpu.memory_space<hbm>>) target(%arg8 : memref<800x64xf32, #tpu.memory_space<vmem>>) offsets(%arg6 : memref<800xi32, #tpu.memory_space<vmem>>) semaphore(%arg12 : memref<!tpu.dma_semaphore, #tpu.memory_space<semaphore_mem>>)
    %dma_wait3A_428 = arith.constant 0 : i32
    %dma_wait3A_429 = arith.constant 0 : i32
    %dma_wait3A_430 = tpu.memref_slice %arg2[%dma_wait3A_428, %dma_wait3A_429] : memref<1000000x64xf32, #tpu.memory_space<hbm>> -> memref<1000000x64xf32, #tpu.memory_space<hbm>>
    tpu.wait_indirect_dma semaphore(%arg12 : memref<!tpu.dma_semaphore, #tpu.memory_space<semaphore_mem>>) src(%dma_wait3A_430 : memref<1000000x64xf32, #tpu.memory_space<hbm>>) dst(%arg8 : memref<800x64xf32, #tpu.memory_space<vmem>>)
    %add3A_431 = arith.constant 15200 : i32
    %add3A_432 = arith.addi %mul3A_2, %add3A_431 : i32
    %dma_start3A_433 = arith.constant 0 : i32
    %dma_start3A_434 = tpu.memref_slice %arg4[%add3A_432, %dma_start3A_433] : memref<819200x64xf32, #tpu.memory_space<hbm>> -> memref<800x64xf32, #tpu.memory_space<hbm>>
    %dma_start3A_435 = arith.constant 0 : i32
    %dma_start3A_436 = tpu.memref_slice %arg4[%add3A_432, %dma_start3A_435] : memref<819200x64xf32, #tpu.memory_space<hbm>> -> memref<800x64xf32, #tpu.memory_space<hbm>>
    tpu.enqueue_dma source(%arg8 : memref<800x64xf32, #tpu.memory_space<vmem>>) target(%dma_start3A_436 : memref<800x64xf32, #tpu.memory_space<hbm>>) target_semaphore(%arg14 : memref<!tpu.dma_semaphore, #tpu.memory_space<semaphore_mem>>)
    %add3A_437 = arith.constant 16800 : i32
    %add3A_438 = arith.addi %mul3A_2, %add3A_437 : i32
    %dma_start3A_439 = tpu.memref_slice %arg3[%add3A_438] : memref<819200xi32, #tpu.memory_space<hbm>> -> memref<800xi32, #tpu.memory_space<hbm>>
    %dma_start3A_440 = tpu.memref_slice %arg3[%add3A_438] : memref<819200xi32, #tpu.memory_space<hbm>> -> memref<800xi32, #tpu.memory_space<hbm>>
    tpu.enqueue_dma source(%dma_start3A_440 : memref<800xi32, #tpu.memory_space<hbm>>) target(%arg6 : memref<800xi32, #tpu.memory_space<vmem>>) target_semaphore(%arg10 : memref<!tpu.dma_semaphore, #tpu.memory_space<semaphore_mem>>)
    %dma_wait3A_441 = tpu.memref_slice %arg3[%add3A_416] : memref<819200xi32, #tpu.memory_space<hbm>> -> memref<800xi32, #tpu.memory_space<hbm>>
    %dma_wait3A_442 = tpu.memref_slice %arg3[%add3A_416] : memref<819200xi32, #tpu.memory_space<hbm>> -> memref<800xi32, #tpu.memory_space<hbm>>
    tpu.wait_dma2 semaphore(%arg9 : memref<!tpu.dma_semaphore, #tpu.memory_space<semaphore_mem>>) src(%dma_wait3A_442 : memref<800xi32, #tpu.memory_space<hbm>>) dst(%arg5 : memref<800xi32, #tpu.memory_space<vmem>>)
    %dma_wait3A_443 = arith.constant 0 : i32
    %dma_wait3A_444 = tpu.memref_slice %arg4[%add3A_410, %dma_wait3A_443] : memref<819200x64xf32, #tpu.memory_space<hbm>> -> memref<800x64xf32, #tpu.memory_space<hbm>>
    %dma_wait3A_445 = arith.constant 0 : i32
    %dma_wait3A_446 = tpu.memref_slice %arg4[%add3A_410, %dma_wait3A_445] : memref<819200x64xf32, #tpu.memory_space<hbm>> -> memref<800x64xf32, #tpu.memory_space<hbm>>
    tpu.wait_dma2 semaphore(%arg13 : memref<!tpu.dma_semaphore, #tpu.memory_space<semaphore_mem>>) src(%arg7 : memref<800x64xf32, #tpu.memory_space<vmem>>) dst(%dma_wait3A_446 : memref<800x64xf32, #tpu.memory_space<hbm>>)
    %dma_start3A_447 = arith.constant 0 : i32
    %dma_start3A_448 = arith.constant 0 : i32
    %dma_start3A_449 = tpu.memref_slice %arg2[%dma_start3A_447, %dma_start3A_448] : memref<1000000x64xf32, #tpu.memory_space<hbm>> -> memref<1000000x64xf32, #tpu.memory_space<hbm>>
    tpu.enqueue_indirect_dma source(%dma_start3A_449 : memref<1000000x64xf32, #tpu.memory_space<hbm>>) target(%arg7 : memref<800x64xf32, #tpu.memory_space<vmem>>) offsets(%arg5 : memref<800xi32, #tpu.memory_space<vmem>>) semaphore(%arg11 : memref<!tpu.dma_semaphore, #tpu.memory_space<semaphore_mem>>)
    %dma_wait3A_450 = arith.constant 0 : i32
    %dma_wait3A_451 = arith.constant 0 : i32
    %dma_wait3A_452 = tpu.memref_slice %arg2[%dma_wait3A_450, %dma_wait3A_451] : memref<1000000x64xf32, #tpu.memory_space<hbm>> -> memref<1000000x64xf32, #tpu.memory_space<hbm>>
    tpu.wait_indirect_dma semaphore(%arg11 : memref<!tpu.dma_semaphore, #tpu.memory_space<semaphore_mem>>) src(%dma_wait3A_452 : memref<1000000x64xf32, #tpu.memory_space<hbm>>) dst(%arg7 : memref<800x64xf32, #tpu.memory_space<vmem>>)
    %add3A_453 = arith.constant 16000 : i32
    %add3A_454 = arith.addi %mul3A_2, %add3A_453 : i32
    %dma_start3A_455 = arith.constant 0 : i32
    %dma_start3A_456 = tpu.memref_slice %arg4[%add3A_454, %dma_start3A_455] : memref<819200x64xf32, #tpu.memory_space<hbm>> -> memref<800x64xf32, #tpu.memory_space<hbm>>
    %dma_start3A_457 = arith.constant 0 : i32
    %dma_start3A_458 = tpu.memref_slice %arg4[%add3A_454, %dma_start3A_457] : memref<819200x64xf32, #tpu.memory_space<hbm>> -> memref<800x64xf32, #tpu.memory_space<hbm>>
    tpu.enqueue_dma source(%arg7 : memref<800x64xf32, #tpu.memory_space<vmem>>) target(%dma_start3A_458 : memref<800x64xf32, #tpu.memory_space<hbm>>) target_semaphore(%arg13 : memref<!tpu.dma_semaphore, #tpu.memory_space<semaphore_mem>>)
    %add3A_459 = arith.constant 17600 : i32
    %add3A_460 = arith.addi %mul3A_2, %add3A_459 : i32
    %dma_start3A_461 = tpu.memref_slice %arg3[%add3A_460] : memref<819200xi32, #tpu.memory_space<hbm>> -> memref<800xi32, #tpu.memory_space<hbm>>
    %dma_start3A_462 = tpu.memref_slice %arg3[%add3A_460] : memref<819200xi32, #tpu.memory_space<hbm>> -> memref<800xi32, #tpu.memory_space<hbm>>
    tpu.enqueue_dma source(%dma_start3A_462 : memref<800xi32, #tpu.memory_space<hbm>>) target(%arg5 : memref<800xi32, #tpu.memory_space<vmem>>) target_semaphore(%arg9 : memref<!tpu.dma_semaphore, #tpu.memory_space<semaphore_mem>>)
    %dma_wait3A_463 = tpu.memref_slice %arg3[%add3A_438] : memref<819200xi32, #tpu.memory_space<hbm>> -> memref<800xi32, #tpu.memory_space<hbm>>
    %dma_wait3A_464 = tpu.memref_slice %arg3[%add3A_438] : memref<819200xi32, #tpu.memory_space<hbm>> -> memref<800xi32, #tpu.memory_space<hbm>>
    tpu.wait_dma2 semaphore(%arg10 : memref<!tpu.dma_semaphore, #tpu.memory_space<semaphore_mem>>) src(%dma_wait3A_464 : memref<800xi32, #tpu.memory_space<hbm>>) dst(%arg6 : memref<800xi32, #tpu.memory_space<vmem>>)
    %dma_wait3A_465 = arith.constant 0 : i32
    %dma_wait3A_466 = tpu.memref_slice %arg4[%add3A_432, %dma_wait3A_465] : memref<819200x64xf32, #tpu.memory_space<hbm>> -> memref<800x64xf32, #tpu.memory_space<hbm>>
    %dma_wait3A_467 = arith.constant 0 : i32
    %dma_wait3A_468 = tpu.memref_slice %arg4[%add3A_432, %dma_wait3A_467] : memref<819200x64xf32, #tpu.memory_space<hbm>> -> memref<800x64xf32, #tpu.memory_space<hbm>>
    tpu.wait_dma2 semaphore(%arg14 : memref<!tpu.dma_semaphore, #tpu.memory_space<semaphore_mem>>) src(%arg8 : memref<800x64xf32, #tpu.memory_space<vmem>>) dst(%dma_wait3A_468 : memref<800x64xf32, #tpu.memory_space<hbm>>)
    %dma_start3A_469 = arith.constant 0 : i32
    %dma_start3A_470 = arith.constant 0 : i32
    %dma_start3A_471 = tpu.memref_slice %arg2[%dma_start3A_469, %dma_start3A_470] : memref<1000000x64xf32, #tpu.memory_space<hbm>> -> memref<1000000x64xf32, #tpu.memory_space<hbm>>
    tpu.enqueue_indirect_dma source(%dma_start3A_471 : memref<1000000x64xf32, #tpu.memory_space<hbm>>) target(%arg8 : memref<800x64xf32, #tpu.memory_space<vmem>>) offsets(%arg6 : memref<800xi32, #tpu.memory_space<vmem>>) semaphore(%arg12 : memref<!tpu.dma_semaphore, #tpu.memory_space<semaphore_mem>>)
    %dma_wait3A_472 = arith.constant 0 : i32
    %dma_wait3A_473 = arith.constant 0 : i32
    %dma_wait3A_474 = tpu.memref_slice %arg2[%dma_wait3A_472, %dma_wait3A_473] : memref<1000000x64xf32, #tpu.memory_space<hbm>> -> memref<1000000x64xf32, #tpu.memory_space<hbm>>
    tpu.wait_indirect_dma semaphore(%arg12 : memref<!tpu.dma_semaphore, #tpu.memory_space<semaphore_mem>>) src(%dma_wait3A_474 : memref<1000000x64xf32, #tpu.memory_space<hbm>>) dst(%arg8 : memref<800x64xf32, #tpu.memory_space<vmem>>)
    %add3A_475 = arith.constant 16800 : i32
    %add3A_476 = arith.addi %mul3A_2, %add3A_475 : i32
    %dma_start3A_477 = arith.constant 0 : i32
    %dma_start3A_478 = tpu.memref_slice %arg4[%add3A_476, %dma_start3A_477] : memref<819200x64xf32, #tpu.memory_space<hbm>> -> memref<800x64xf32, #tpu.memory_space<hbm>>
    %dma_start3A_479 = arith.constant 0 : i32
    %dma_start3A_480 = tpu.memref_slice %arg4[%add3A_476, %dma_start3A_479] : memref<819200x64xf32, #tpu.memory_space<hbm>> -> memref<800x64xf32, #tpu.memory_space<hbm>>
    tpu.enqueue_dma source(%arg8 : memref<800x64xf32, #tpu.memory_space<vmem>>) target(%dma_start3A_480 : memref<800x64xf32, #tpu.memory_space<hbm>>) target_semaphore(%arg14 : memref<!tpu.dma_semaphore, #tpu.memory_space<semaphore_mem>>)
    %add3A_481 = arith.constant 18400 : i32
    %add3A_482 = arith.addi %mul3A_2, %add3A_481 : i32
    %dma_start3A_483 = tpu.memref_slice %arg3[%add3A_482] : memref<819200xi32, #tpu.memory_space<hbm>> -> memref<800xi32, #tpu.memory_space<hbm>>
    %dma_start3A_484 = tpu.memref_slice %arg3[%add3A_482] : memref<819200xi32, #tpu.memory_space<hbm>> -> memref<800xi32, #tpu.memory_space<hbm>>
    tpu.enqueue_dma source(%dma_start3A_484 : memref<800xi32, #tpu.memory_space<hbm>>) target(%arg6 : memref<800xi32, #tpu.memory_space<vmem>>) target_semaphore(%arg10 : memref<!tpu.dma_semaphore, #tpu.memory_space<semaphore_mem>>)
    %dma_wait3A_485 = tpu.memref_slice %arg3[%add3A_460] : memref<819200xi32, #tpu.memory_space<hbm>> -> memref<800xi32, #tpu.memory_space<hbm>>
    %dma_wait3A_486 = tpu.memref_slice %arg3[%add3A_460] : memref<819200xi32, #tpu.memory_space<hbm>> -> memref<800xi32, #tpu.memory_space<hbm>>
    tpu.wait_dma2 semaphore(%arg9 : memref<!tpu.dma_semaphore, #tpu.memory_space<semaphore_mem>>) src(%dma_wait3A_486 : memref<800xi32, #tpu.memory_space<hbm>>) dst(%arg5 : memref<800xi32, #tpu.memory_space<vmem>>)
    %dma_wait3A_487 = arith.constant 0 : i32
    %dma_wait3A_488 = tpu.memref_slice %arg4[%add3A_454, %dma_wait3A_487] : memref<819200x64xf32, #tpu.memory_space<hbm>> -> memref<800x64xf32, #tpu.memory_space<hbm>>
    %dma_wait3A_489 = arith.constant 0 : i32
    %dma_wait3A_490 = tpu.memref_slice %arg4[%add3A_454, %dma_wait3A_489] : memref<819200x64xf32, #tpu.memory_space<hbm>> -> memref<800x64xf32, #tpu.memory_space<hbm>>
    tpu.wait_dma2 semaphore(%arg13 : memref<!tpu.dma_semaphore, #tpu.memory_space<semaphore_mem>>) src(%arg7 : memref<800x64xf32, #tpu.memory_space<vmem>>) dst(%dma_wait3A_490 : memref<800x64xf32, #tpu.memory_space<hbm>>)
    %dma_start3A_491 = arith.constant 0 : i32
    %dma_start3A_492 = arith.constant 0 : i32
    %dma_start3A_493 = tpu.memref_slice %arg2[%dma_start3A_491, %dma_start3A_492] : memref<1000000x64xf32, #tpu.memory_space<hbm>> -> memref<1000000x64xf32, #tpu.memory_space<hbm>>
    tpu.enqueue_indirect_dma source(%dma_start3A_493 : memref<1000000x64xf32, #tpu.memory_space<hbm>>) target(%arg7 : memref<800x64xf32, #tpu.memory_space<vmem>>) offsets(%arg5 : memref<800xi32, #tpu.memory_space<vmem>>) semaphore(%arg11 : memref<!tpu.dma_semaphore, #tpu.memory_space<semaphore_mem>>)
    %dma_wait3A_494 = arith.constant 0 : i32
    %dma_wait3A_495 = arith.constant 0 : i32
    %dma_wait3A_496 = tpu.memref_slice %arg2[%dma_wait3A_494, %dma_wait3A_495] : memref<1000000x64xf32, #tpu.memory_space<hbm>> -> memref<1000000x64xf32, #tpu.memory_space<hbm>>
    tpu.wait_indirect_dma semaphore(%arg11 : memref<!tpu.dma_semaphore, #tpu.memory_space<semaphore_mem>>) src(%dma_wait3A_496 : memref<1000000x64xf32, #tpu.memory_space<hbm>>) dst(%arg7 : memref<800x64xf32, #tpu.memory_space<vmem>>)
    %add3A_497 = arith.constant 17600 : i32
    %add3A_498 = arith.addi %mul3A_2, %add3A_497 : i32
    %dma_start3A_499 = arith.constant 0 : i32
    %dma_start3A_500 = tpu.memref_slice %arg4[%add3A_498, %dma_start3A_499] : memref<819200x64xf32, #tpu.memory_space<hbm>> -> memref<800x64xf32, #tpu.memory_space<hbm>>
    %dma_start3A_501 = arith.constant 0 : i32
    %dma_start3A_502 = tpu.memref_slice %arg4[%add3A_498, %dma_start3A_501] : memref<819200x64xf32, #tpu.memory_space<hbm>> -> memref<800x64xf32, #tpu.memory_space<hbm>>
    tpu.enqueue_dma source(%arg7 : memref<800x64xf32, #tpu.memory_space<vmem>>) target(%dma_start3A_502 : memref<800x64xf32, #tpu.memory_space<hbm>>) target_semaphore(%arg13 : memref<!tpu.dma_semaphore, #tpu.memory_space<semaphore_mem>>)
    %add3A_503 = arith.constant 19200 : i32
    %add3A_504 = arith.addi %mul3A_2, %add3A_503 : i32
    %dma_start3A_505 = tpu.memref_slice %arg3[%add3A_504] : memref<819200xi32, #tpu.memory_space<hbm>> -> memref<800xi32, #tpu.memory_space<hbm>>
    %dma_start3A_506 = tpu.memref_slice %arg3[%add3A_504] : memref<819200xi32, #tpu.memory_space<hbm>> -> memref<800xi32, #tpu.memory_space<hbm>>
    tpu.enqueue_dma source(%dma_start3A_506 : memref<800xi32, #tpu.memory_space<hbm>>) target(%arg5 : memref<800xi32, #tpu.memory_space<vmem>>) target_semaphore(%arg9 : memref<!tpu.dma_semaphore, #tpu.memory_space<semaphore_mem>>)
    %dma_wait3A_507 = tpu.memref_slice %arg3[%add3A_482] : memref<819200xi32, #tpu.memory_space<hbm>> -> memref<800xi32, #tpu.memory_space<hbm>>
    %dma_wait3A_508 = tpu.memref_slice %arg3[%add3A_482] : memref<819200xi32, #tpu.memory_space<hbm>> -> memref<800xi32, #tpu.memory_space<hbm>>
    tpu.wait_dma2 semaphore(%arg10 : memref<!tpu.dma_semaphore, #tpu.memory_space<semaphore_mem>>) src(%dma_wait3A_508 : memref<800xi32, #tpu.memory_space<hbm>>) dst(%arg6 : memref<800xi32, #tpu.memory_space<vmem>>)
    %dma_wait3A_509 = arith.constant 0 : i32
    %dma_wait3A_510 = tpu.memref_slice %arg4[%add3A_476, %dma_wait3A_509] : memref<819200x64xf32, #tpu.memory_space<hbm>> -> memref<800x64xf32, #tpu.memory_space<hbm>>
    %dma_wait3A_511 = arith.constant 0 : i32
    %dma_wait3A_512 = tpu.memref_slice %arg4[%add3A_476, %dma_wait3A_511] : memref<819200x64xf32, #tpu.memory_space<hbm>> -> memref<800x64xf32, #tpu.memory_space<hbm>>
    tpu.wait_dma2 semaphore(%arg14 : memref<!tpu.dma_semaphore, #tpu.memory_space<semaphore_mem>>) src(%arg8 : memref<800x64xf32, #tpu.memory_space<vmem>>) dst(%dma_wait3A_512 : memref<800x64xf32, #tpu.memory_space<hbm>>)
    %dma_start3A_513 = arith.constant 0 : i32
    %dma_start3A_514 = arith.constant 0 : i32
    %dma_start3A_515 = tpu.memref_slice %arg2[%dma_start3A_513, %dma_start3A_514] : memref<1000000x64xf32, #tpu.memory_space<hbm>> -> memref<1000000x64xf32, #tpu.memory_space<hbm>>
    tpu.enqueue_indirect_dma source(%dma_start3A_515 : memref<1000000x64xf32, #tpu.memory_space<hbm>>) target(%arg8 : memref<800x64xf32, #tpu.memory_space<vmem>>) offsets(%arg6 : memref<800xi32, #tpu.memory_space<vmem>>) semaphore(%arg12 : memref<!tpu.dma_semaphore, #tpu.memory_space<semaphore_mem>>)
    %dma_wait3A_516 = arith.constant 0 : i32
    %dma_wait3A_517 = arith.constant 0 : i32
    %dma_wait3A_518 = tpu.memref_slice %arg2[%dma_wait3A_516, %dma_wait3A_517] : memref<1000000x64xf32, #tpu.memory_space<hbm>> -> memref<1000000x64xf32, #tpu.memory_space<hbm>>
    tpu.wait_indirect_dma semaphore(%arg12 : memref<!tpu.dma_semaphore, #tpu.memory_space<semaphore_mem>>) src(%dma_wait3A_518 : memref<1000000x64xf32, #tpu.memory_space<hbm>>) dst(%arg8 : memref<800x64xf32, #tpu.memory_space<vmem>>)
    %add3A_519 = arith.constant 18400 : i32
    %add3A_520 = arith.addi %mul3A_2, %add3A_519 : i32
    %dma_start3A_521 = arith.constant 0 : i32
    %dma_start3A_522 = tpu.memref_slice %arg4[%add3A_520, %dma_start3A_521] : memref<819200x64xf32, #tpu.memory_space<hbm>> -> memref<800x64xf32, #tpu.memory_space<hbm>>
    %dma_start3A_523 = arith.constant 0 : i32
    %dma_start3A_524 = tpu.memref_slice %arg4[%add3A_520, %dma_start3A_523] : memref<819200x64xf32, #tpu.memory_space<hbm>> -> memref<800x64xf32, #tpu.memory_space<hbm>>
    tpu.enqueue_dma source(%arg8 : memref<800x64xf32, #tpu.memory_space<vmem>>) target(%dma_start3A_524 : memref<800x64xf32, #tpu.memory_space<hbm>>) target_semaphore(%arg14 : memref<!tpu.dma_semaphore, #tpu.memory_space<semaphore_mem>>)
    %add3A_525 = arith.constant 20000 : i32
    %add3A_526 = arith.addi %mul3A_2, %add3A_525 : i32
    %dma_start3A_527 = tpu.memref_slice %arg3[%add3A_526] : memref<819200xi32, #tpu.memory_space<hbm>> -> memref<800xi32, #tpu.memory_space<hbm>>
    %dma_start3A_528 = tpu.memref_slice %arg3[%add3A_526] : memref<819200xi32, #tpu.memory_space<hbm>> -> memref<800xi32, #tpu.memory_space<hbm>>
    tpu.enqueue_dma source(%dma_start3A_528 : memref<800xi32, #tpu.memory_space<hbm>>) target(%arg6 : memref<800xi32, #tpu.memory_space<vmem>>) target_semaphore(%arg10 : memref<!tpu.dma_semaphore, #tpu.memory_space<semaphore_mem>>)
    %dma_wait3A_529 = tpu.memref_slice %arg3[%add3A_504] : memref<819200xi32, #tpu.memory_space<hbm>> -> memref<800xi32, #tpu.memory_space<hbm>>
    %dma_wait3A_530 = tpu.memref_slice %arg3[%add3A_504] : memref<819200xi32, #tpu.memory_space<hbm>> -> memref<800xi32, #tpu.memory_space<hbm>>
    tpu.wait_dma2 semaphore(%arg9 : memref<!tpu.dma_semaphore, #tpu.memory_space<semaphore_mem>>) src(%dma_wait3A_530 : memref<800xi32, #tpu.memory_space<hbm>>) dst(%arg5 : memref<800xi32, #tpu.memory_space<vmem>>)
    %dma_wait3A_531 = arith.constant 0 : i32
    %dma_wait3A_532 = tpu.memref_slice %arg4[%add3A_498, %dma_wait3A_531] : memref<819200x64xf32, #tpu.memory_space<hbm>> -> memref<800x64xf32, #tpu.memory_space<hbm>>
    %dma_wait3A_533 = arith.constant 0 : i32
    %dma_wait3A_534 = tpu.memref_slice %arg4[%add3A_498, %dma_wait3A_533] : memref<819200x64xf32, #tpu.memory_space<hbm>> -> memref<800x64xf32, #tpu.memory_space<hbm>>
    tpu.wait_dma2 semaphore(%arg13 : memref<!tpu.dma_semaphore, #tpu.memory_space<semaphore_mem>>) src(%arg7 : memref<800x64xf32, #tpu.memory_space<vmem>>) dst(%dma_wait3A_534 : memref<800x64xf32, #tpu.memory_space<hbm>>)
    %dma_start3A_535 = arith.constant 0 : i32
    %dma_start3A_536 = arith.constant 0 : i32
    %dma_start3A_537 = tpu.memref_slice %arg2[%dma_start3A_535, %dma_start3A_536] : memref<1000000x64xf32, #tpu.memory_space<hbm>> -> memref<1000000x64xf32, #tpu.memory_space<hbm>>
    tpu.enqueue_indirect_dma source(%dma_start3A_537 : memref<1000000x64xf32, #tpu.memory_space<hbm>>) target(%arg7 : memref<800x64xf32, #tpu.memory_space<vmem>>) offsets(%arg5 : memref<800xi32, #tpu.memory_space<vmem>>) semaphore(%arg11 : memref<!tpu.dma_semaphore, #tpu.memory_space<semaphore_mem>>)
    %dma_wait3A_538 = arith.constant 0 : i32
    %dma_wait3A_539 = arith.constant 0 : i32
    %dma_wait3A_540 = tpu.memref_slice %arg2[%dma_wait3A_538, %dma_wait3A_539] : memref<1000000x64xf32, #tpu.memory_space<hbm>> -> memref<1000000x64xf32, #tpu.memory_space<hbm>>
    tpu.wait_indirect_dma semaphore(%arg11 : memref<!tpu.dma_semaphore, #tpu.memory_space<semaphore_mem>>) src(%dma_wait3A_540 : memref<1000000x64xf32, #tpu.memory_space<hbm>>) dst(%arg7 : memref<800x64xf32, #tpu.memory_space<vmem>>)
    %add3A_541 = arith.constant 19200 : i32
    %add3A_542 = arith.addi %mul3A_2, %add3A_541 : i32
    %dma_start3A_543 = arith.constant 0 : i32
    %dma_start3A_544 = tpu.memref_slice %arg4[%add3A_542, %dma_start3A_543] : memref<819200x64xf32, #tpu.memory_space<hbm>> -> memref<800x64xf32, #tpu.memory_space<hbm>>
    %dma_start3A_545 = arith.constant 0 : i32
    %dma_start3A_546 = tpu.memref_slice %arg4[%add3A_542, %dma_start3A_545] : memref<819200x64xf32, #tpu.memory_space<hbm>> -> memref<800x64xf32, #tpu.memory_space<hbm>>
    tpu.enqueue_dma source(%arg7 : memref<800x64xf32, #tpu.memory_space<vmem>>) target(%dma_start3A_546 : memref<800x64xf32, #tpu.memory_space<hbm>>) target_semaphore(%arg13 : memref<!tpu.dma_semaphore, #tpu.memory_space<semaphore_mem>>)
    %add3A_547 = arith.constant 20800 : i32
    %add3A_548 = arith.addi %mul3A_2, %add3A_547 : i32
    %dma_start3A_549 = tpu.memref_slice %arg3[%add3A_548] : memref<819200xi32, #tpu.memory_space<hbm>> -> memref<800xi32, #tpu.memory_space<hbm>>
    %dma_start3A_550 = tpu.memref_slice %arg3[%add3A_548] : memref<819200xi32, #tpu.memory_space<hbm>> -> memref<800xi32, #tpu.memory_space<hbm>>
    tpu.enqueue_dma source(%dma_start3A_550 : memref<800xi32, #tpu.memory_space<hbm>>) target(%arg5 : memref<800xi32, #tpu.memory_space<vmem>>) target_semaphore(%arg9 : memref<!tpu.dma_semaphore, #tpu.memory_space<semaphore_mem>>)
    %dma_wait3A_551 = tpu.memref_slice %arg3[%add3A_526] : memref<819200xi32, #tpu.memory_space<hbm>> -> memref<800xi32, #tpu.memory_space<hbm>>
    %dma_wait3A_552 = tpu.memref_slice %arg3[%add3A_526] : memref<819200xi32, #tpu.memory_space<hbm>> -> memref<800xi32, #tpu.memory_space<hbm>>
    tpu.wait_dma2 semaphore(%arg10 : memref<!tpu.dma_semaphore, #tpu.memory_space<semaphore_mem>>) src(%dma_wait3A_552 : memref<800xi32, #tpu.memory_space<hbm>>) dst(%arg6 : memref<800xi32, #tpu.memory_space<vmem>>)
    %dma_wait3A_553 = arith.constant 0 : i32
    %dma_wait3A_554 = tpu.memref_slice %arg4[%add3A_520, %dma_wait3A_553] : memref<819200x64xf32, #tpu.memory_space<hbm>> -> memref<800x64xf32, #tpu.memory_space<hbm>>
    %dma_wait3A_555 = arith.constant 0 : i32
    %dma_wait3A_556 = tpu.memref_slice %arg4[%add3A_520, %dma_wait3A_555] : memref<819200x64xf32, #tpu.memory_space<hbm>> -> memref<800x64xf32, #tpu.memory_space<hbm>>
    tpu.wait_dma2 semaphore(%arg14 : memref<!tpu.dma_semaphore, #tpu.memory_space<semaphore_mem>>) src(%arg8 : memref<800x64xf32, #tpu.memory_space<vmem>>) dst(%dma_wait3A_556 : memref<800x64xf32, #tpu.memory_space<hbm>>)
    %dma_start3A_557 = arith.constant 0 : i32
    %dma_start3A_558 = arith.constant 0 : i32
    %dma_start3A_559 = tpu.memref_slice %arg2[%dma_start3A_557, %dma_start3A_558] : memref<1000000x64xf32, #tpu.memory_space<hbm>> -> memref<1000000x64xf32, #tpu.memory_space<hbm>>
    tpu.enqueue_indirect_dma source(%dma_start3A_559 : memref<1000000x64xf32, #tpu.memory_space<hbm>>) target(%arg8 : memref<800x64xf32, #tpu.memory_space<vmem>>) offsets(%arg6 : memref<800xi32, #tpu.memory_space<vmem>>) semaphore(%arg12 : memref<!tpu.dma_semaphore, #tpu.memory_space<semaphore_mem>>)
    %dma_wait3A_560 = arith.constant 0 : i32
    %dma_wait3A_561 = arith.constant 0 : i32
    %dma_wait3A_562 = tpu.memref_slice %arg2[%dma_wait3A_560, %dma_wait3A_561] : memref<1000000x64xf32, #tpu.memory_space<hbm>> -> memref<1000000x64xf32, #tpu.memory_space<hbm>>
    tpu.wait_indirect_dma semaphore(%arg12 : memref<!tpu.dma_semaphore, #tpu.memory_space<semaphore_mem>>) src(%dma_wait3A_562 : memref<1000000x64xf32, #tpu.memory_space<hbm>>) dst(%arg8 : memref<800x64xf32, #tpu.memory_space<vmem>>)
    %add3A_563 = arith.constant 20000 : i32
    %add3A_564 = arith.addi %mul3A_2, %add3A_563 : i32
    %dma_start3A_565 = arith.constant 0 : i32
    %dma_start3A_566 = tpu.memref_slice %arg4[%add3A_564, %dma_start3A_565] : memref<819200x64xf32, #tpu.memory_space<hbm>> -> memref<800x64xf32, #tpu.memory_space<hbm>>
    %dma_start3A_567 = arith.constant 0 : i32
    %dma_start3A_568 = tpu.memref_slice %arg4[%add3A_564, %dma_start3A_567] : memref<819200x64xf32, #tpu.memory_space<hbm>> -> memref<800x64xf32, #tpu.memory_space<hbm>>
    tpu.enqueue_dma source(%arg8 : memref<800x64xf32, #tpu.memory_space<vmem>>) target(%dma_start3A_568 : memref<800x64xf32, #tpu.memory_space<hbm>>) target_semaphore(%arg14 : memref<!tpu.dma_semaphore, #tpu.memory_space<semaphore_mem>>)
    %add3A_569 = arith.constant 21600 : i32
    %add3A_570 = arith.addi %mul3A_2, %add3A_569 : i32
    %dma_start3A_571 = tpu.memref_slice %arg3[%add3A_570] : memref<819200xi32, #tpu.memory_space<hbm>> -> memref<800xi32, #tpu.memory_space<hbm>>
    %dma_start3A_572 = tpu.memref_slice %arg3[%add3A_570] : memref<819200xi32, #tpu.memory_space<hbm>> -> memref<800xi32, #tpu.memory_space<hbm>>
    tpu.enqueue_dma source(%dma_start3A_572 : memref<800xi32, #tpu.memory_space<hbm>>) target(%arg6 : memref<800xi32, #tpu.memory_space<vmem>>) target_semaphore(%arg10 : memref<!tpu.dma_semaphore, #tpu.memory_space<semaphore_mem>>)
    %dma_wait3A_573 = tpu.memref_slice %arg3[%add3A_548] : memref<819200xi32, #tpu.memory_space<hbm>> -> memref<800xi32, #tpu.memory_space<hbm>>
    %dma_wait3A_574 = tpu.memref_slice %arg3[%add3A_548] : memref<819200xi32, #tpu.memory_space<hbm>> -> memref<800xi32, #tpu.memory_space<hbm>>
    tpu.wait_dma2 semaphore(%arg9 : memref<!tpu.dma_semaphore, #tpu.memory_space<semaphore_mem>>) src(%dma_wait3A_574 : memref<800xi32, #tpu.memory_space<hbm>>) dst(%arg5 : memref<800xi32, #tpu.memory_space<vmem>>)
    %dma_wait3A_575 = arith.constant 0 : i32
    %dma_wait3A_576 = tpu.memref_slice %arg4[%add3A_542, %dma_wait3A_575] : memref<819200x64xf32, #tpu.memory_space<hbm>> -> memref<800x64xf32, #tpu.memory_space<hbm>>
    %dma_wait3A_577 = arith.constant 0 : i32
    %dma_wait3A_578 = tpu.memref_slice %arg4[%add3A_542, %dma_wait3A_577] : memref<819200x64xf32, #tpu.memory_space<hbm>> -> memref<800x64xf32, #tpu.memory_space<hbm>>
    tpu.wait_dma2 semaphore(%arg13 : memref<!tpu.dma_semaphore, #tpu.memory_space<semaphore_mem>>) src(%arg7 : memref<800x64xf32, #tpu.memory_space<vmem>>) dst(%dma_wait3A_578 : memref<800x64xf32, #tpu.memory_space<hbm>>)
    %dma_start3A_579 = arith.constant 0 : i32
    %dma_start3A_580 = arith.constant 0 : i32
    %dma_start3A_581 = tpu.memref_slice %arg2[%dma_start3A_579, %dma_start3A_580] : memref<1000000x64xf32, #tpu.memory_space<hbm>> -> memref<1000000x64xf32, #tpu.memory_space<hbm>>
    tpu.enqueue_indirect_dma source(%dma_start3A_581 : memref<1000000x64xf32, #tpu.memory_space<hbm>>) target(%arg7 : memref<800x64xf32, #tpu.memory_space<vmem>>) offsets(%arg5 : memref<800xi32, #tpu.memory_space<vmem>>) semaphore(%arg11 : memref<!tpu.dma_semaphore, #tpu.memory_space<semaphore_mem>>)
    %dma_wait3A_582 = arith.constant 0 : i32
    %dma_wait3A_583 = arith.constant 0 : i32
    %dma_wait3A_584 = tpu.memref_slice %arg2[%dma_wait3A_582, %dma_wait3A_583] : memref<1000000x64xf32, #tpu.memory_space<hbm>> -> memref<1000000x64xf32, #tpu.memory_space<hbm>>
    tpu.wait_indirect_dma semaphore(%arg11 : memref<!tpu.dma_semaphore, #tpu.memory_space<semaphore_mem>>) src(%dma_wait3A_584 : memref<1000000x64xf32, #tpu.memory_space<hbm>>) dst(%arg7 : memref<800x64xf32, #tpu.memory_space<vmem>>)
    %add3A_585 = arith.constant 20800 : i32
    %add3A_586 = arith.addi %mul3A_2, %add3A_585 : i32
    %dma_start3A_587 = arith.constant 0 : i32
    %dma_start3A_588 = tpu.memref_slice %arg4[%add3A_586, %dma_start3A_587] : memref<819200x64xf32, #tpu.memory_space<hbm>> -> memref<800x64xf32, #tpu.memory_space<hbm>>
    %dma_start3A_589 = arith.constant 0 : i32
    %dma_start3A_590 = tpu.memref_slice %arg4[%add3A_586, %dma_start3A_589] : memref<819200x64xf32, #tpu.memory_space<hbm>> -> memref<800x64xf32, #tpu.memory_space<hbm>>
    tpu.enqueue_dma source(%arg7 : memref<800x64xf32, #tpu.memory_space<vmem>>) target(%dma_start3A_590 : memref<800x64xf32, #tpu.memory_space<hbm>>) target_semaphore(%arg13 : memref<!tpu.dma_semaphore, #tpu.memory_space<semaphore_mem>>)
    %add3A_591 = arith.constant 22400 : i32
    %add3A_592 = arith.addi %mul3A_2, %add3A_591 : i32
    %dma_start3A_593 = tpu.memref_slice %arg3[%add3A_592] : memref<819200xi32, #tpu.memory_space<hbm>> -> memref<800xi32, #tpu.memory_space<hbm>>
    %dma_start3A_594 = tpu.memref_slice %arg3[%add3A_592] : memref<819200xi32, #tpu.memory_space<hbm>> -> memref<800xi32, #tpu.memory_space<hbm>>
    tpu.enqueue_dma source(%dma_start3A_594 : memref<800xi32, #tpu.memory_space<hbm>>) target(%arg5 : memref<800xi32, #tpu.memory_space<vmem>>) target_semaphore(%arg9 : memref<!tpu.dma_semaphore, #tpu.memory_space<semaphore_mem>>)
    %dma_wait3A_595 = tpu.memref_slice %arg3[%add3A_570] : memref<819200xi32, #tpu.memory_space<hbm>> -> memref<800xi32, #tpu.memory_space<hbm>>
    %dma_wait3A_596 = tpu.memref_slice %arg3[%add3A_570] : memref<819200xi32, #tpu.memory_space<hbm>> -> memref<800xi32, #tpu.memory_space<hbm>>
    tpu.wait_dma2 semaphore(%arg10 : memref<!tpu.dma_semaphore, #tpu.memory_space<semaphore_mem>>) src(%dma_wait3A_596 : memref<800xi32, #tpu.memory_space<hbm>>) dst(%arg6 : memref<800xi32, #tpu.memory_space<vmem>>)
    %dma_wait3A_597 = arith.constant 0 : i32
    %dma_wait3A_598 = tpu.memref_slice %arg4[%add3A_564, %dma_wait3A_597] : memref<819200x64xf32, #tpu.memory_space<hbm>> -> memref<800x64xf32, #tpu.memory_space<hbm>>
    %dma_wait3A_599 = arith.constant 0 : i32
    %dma_wait3A_600 = tpu.memref_slice %arg4[%add3A_564, %dma_wait3A_599] : memref<819200x64xf32, #tpu.memory_space<hbm>> -> memref<800x64xf32, #tpu.memory_space<hbm>>
    tpu.wait_dma2 semaphore(%arg14 : memref<!tpu.dma_semaphore, #tpu.memory_space<semaphore_mem>>) src(%arg8 : memref<800x64xf32, #tpu.memory_space<vmem>>) dst(%dma_wait3A_600 : memref<800x64xf32, #tpu.memory_space<hbm>>)
    %dma_start3A_601 = arith.constant 0 : i32
    %dma_start3A_602 = arith.constant 0 : i32
    %dma_start3A_603 = tpu.memref_slice %arg2[%dma_start3A_601, %dma_start3A_602] : memref<1000000x64xf32, #tpu.memory_space<hbm>> -> memref<1000000x64xf32, #tpu.memory_space<hbm>>
    tpu.enqueue_indirect_dma source(%dma_start3A_603 : memref<1000000x64xf32, #tpu.memory_space<hbm>>) target(%arg8 : memref<800x64xf32, #tpu.memory_space<vmem>>) offsets(%arg6 : memref<800xi32, #tpu.memory_space<vmem>>) semaphore(%arg12 : memref<!tpu.dma_semaphore, #tpu.memory_space<semaphore_mem>>)
    %dma_wait3A_604 = arith.constant 0 : i32
    %dma_wait3A_605 = arith.constant 0 : i32
    %dma_wait3A_606 = tpu.memref_slice %arg2[%dma_wait3A_604, %dma_wait3A_605] : memref<1000000x64xf32, #tpu.memory_space<hbm>> -> memref<1000000x64xf32, #tpu.memory_space<hbm>>
    tpu.wait_indirect_dma semaphore(%arg12 : memref<!tpu.dma_semaphore, #tpu.memory_space<semaphore_mem>>) src(%dma_wait3A_606 : memref<1000000x64xf32, #tpu.memory_space<hbm>>) dst(%arg8 : memref<800x64xf32, #tpu.memory_space<vmem>>)
    %add3A_607 = arith.constant 21600 : i32
    %add3A_608 = arith.addi %mul3A_2, %add3A_607 : i32
    %dma_start3A_609 = arith.constant 0 : i32
    %dma_start3A_610 = tpu.memref_slice %arg4[%add3A_608, %dma_start3A_609] : memref<819200x64xf32, #tpu.memory_space<hbm>> -> memref<800x64xf32, #tpu.memory_space<hbm>>
    %dma_start3A_611 = arith.constant 0 : i32
    %dma_start3A_612 = tpu.memref_slice %arg4[%add3A_608, %dma_start3A_611] : memref<819200x64xf32, #tpu.memory_space<hbm>> -> memref<800x64xf32, #tpu.memory_space<hbm>>
    tpu.enqueue_dma source(%arg8 : memref<800x64xf32, #tpu.memory_space<vmem>>) target(%dma_start3A_612 : memref<800x64xf32, #tpu.memory_space<hbm>>) target_semaphore(%arg14 : memref<!tpu.dma_semaphore, #tpu.memory_space<semaphore_mem>>)
    %add3A_613 = arith.constant 23200 : i32
    %add3A_614 = arith.addi %mul3A_2, %add3A_613 : i32
    %dma_start3A_615 = tpu.memref_slice %arg3[%add3A_614] : memref<819200xi32, #tpu.memory_space<hbm>> -> memref<800xi32, #tpu.memory_space<hbm>>
    %dma_start3A_616 = tpu.memref_slice %arg3[%add3A_614] : memref<819200xi32, #tpu.memory_space<hbm>> -> memref<800xi32, #tpu.memory_space<hbm>>
    tpu.enqueue_dma source(%dma_start3A_616 : memref<800xi32, #tpu.memory_space<hbm>>) target(%arg6 : memref<800xi32, #tpu.memory_space<vmem>>) target_semaphore(%arg10 : memref<!tpu.dma_semaphore, #tpu.memory_space<semaphore_mem>>)
    %dma_wait3A_617 = tpu.memref_slice %arg3[%add3A_592] : memref<819200xi32, #tpu.memory_space<hbm>> -> memref<800xi32, #tpu.memory_space<hbm>>
    %dma_wait3A_618 = tpu.memref_slice %arg3[%add3A_592] : memref<819200xi32, #tpu.memory_space<hbm>> -> memref<800xi32, #tpu.memory_space<hbm>>
    tpu.wait_dma2 semaphore(%arg9 : memref<!tpu.dma_semaphore, #tpu.memory_space<semaphore_mem>>) src(%dma_wait3A_618 : memref<800xi32, #tpu.memory_space<hbm>>) dst(%arg5 : memref<800xi32, #tpu.memory_space<vmem>>)
    %dma_wait3A_619 = arith.constant 0 : i32
    %dma_wait3A_620 = tpu.memref_slice %arg4[%add3A_586, %dma_wait3A_619] : memref<819200x64xf32, #tpu.memory_space<hbm>> -> memref<800x64xf32, #tpu.memory_space<hbm>>
    %dma_wait3A_621 = arith.constant 0 : i32
    %dma_wait3A_622 = tpu.memref_slice %arg4[%add3A_586, %dma_wait3A_621] : memref<819200x64xf32, #tpu.memory_space<hbm>> -> memref<800x64xf32, #tpu.memory_space<hbm>>
    tpu.wait_dma2 semaphore(%arg13 : memref<!tpu.dma_semaphore, #tpu.memory_space<semaphore_mem>>) src(%arg7 : memref<800x64xf32, #tpu.memory_space<vmem>>) dst(%dma_wait3A_622 : memref<800x64xf32, #tpu.memory_space<hbm>>)
    %dma_start3A_623 = arith.constant 0 : i32
    %dma_start3A_624 = arith.constant 0 : i32
    %dma_start3A_625 = tpu.memref_slice %arg2[%dma_start3A_623, %dma_start3A_624] : memref<1000000x64xf32, #tpu.memory_space<hbm>> -> memref<1000000x64xf32, #tpu.memory_space<hbm>>
    tpu.enqueue_indirect_dma source(%dma_start3A_625 : memref<1000000x64xf32, #tpu.memory_space<hbm>>) target(%arg7 : memref<800x64xf32, #tpu.memory_space<vmem>>) offsets(%arg5 : memref<800xi32, #tpu.memory_space<vmem>>) semaphore(%arg11 : memref<!tpu.dma_semaphore, #tpu.memory_space<semaphore_mem>>)
    %dma_wait3A_626 = arith.constant 0 : i32
    %dma_wait3A_627 = arith.constant 0 : i32
    %dma_wait3A_628 = tpu.memref_slice %arg2[%dma_wait3A_626, %dma_wait3A_627] : memref<1000000x64xf32, #tpu.memory_space<hbm>> -> memref<1000000x64xf32, #tpu.memory_space<hbm>>
    tpu.wait_indirect_dma semaphore(%arg11 : memref<!tpu.dma_semaphore, #tpu.memory_space<semaphore_mem>>) src(%dma_wait3A_628 : memref<1000000x64xf32, #tpu.memory_space<hbm>>) dst(%arg7 : memref<800x64xf32, #tpu.memory_space<vmem>>)
    %add3A_629 = arith.constant 22400 : i32
    %add3A_630 = arith.addi %mul3A_2, %add3A_629 : i32
    %dma_start3A_631 = arith.constant 0 : i32
    %dma_start3A_632 = tpu.memref_slice %arg4[%add3A_630, %dma_start3A_631] : memref<819200x64xf32, #tpu.memory_space<hbm>> -> memref<800x64xf32, #tpu.memory_space<hbm>>
    %dma_start3A_633 = arith.constant 0 : i32
    %dma_start3A_634 = tpu.memref_slice %arg4[%add3A_630, %dma_start3A_633] : memref<819200x64xf32, #tpu.memory_space<hbm>> -> memref<800x64xf32, #tpu.memory_space<hbm>>
    tpu.enqueue_dma source(%arg7 : memref<800x64xf32, #tpu.memory_space<vmem>>) target(%dma_start3A_634 : memref<800x64xf32, #tpu.memory_space<hbm>>) target_semaphore(%arg13 : memref<!tpu.dma_semaphore, #tpu.memory_space<semaphore_mem>>)
    %add3A_635 = arith.constant 24000 : i32
    %add3A_636 = arith.addi %mul3A_2, %add3A_635 : i32
    %dma_start3A_637 = tpu.memref_slice %arg3[%add3A_636] : memref<819200xi32, #tpu.memory_space<hbm>> -> memref<800xi32, #tpu.memory_space<hbm>>
    %dma_start3A_638 = tpu.memref_slice %arg3[%add3A_636] : memref<819200xi32, #tpu.memory_space<hbm>> -> memref<800xi32, #tpu.memory_space<hbm>>
    tpu.enqueue_dma source(%dma_start3A_638 : memref<800xi32, #tpu.memory_space<hbm>>) target(%arg5 : memref<800xi32, #tpu.memory_space<vmem>>) target_semaphore(%arg9 : memref<!tpu.dma_semaphore, #tpu.memory_space<semaphore_mem>>)
    %dma_wait3A_639 = tpu.memref_slice %arg3[%add3A_614] : memref<819200xi32, #tpu.memory_space<hbm>> -> memref<800xi32, #tpu.memory_space<hbm>>
    %dma_wait3A_640 = tpu.memref_slice %arg3[%add3A_614] : memref<819200xi32, #tpu.memory_space<hbm>> -> memref<800xi32, #tpu.memory_space<hbm>>
    tpu.wait_dma2 semaphore(%arg10 : memref<!tpu.dma_semaphore, #tpu.memory_space<semaphore_mem>>) src(%dma_wait3A_640 : memref<800xi32, #tpu.memory_space<hbm>>) dst(%arg6 : memref<800xi32, #tpu.memory_space<vmem>>)
    %dma_wait3A_641 = arith.constant 0 : i32
    %dma_wait3A_642 = tpu.memref_slice %arg4[%add3A_608, %dma_wait3A_641] : memref<819200x64xf32, #tpu.memory_space<hbm>> -> memref<800x64xf32, #tpu.memory_space<hbm>>
    %dma_wait3A_643 = arith.constant 0 : i32
    %dma_wait3A_644 = tpu.memref_slice %arg4[%add3A_608, %dma_wait3A_643] : memref<819200x64xf32, #tpu.memory_space<hbm>> -> memref<800x64xf32, #tpu.memory_space<hbm>>
    tpu.wait_dma2 semaphore(%arg14 : memref<!tpu.dma_semaphore, #tpu.memory_space<semaphore_mem>>) src(%arg8 : memref<800x64xf32, #tpu.memory_space<vmem>>) dst(%dma_wait3A_644 : memref<800x64xf32, #tpu.memory_space<hbm>>)
    %dma_start3A_645 = arith.constant 0 : i32
    %dma_start3A_646 = arith.constant 0 : i32
    %dma_start3A_647 = tpu.memref_slice %arg2[%dma_start3A_645, %dma_start3A_646] : memref<1000000x64xf32, #tpu.memory_space<hbm>> -> memref<1000000x64xf32, #tpu.memory_space<hbm>>
    tpu.enqueue_indirect_dma source(%dma_start3A_647 : memref<1000000x64xf32, #tpu.memory_space<hbm>>) target(%arg8 : memref<800x64xf32, #tpu.memory_space<vmem>>) offsets(%arg6 : memref<800xi32, #tpu.memory_space<vmem>>) semaphore(%arg12 : memref<!tpu.dma_semaphore, #tpu.memory_space<semaphore_mem>>)
    %dma_wait3A_648 = arith.constant 0 : i32
    %dma_wait3A_649 = arith.constant 0 : i32
    %dma_wait3A_650 = tpu.memref_slice %arg2[%dma_wait3A_648, %dma_wait3A_649] : memref<1000000x64xf32, #tpu.memory_space<hbm>> -> memref<1000000x64xf32, #tpu.memory_space<hbm>>
    tpu.wait_indirect_dma semaphore(%arg12 : memref<!tpu.dma_semaphore, #tpu.memory_space<semaphore_mem>>) src(%dma_wait3A_650 : memref<1000000x64xf32, #tpu.memory_space<hbm>>) dst(%arg8 : memref<800x64xf32, #tpu.memory_space<vmem>>)
    %add3A_651 = arith.constant 23200 : i32
    %add3A_652 = arith.addi %mul3A_2, %add3A_651 : i32
    %dma_start3A_653 = arith.constant 0 : i32
    %dma_start3A_654 = tpu.memref_slice %arg4[%add3A_652, %dma_start3A_653] : memref<819200x64xf32, #tpu.memory_space<hbm>> -> memref<800x64xf32, #tpu.memory_space<hbm>>
    %dma_start3A_655 = arith.constant 0 : i32
    %dma_start3A_656 = tpu.memref_slice %arg4[%add3A_652, %dma_start3A_655] : memref<819200x64xf32, #tpu.memory_space<hbm>> -> memref<800x64xf32, #tpu.memory_space<hbm>>
    tpu.enqueue_dma source(%arg8 : memref<800x64xf32, #tpu.memory_space<vmem>>) target(%dma_start3A_656 : memref<800x64xf32, #tpu.memory_space<hbm>>) target_semaphore(%arg14 : memref<!tpu.dma_semaphore, #tpu.memory_space<semaphore_mem>>)
    %add3A_657 = arith.constant 24800 : i32
    %add3A_658 = arith.addi %mul3A_2, %add3A_657 : i32
    %dma_start3A_659 = tpu.memref_slice %arg3[%add3A_658] : memref<819200xi32, #tpu.memory_space<hbm>> -> memref<800xi32, #tpu.memory_space<hbm>>
    %dma_start3A_660 = tpu.memref_slice %arg3[%add3A_658] : memref<819200xi32, #tpu.memory_space<hbm>> -> memref<800xi32, #tpu.memory_space<hbm>>
    tpu.enqueue_dma source(%dma_start3A_660 : memref<800xi32, #tpu.memory_space<hbm>>) target(%arg6 : memref<800xi32, #tpu.memory_space<vmem>>) target_semaphore(%arg10 : memref<!tpu.dma_semaphore, #tpu.memory_space<semaphore_mem>>)
    %dma_wait3A_661 = tpu.memref_slice %arg3[%add3A_636] : memref<819200xi32, #tpu.memory_space<hbm>> -> memref<800xi32, #tpu.memory_space<hbm>>
    %dma_wait3A_662 = tpu.memref_slice %arg3[%add3A_636] : memref<819200xi32, #tpu.memory_space<hbm>> -> memref<800xi32, #tpu.memory_space<hbm>>
    tpu.wait_dma2 semaphore(%arg9 : memref<!tpu.dma_semaphore, #tpu.memory_space<semaphore_mem>>) src(%dma_wait3A_662 : memref<800xi32, #tpu.memory_space<hbm>>) dst(%arg5 : memref<800xi32, #tpu.memory_space<vmem>>)
    %dma_wait3A_663 = arith.constant 0 : i32
    %dma_wait3A_664 = tpu.memref_slice %arg4[%add3A_630, %dma_wait3A_663] : memref<819200x64xf32, #tpu.memory_space<hbm>> -> memref<800x64xf32, #tpu.memory_space<hbm>>
    %dma_wait3A_665 = arith.constant 0 : i32
    %dma_wait3A_666 = tpu.memref_slice %arg4[%add3A_630, %dma_wait3A_665] : memref<819200x64xf32, #tpu.memory_space<hbm>> -> memref<800x64xf32, #tpu.memory_space<hbm>>
    tpu.wait_dma2 semaphore(%arg13 : memref<!tpu.dma_semaphore, #tpu.memory_space<semaphore_mem>>) src(%arg7 : memref<800x64xf32, #tpu.memory_space<vmem>>) dst(%dma_wait3A_666 : memref<800x64xf32, #tpu.memory_space<hbm>>)
    %dma_start3A_667 = arith.constant 0 : i32
    %dma_start3A_668 = arith.constant 0 : i32
    %dma_start3A_669 = tpu.memref_slice %arg2[%dma_start3A_667, %dma_start3A_668] : memref<1000000x64xf32, #tpu.memory_space<hbm>> -> memref<1000000x64xf32, #tpu.memory_space<hbm>>
    tpu.enqueue_indirect_dma source(%dma_start3A_669 : memref<1000000x64xf32, #tpu.memory_space<hbm>>) target(%arg7 : memref<800x64xf32, #tpu.memory_space<vmem>>) offsets(%arg5 : memref<800xi32, #tpu.memory_space<vmem>>) semaphore(%arg11 : memref<!tpu.dma_semaphore, #tpu.memory_space<semaphore_mem>>)
    %dma_wait3A_670 = arith.constant 0 : i32
    %dma_wait3A_671 = arith.constant 0 : i32
    %dma_wait3A_672 = tpu.memref_slice %arg2[%dma_wait3A_670, %dma_wait3A_671] : memref<1000000x64xf32, #tpu.memory_space<hbm>> -> memref<1000000x64xf32, #tpu.memory_space<hbm>>
    tpu.wait_indirect_dma semaphore(%arg11 : memref<!tpu.dma_semaphore, #tpu.memory_space<semaphore_mem>>) src(%dma_wait3A_672 : memref<1000000x64xf32, #tpu.memory_space<hbm>>) dst(%arg7 : memref<800x64xf32, #tpu.memory_space<vmem>>)
    %add3A_673 = arith.constant 24000 : i32
    %add3A_674 = arith.addi %mul3A_2, %add3A_673 : i32
    %dma_start3A_675 = arith.constant 0 : i32
    %dma_start3A_676 = tpu.memref_slice %arg4[%add3A_674, %dma_start3A_675] : memref<819200x64xf32, #tpu.memory_space<hbm>> -> memref<800x64xf32, #tpu.memory_space<hbm>>
    %dma_start3A_677 = arith.constant 0 : i32
    %dma_start3A_678 = tpu.memref_slice %arg4[%add3A_674, %dma_start3A_677] : memref<819200x64xf32, #tpu.memory_space<hbm>> -> memref<800x64xf32, #tpu.memory_space<hbm>>
    tpu.enqueue_dma source(%arg7 : memref<800x64xf32, #tpu.memory_space<vmem>>) target(%dma_start3A_678 : memref<800x64xf32, #tpu.memory_space<hbm>>) target_semaphore(%arg13 : memref<!tpu.dma_semaphore, #tpu.memory_space<semaphore_mem>>)
    %dma_wait3A_679 = tpu.memref_slice %arg3[%add3A_658] : memref<819200xi32, #tpu.memory_space<hbm>> -> memref<800xi32, #tpu.memory_space<hbm>>
    %dma_wait3A_680 = tpu.memref_slice %arg3[%add3A_658] : memref<819200xi32, #tpu.memory_space<hbm>> -> memref<800xi32, #tpu.memory_space<hbm>>
    tpu.wait_dma2 semaphore(%arg10 : memref<!tpu.dma_semaphore, #tpu.memory_space<semaphore_mem>>) src(%dma_wait3A_680 : memref<800xi32, #tpu.memory_space<hbm>>) dst(%arg6 : memref<800xi32, #tpu.memory_space<vmem>>)
    %dma_wait3A_681 = arith.constant 0 : i32
    %dma_wait3A_682 = tpu.memref_slice %arg4[%add3A_652, %dma_wait3A_681] : memref<819200x64xf32, #tpu.memory_space<hbm>> -> memref<800x64xf32, #tpu.memory_space<hbm>>
    %dma_wait3A_683 = arith.constant 0 : i32
    %dma_wait3A_684 = tpu.memref_slice %arg4[%add3A_652, %dma_wait3A_683] : memref<819200x64xf32, #tpu.memory_space<hbm>> -> memref<800x64xf32, #tpu.memory_space<hbm>>
    tpu.wait_dma2 semaphore(%arg14 : memref<!tpu.dma_semaphore, #tpu.memory_space<semaphore_mem>>) src(%arg8 : memref<800x64xf32, #tpu.memory_space<vmem>>) dst(%dma_wait3A_684 : memref<800x64xf32, #tpu.memory_space<hbm>>)
    %dma_start3A_685 = arith.constant 0 : i32
    %dma_start3A_686 = arith.constant 0 : i32
    %dma_start3A_687 = tpu.memref_slice %arg2[%dma_start3A_685, %dma_start3A_686] : memref<1000000x64xf32, #tpu.memory_space<hbm>> -> memref<1000000x64xf32, #tpu.memory_space<hbm>>
    tpu.enqueue_indirect_dma source(%dma_start3A_687 : memref<1000000x64xf32, #tpu.memory_space<hbm>>) target(%arg8 : memref<800x64xf32, #tpu.memory_space<vmem>>) offsets(%arg6 : memref<800xi32, #tpu.memory_space<vmem>>) semaphore(%arg12 : memref<!tpu.dma_semaphore, #tpu.memory_space<semaphore_mem>>)
    %dma_wait3A_688 = arith.constant 0 : i32
    %dma_wait3A_689 = arith.constant 0 : i32
    %dma_wait3A_690 = tpu.memref_slice %arg2[%dma_wait3A_688, %dma_wait3A_689] : memref<1000000x64xf32, #tpu.memory_space<hbm>> -> memref<1000000x64xf32, #tpu.memory_space<hbm>>
    tpu.wait_indirect_dma semaphore(%arg12 : memref<!tpu.dma_semaphore, #tpu.memory_space<semaphore_mem>>) src(%dma_wait3A_690 : memref<1000000x64xf32, #tpu.memory_space<hbm>>) dst(%arg8 : memref<800x64xf32, #tpu.memory_space<vmem>>)
    %add3A_691 = arith.constant 24800 : i32
    %add3A_692 = arith.addi %mul3A_2, %add3A_691 : i32
    %dma_start3A_693 = arith.constant 0 : i32
    %dma_start3A_694 = tpu.memref_slice %arg4[%add3A_692, %dma_start3A_693] : memref<819200x64xf32, #tpu.memory_space<hbm>> -> memref<800x64xf32, #tpu.memory_space<hbm>>
    %dma_start3A_695 = arith.constant 0 : i32
    %dma_start3A_696 = tpu.memref_slice %arg4[%add3A_692, %dma_start3A_695] : memref<819200x64xf32, #tpu.memory_space<hbm>> -> memref<800x64xf32, #tpu.memory_space<hbm>>
    tpu.enqueue_dma source(%arg8 : memref<800x64xf32, #tpu.memory_space<vmem>>) target(%dma_start3A_696 : memref<800x64xf32, #tpu.memory_space<hbm>>) target_semaphore(%arg14 : memref<!tpu.dma_semaphore, #tpu.memory_space<semaphore_mem>>)
    %dma_wait3A_697 = arith.constant 0 : i32
    %dma_wait3A_698 = tpu.memref_slice %arg4[%add3A_674, %dma_wait3A_697] : memref<819200x64xf32, #tpu.memory_space<hbm>> -> memref<800x64xf32, #tpu.memory_space<hbm>>
    %dma_wait3A_699 = arith.constant 0 : i32
    %dma_wait3A_700 = tpu.memref_slice %arg4[%add3A_674, %dma_wait3A_699] : memref<819200x64xf32, #tpu.memory_space<hbm>> -> memref<800x64xf32, #tpu.memory_space<hbm>>
    tpu.wait_dma2 semaphore(%arg13 : memref<!tpu.dma_semaphore, #tpu.memory_space<semaphore_mem>>) src(%arg7 : memref<800x64xf32, #tpu.memory_space<vmem>>) dst(%dma_wait3A_700 : memref<800x64xf32, #tpu.memory_space<hbm>>)
    %dma_wait3A_701 = arith.constant 0 : i32
    %dma_wait3A_702 = tpu.memref_slice %arg4[%add3A_692, %dma_wait3A_701] : memref<819200x64xf32, #tpu.memory_space<hbm>> -> memref<800x64xf32, #tpu.memory_space<hbm>>
    %dma_wait3A_703 = arith.constant 0 : i32
    %dma_wait3A_704 = tpu.memref_slice %arg4[%add3A_692, %dma_wait3A_703] : memref<819200x64xf32, #tpu.memory_space<hbm>> -> memref<800x64xf32, #tpu.memory_space<hbm>>
    tpu.wait_dma2 semaphore(%arg14 : memref<!tpu.dma_semaphore, #tpu.memory_space<semaphore_mem>>) src(%arg8 : memref<800x64xf32, #tpu.memory_space<vmem>>) dst(%dma_wait3A_704 : memref<800x64xf32, #tpu.memory_space<hbm>>)
    return
  }
}

</mosaic_0001>

<sc_bundles>
// kernel: kernel.3.cloned.1.call-start
scs
__scs_entry_jumppad:
0x0: {  	(pc) =	sbr.rel $0x88, $3  }
0x1: {  	(tag) =	ssettag $0x0;
	lr =	simm.s32 $0x1  }
0x2: {  	[smem:$0x3F9F] =	sst lr;
	_ =	strace $0xD0000000  }
0x3: {  	_ = 	snop  }
0x4: {  	_ = 	snop  }
0x5: {  	_ = 	snop  }
0x6: {  	_ = 	snop  }
0x7: {  	_ = 	snop  }
__scs_overlays_trampoline_lowered:
0x8: {  	[smem:$0x3FAE] =	sst s0  }
0x9: {  	[smem:$0x3FAF] =	sst s1  }
0xa: {  	[smem:$0x3FB0] =	sst s2  }
0xb: {  	[smem:$0x3FB1] =	sst s3  }
0xc: {  	[smem:$0x3FB2] =	sst s4  }
0xd: {  	[smem:$0x3FB3] =	sst s5  }
0xe: {  	[smem:$0x3FB4] =	sst s6  }
0xf: {  	[smem:$0x3FB5] =	sst s7  }
0x10: {  	[smem:$0x3FB6] =	sst s8  }
0x11: {  	[smem:$0x3FB7] =	sst s9;
	s0 =	simm.s32 @!p0 $0x0  }
0x12: {  	s1 =	sld [smem:$0x3F9D];
	s0 =	simm.s32 @p0 $0x1  }
0x13: {  	[smem:$0x3FB8] =	sst s0;
	s0 =	simm.s32 @!p1 $0x0  }
0x14: {  	s2 =	sld [smem:$0x3F9C];
	s0 =	simm.s32 @p1 $0x1  }
0x15: {  	[smem:$0x3FB9] =	sst s0;
	s0 =	simm.s32 @!p2 $0x0  }
0x16: {  	s3 =	sld [smem:$0x3FDB];
	s0 =	simm.s32 @p2 $0x1  }
0x17: {  	s4 =	simm.s32 $0x1BF5;
	[smem:$0x3FBB] =	sst s0  }
0x18: {  	s0 =	sld [smem:$0x3F9E];
	_ =	swait.ge [sflag:s4], $0x0  }
0x19: {  	s7 =	sld [smem:$0x3F9F]  }
0x1a: {  	s8 =	sadd.s32 $0xFFFFE003, lr  }
0x1b: {  	s9 =	sadd.s32 $0xFFFFFEF7, lr;
	s5 =	simm.s32 $0xFFFFFFFF;
	p2 =	slt.u32 s8, $0xFFFFF086  }
0x1c: {  	p1 =	slt.u32 s9, $0xF7A;
	s5 =	simm.s32 @!p2 $0x0  }
0x1d: {  	s5 =	simm.s32 @p1 $0x1;
	p0 =	seq.s32 s7, s2  }
0x1e: {  	s7 =	smul.u32 @!p0 $0xF7A, s2;
	p2 =	seq.s32 @!p0 s5, $0x0  }
0x1f: {  	s9 =	smul.u32 $0xF7A, s1;
	s8 =	simm.s32 @!p0 $0x1BF5;
	p2 =	por !p2, p0  }
0x20: {  	[sflag:s8] =	ssyncset.s32 @!p0 $0xFFFFF086;
	s6 =	sadd.s32 @!p0 s3, s7;
	s7 =	simm.s32 @!p0 $0x108  }
0x21: {  	s3 =	sadd.s32 s3, s9;
	s6 =	sadd.s32 @!p0 $0x88, s6;
	s7 =	simm.s32 @p2 $0x1082  }
0x22: {  	[simem:s7], [sflag:s8] =	dma.local @!p0 [hbm:s6], $0xF7A  }
0x23: {  	s9 =	sor.u32 $0xD0000000, s2;
	s6 =	simm.s32 $0x108;
	_ =	swait.ge @!p0 [sflag:s8], $0x0  }
0x24: {  	s3 =	sadd.s32 $0x88, s3;
	s6 =	simm.s32 @!p1 $0x1082;
	[sflag:s4] =	ssyncset.s32 $0xFFFFF086  }
0x25: {  	[simem:s6], [sflag:s4] =	dma.local [hbm:s3], $0xF7A  }
0x26: {  	[smem:$0x3F9F] =	sst s1;
	(tag) =	ssettag s2;
	_ =	strace s9  }
0x27: {  	s1 =	sld [smem:$0x3FAF]  }
0x28: {  	s2 =	sld [smem:$0x3FB0]  }
0x29: {  	s4 =	sld [smem:$0x3FB2]  }
0x2a: {  	p0 =	seq.s32 s5, $0x0;
	s5 =	sld [smem:$0x3FB3]  }
0x2b: {  	s6 =	sld [smem:$0x3FB4]  }
0x2c: {  	s7 =	sld [smem:$0x3FB5]  }
0x2d: {  	s3 =	simm.s32 $0x108;
	s8 =	sld [smem:$0x3FB6]  }
0x2e: {  	s3 =	simm.s32 @!p0 $0x1082;
	s9 =	sld [smem:$0x3FB7]  }
0x2f: {  	lr =	sadd.s32 s0, s3;
	s0 =	sld [smem:$0x3FAE]  }
0x30: {  	s3 =	sld [smem:$0x3FB1]  }
0x31: {  	[smem:$0x3FBA] =	sst s10  }
0x32: {  	s10 =	sld [smem:$0x3FB8];
	_ =	sdelay $0x3  }
0x33: {  	p0 =	seq.s32 s10, $0x1;
	s10 =	sld [smem:$0x3FBA];
	_ =	sdelay $0x3  }
0x34: {  	[smem:$0x3FBA] =	sst s10  }
0x35: {  	s10 =	sld [smem:$0x3FB9];
	_ =	sdelay $0x3  }
0x36: {  	p1 =	seq.s32 s10, $0x1;
	s10 =	sld [smem:$0x3FBA];
	_ =	sdelay $0x3  }
0x37: {  	[smem:$0x3FBA] =	sst s10  }
0x38: {  	s10 =	sld [smem:$0x3FBB]  }
0x39: {  	_ = 	snop;
	(pc) =	sbr.ind lr, $3  }
0x3a: {  	_ = 	snop  }
0x3b: {  	_ = 	snop  }
0x3c: {  	p2 =	seq.s32 s10, $0x1;
	s10 =	sld [smem:$0x3FBA]  }
0x3d: {  	_ =	shalt  }
0x3e: {  	_ =	shalt  }
0x3f: {  	_ =	shalt  }
0x40: {  	_ =	shalt  }
0x41: {  	_ =	shalt  }
0x42: {  	_ =	shalt  }
0x43: {  	_ =	shalt  }
0x44: {  	_ =	shalt  }
0x45: {  	_ =	shalt  }
0x46: {  	_ =	shalt  }
0x47: {  	_ =	shalt  }
0x48: {  	_ =	shalt  }
0x49: {  	_ =	shalt  }
0x4a: {  	_ =	shalt  }
0x4b: {  	_ =	shalt  }
0x4c: {  	_ =	shalt  }
0x4d: {  	_ =	shalt  }
0x4e: {  	_ =	shalt  }
0x4f: {  	_ =	shalt  }
0x50: {  	_ =	shalt  }
0x51: {  	_ =	shalt  }
0x52: {  	_ =	shalt  }
0x53: {  	_ =	shalt  }
0x54: {  	_ =	shalt  }
0x55: {  	_ =	shalt  }
0x56: {  	_ =	shalt  }
0x57: {  	_ =	shalt  }
0x58: {  	_ =	shalt  }
0x59: {  	_ =	shalt  }
0x5a: {  	_ =	shalt  }
0x5b: {  	_ =	shalt  }
0x5c: {  	_ =	shalt  }
0x5d: {  	_ =	shalt  }
0x5e: {  	_ =	shalt  }
0x5f: {  	_ =	shalt  }
0x60: {  	_ =	shalt  }
0x61: {  	_ =	shalt  }
0x62: {  	_ =	shalt  }
0x63: {  	_ =	shalt  }
0x64: {  	_ =	shalt  }
0x65: {  	_ =	shalt  }
0x66: {  	_ =	shalt  }
0x67: {  	_ =	shalt  }
0x68: {  	_ =	shalt  }
0x69: {  	_ =	shalt  }
0x6a: {  	_ =	shalt  }
0x6b: {  	_ =	shalt  }
0x6c: {  	_ =	shalt  }
0x6d: {  	_ =	shalt  }
0x6e: {  	_ =	shalt  }
0x6f: {  	_ =	shalt  }
0x70: {  	_ =	shalt  }
0x71: {  	_ =	shalt  }
0x72: {  	_ =	shalt  }
0x73: {  	_ =	shalt  }
0x74: {  	_ =	shalt  }
0x75: {  	_ =	shalt  }
0x76: {  	_ =	shalt  }
0x77: {  	_ =	shalt  }
0x78: {  	_ =	shalt  }
0x79: {  	_ =	shalt  }
0x7a: {  	_ =	shalt  }
0x7b: {  	_ =	shalt  }
0x7c: {  	_ =	shalt  }
0x7d: {  	_ =	shalt  }
0x7e: {  	_ =	shalt  }
0x7f: {  	_ =	shalt  }
0x80: {  	_ =	shalt  }
0x81: {  	_ =	shalt  }
0x82: {  	_ =	shalt  }
0x83: {  	_ =	shalt  }
0x84: {  	_ =	shalt  }
0x85: {  	_ =	shalt  }
0x86: {  	_ =	shalt  }
0x87: {  	_ =	shalt  }
.Lfunc_end0:
.L_simem_size_0:
called_computation.1_lowered:
.L_overlay_start_0:
0x88: {  	s2 =	sld [smem:$0x3FD9]  }
0x89: {  	s3 =	sld [smem:$0x3FFE];
	_ =	sdelay $0x1  }
0x8a: {  	s1 =	srdreg.scid  }
0x8b: {  	s0 =	sand.u32 $0x1, s1  }
0x8c: {  	s17 =	sshll.u32 s0, $0xA;
	s2 =	sadd.s32 s3, s2  }
0x8d: {  	s2 =	sadd.s32 s2, s17  }
0x8e: {  	[smem:$0x3FC6] =	sst s2  }
0x8f: {  	_ = 	snop  }
0x90: {  	s2 =	sld [smem:$0x3FD0];
	(tm) =	ssettm $0x1  }
0x91: {  	s18 =	sld [smem:$0x3FFB];
	_ =	sdelay $0x3  }
0x92: {  	_ =	strace s18  }
0x93: {  	s3 =	sld [smem:$0x3FFC];
	_ =	sdelay $0x3  }
0x94: {  	_ =	strace s3  }
0x95: {  	s3 =	sld [smem:$0x3FFD];
	_ =	sdelay $0x3  }
0x96: {  	_ =	strace s3  }
0x97: {  	_ =	strace $0x8FFFFFFF  }
0x98: {  	s19 =	sld [smem:$0x3FDB];
	_ =	sdelay $0x1  }
0x99: {  	s4 =	simm.s32 $_scs_section_size  }
0x9a: {  	s5 =	simm.s32 $_size__tile_overlayer_lowered;
	s6 =	simm.s32 $_tile_overlayer_lowered  }
0x9b: {  	s22 =	simm.s32 $0x1BFF;
	s21 =	sshll.u32 s6, $0x1;
	s3 =	sadd.s32 s4, s19  }
0x9c: {  	s7 =	simm.s32 $0x0;
	s20 =	sshll.u32 s5, $0x1;
	s5 =	sadd.s32 s21, s3  }
0x9d: {  	[timem:s7], [sflag:s22] =	dma.local [hbm:s5], s20  }
0x9e: {  	_ =	swait.ge [sflag:s22], s20  }
0x9f: {  	s4 =	ssub.s32 $0x0, s20;
	[sflag:s22] =	ssyncset.done $0x0  }
0xa0: {  	[sflag:s22] =	ssyncadd.s32 s4;
	_ =	sdelay $0x1  }
0xa1: {  	s23 =	simm.s32 $0x1B8B  }
0xa2: {  	_ =	swait.ge [sflag:s23], $0x1  }
0xa3: {  	[sflag:s23] =	ssyncset.done $0x0  }
0xa4: {  	s25 =	simm.s32 $0x1B8E;
	s24 =	sld [smem:$0x3FFE];
	[sflag:s23] =	ssyncadd.s32 $0xFFFFFFFF  }
0xa5: {  	s26 =	simm.s32 $execute0_lowered;
	[smem:$0x3FD2] =	sst s25  }
0xa6: {  	s5 =	sshll.u32 s26, $0x1;
	_ =	strace $0x80000046;
	[dreg:$0x1] =	wrdreg $0xFFFFFFFF  }
0xa7: {  	s28 =	simm.s32 $_size_execute0_lowered;
	s3 =	sadd.s32 s3, s5;
	[dreg:$0x0] =	wrdreg $0x0  }
0xa8: {  	s5 =	sshll.u32 s28, $0x1;
	[dreg:$0x2] =	wrdreg s3  }
0xa9: {  	[dreg:$0x3] =	wrdreg s5  }
0xaa: {  	[dreg:$0x4] =	wrdreg $0xC0  }
0xab: {  	_ =	task [dreg:s7], $0x5FFFF  }
0xac: {  	[dreg:$0x1] =	wrdreg $0xFFFFFFFF  }
0xad: {  	[dreg:$0x0] =	wrdreg $0x60  }
0xae: {  	[dreg:$0x2] =	wrdreg s24  }
0xaf: {  	[dreg:$0x3] =	wrdreg s2  }
0xb0: {  	[dreg:$0x4] =	wrdreg $0x9  }
0xb1: {  	_ =	task.clear_ibuf [dreg:s7], $0x5FFFF;
	_ =	strace $0x90000046  }
0xb2: {  	s29 =	simm.s32 $0x9;
	_ =	strace $0x80000048  }
0xb3: {  	_ =	swait.ge [sflag:s29], $0x1  }
0xb4: {  	[sflag:s29] =	ssyncadd.s32 $0xFFFFFFFF  }
0xb5: {  	_ =	strace $0x90000048  }
0xb6: {  	_ =	sfence  }
0xb7: {  	s30 =	sld [smem:$0x0];
	_ =	sdelay $0x2  }
0xb8: {  	s31 =	sshll.u32 s1, $0xD;
	s1 =	sshrl.u32 s1, $0x2  }
0xb9: {  	s3 =	sand.u32 $0x4000, s31;
	s1 =	sadd.s32 s1, s30  }
0xba: {  	s0 =	sor.u32 s3, s0;
	s1 =	sshll.u32 s1, $0x11  }
0xbb: {  	s0 =	sor.u32 s1, s0  }
0xbc: {  	s0 =	sadd.s32 $0x8F2B, s0  }
0xbd: {  	[sflag:s0] =	ssyncadd.remote.s32 $0x1  }
0xbe: {  	_ =	sfence.sel $0xFFFF  }
0xbf: {  	[dreg:$0x0] =	wrdreg $0xFFFFFFFF;
	(pc) =	sbr.abs _section_cstart, $3  }
0xc0: {  	[dreg:$0x1] =	wrdreg $0xFFFFFFFF  }
0xc1: {  	_ =	task.clear_ibuf [dreg:s7], $0x2FFFF;
	_ =	strace $0x9FFFFFFF  }
0xc2: {  	(tm) =	ssettm $0x7FFFFFFF  }
0xc3: {  	_ =	shalt  }
tec
execute0_lowered:
.L_overlay_start_1:
0x0: {  	(tag) =	ssettag $0x1  }
0x1: {  	s0 =	srdreg.scid;
	s2 =	stileid.u32  }
0x2: {  	s3 =	rddreg [dreg:$0x0];
	s6 =	sand.u32 $0x1, s0;
	s14 =	sshll.u32 s2, $0x1  }
0x3: {  	s1 =	rddreg [dreg:$0x1];
	p0 =	por $0x0, $0x0;
	s0 =	sor.u32 s6, s14  }
0x4: {  	s2 =	simm.s32 $0x0;
	s4 =	sadd.s32 $0xA00, s3;
	s5 =	smul.u32 $0x6400, s0  }
0x5: {  	s3 =	sadd.s32 $0xF42E00, s3;
	[smem:$0x7FF] =	sst s2;
	s0 =	smul.u32 $0x32000, s0  }
0x6: {  	s6 =	ssub.s32 $0x2, s6;
	_ =	strace $0x80000047;
	s7 =	sshrl.u32 s5, $0x3  }
0x7: {  	s8 =	sor.u32 $0x320, s5;
	s16 =	sadd.s32 $0x640, s5;
	s0 =	sadd.s32 s1, s0  }
0x8: {  	s21 =	sadd.s32 $0x960, s5;
	s24 =	sadd.s32 $0xC80, s5;
	s12 =	sadd.s32 $0xFA0, s5  }
0x9: {  	s7 =	sadd.s32 s4, s7;
	s9 =	sshrl.u32 s8, $0x3;
	s17 =	sshrl.u32 s16, $0x3  }
0xa: {  	[dreg:$0x5] =	wrdreg s0;
	s19 =	sshll.u32 s8, $0x3;
	s22 =	sshrl.u32 s21, $0x3  }
0xb: {  	s23 =	sshll.u32 s16, $0x3;
	[dreg:$0x3] =	wrdreg s7;
	s15 =	sadd.s32 s4, s9  }
0xc: {  	s26 =	sshrl.u32 s24, $0x3;
	s18 =	sadd.s32 s4, s17;
	[dreg:$0x4] =	wrdreg s15  }
0xd: {  	s13 =	sshrl.u32 s12, $0x3;
	s20 =	sadd.s32 s1, s19;
	[dreg:$0x6] =	wrdreg s18  }
0xe: {  	s14 =	sshll.u32 s24, $0x3;
	s0 =	sadd.s32 s4, s22;
	[dreg:$0x7] =	wrdreg s20  }
0xf: {  	s25 =	sadd.s32 s1, s23;
	s10 =	sadd.s32 s4, s26;
	[dreg:$0x8] =	wrdreg s0  }
0x10: {  	s7 =	sshll.u32 s21, $0x3;
	s16 =	sadd.s32 s1, s14;
	[dreg:$0x9] =	wrdreg s25  }
0x11: {  	s23 =	sadd.s32 $0x1900, s5;
	[dreg:$0xa] =	wrdreg s10;
	s11 =	sadd.s32 s1, s7  }
0x12: {  	s0 =	sadd.s32 s4, s13;
	s15 =	sadd.s32 $0x12C0, s5;
	[dreg:$0xd] =	wrdreg s16  }
0x13: {  	s7 =	sshll.u32 s12, $0x3;
	s20 =	sadd.s32 $0x15E0, s5;
	s25 =	sshrl.u32 s23, $0x3  }
0x14: {  	s10 =	sadd.s32 $0x1C20, s5;
	s12 =	sshll.u32 s23, $0x3;
	[dreg:$0xb] =	wrdreg s11  }
0x15: {  	s13 =	sadd.s32 $0x1F40, s5;
	[dreg:$0xc] =	wrdreg s0;
	s17 =	sshrl.u32 s15, $0x3  }
0x16: {  	s19 =	sadd.s32 s1, s7;
	s21 =	sshrl.u32 s20, $0x3;
	s22 =	sshll.u32 s15, $0x3  }
0x17: {  	s26 =	sadd.s32 s4, s25;
	s7 =	sshll.u32 s20, $0x3;
	s11 =	sshrl.u32 s10, $0x3  }
0x18: {  	s14 =	sadd.s32 s1, s12;
	s15 =	sshrl.u32 s13, $0x3;
	[dreg:$0xf] =	wrdreg s19  }
0x19: {  	s20 =	sshll.u32 s13, $0x3;
	s18 =	sadd.s32 s4, s17;
	[dreg:$0x12] =	wrdreg s26  }
0x1a: {  	s0 =	sadd.s32 s4, s21;
	s24 =	sadd.s32 s1, s22;
	[dreg:$0x15] =	wrdreg s14  }
0x1b: {  	s8 =	sadd.s32 s1, s7;
	s16 =	sadd.s32 s4, s15;
	[dreg:$0xe] =	wrdreg s18  }
0x1c: {  	s7 =	sshll.u32 s10, $0x3;
	s21 =	sadd.s32 $0x2580, s5;
	[dreg:$0x10] =	wrdreg s0  }
0x1d: {  	s22 =	sadd.s32 s1, s20;
	s26 =	sadd.s32 $0x28A0, s5;
	[dreg:$0x11] =	wrdreg s24  }
0x1e: {  	s10 =	sadd.s32 $0x2BC0, s5;
	s15 =	sadd.s32 $0x2EE0, s5;
	[dreg:$0x13] =	wrdreg s8  }
0x1f: {  	s0 =	sadd.s32 s4, s11;
	[dreg:$0x16] =	wrdreg s16;
	s17 =	sadd.s32 s1, s7  }
0x20: {  	s18 =	sadd.s32 $0x2260, s5;
	s23 =	sshrl.u32 s21, $0x3;
	[dreg:$0x19] =	wrdreg s22  }
0x21: {  	s8 =	sshrl.u32 s26, $0x3;
	s9 =	sshll.u32 s21, $0x3;
	[dreg:$0x14] =	wrdreg s0  }
0x22: {  	s12 =	sshrl.u32 s10, $0x3;
	s16 =	sshrl.u32 s15, $0x3;
	[dreg:$0x17] =	wrdreg s17  }
0x23: {  	s19 =	sshrl.u32 s18, $0x3;
	s24 =	sadd.s32 s4, s23;
	s7 =	sshll.u32 s18, $0x3  }
0x24: {  	s11 =	sadd.s32 s1, s9;
	s13 =	sadd.s32 s4, s12;
	s17 =	sshll.u32 s10, $0x3  }
0x25: {  	s18 =	sadd.s32 $0x3200, s5;
	s23 =	sadd.s32 $0x3520, s5;
	[dreg:$0x1a] =	wrdreg s24  }
0x26: {  	s0 =	sadd.s32 s4, s19;
	s25 =	sadd.s32 s1, s7;
	[dreg:$0x1d] =	wrdreg s11  }
0x27: {  	s7 =	sshll.u32 s26, $0x3;
	[dreg:$0x1e] =	wrdreg s13;
	s19 =	sadd.s32 s1, s17  }
0x28: {  	s20 =	sshrl.u32 s18, $0x3;
	s24 =	sshrl.u32 s23, $0x3;
	[dreg:$0x18] =	wrdreg s0  }
0x29: {  	s26 =	sadd.s32 $0x3840, s5;
	s13 =	sadd.s32 $0x3B60, s5;
	[dreg:$0x1b] =	wrdreg s25  }
0x2a: {  	s0 =	sadd.s32 s4, s8;
	s14 =	sadd.s32 s1, s7;
	[smem:$0x7EE] =	sst s19  }
0x2b: {  	s21 =	sadd.s32 s4, s20;
	s7 =	sshll.u32 s15, $0x3;
	[dreg:$0x1c] =	wrdreg s0  }
0x2c: {  	s25 =	sshll.u32 s18, $0x3;
	s10 =	sshrl.u32 s26, $0x3;
	[dreg:$0x1f] =	wrdreg s14  }
0x2d: {  	s15 =	sshll.u32 s26, $0x3;
	s0 =	sadd.s32 s4, s16;
	[smem:$0x7EF] =	sst s21  }
0x2e: {  	s22 =	sadd.s32 s1, s7;
	s8 =	sadd.s32 s1, s25;
	s11 =	sadd.s32 s4, s10  }
0x2f: {  	s7 =	sshll.u32 s23, $0x3;
	s14 =	sshrl.u32 s13, $0x3;
	[smem:$0x7ED] =	sst s0  }
0x30: {  	s16 =	sadd.s32 $0x3E80, s5;
	s17 =	sadd.s32 s1, s15;
	[smem:$0x7F0] =	sst s22  }
0x31: {  	s21 =	sadd.s32 $0x41A0, s5;
	s10 =	sadd.s32 $0x44C0, s5;
	[smem:$0x7F2] =	sst s8  }
0x32: {  	s0 =	sadd.s32 s4, s24;
	[smem:$0x7F3] =	sst s11;
	s12 =	sadd.s32 s1, s7  }
0x33: {  	s18 =	sshrl.u32 s16, $0x3;
	[smem:$0x7F6] =	sst s17;
	s7 =	sshll.u32 s13, $0x3  }
0x34: {  	s22 =	sshrl.u32 s6, $0x1;
	s23 =	sshrl.u32 s21, $0x3;
	s9 =	sshll.u32 s16, $0x3  }
0x35: {  	s25 =	sshrl.u32 s10, $0x3;
	s11 =	sadd.s32 $0x47E0, s5;
	[smem:$0x7F1] =	sst s0  }
0x36: {  	s13 =	sshll.u32 s10, $0x3;
	s17 =	sadd.s32 $0x4E20, s5;
	[smem:$0x7F4] =	sst s12  }
0x37: {  	s0 =	sadd.s32 s4, s14;
	s19 =	sadd.s32 s4, s18;
	s20 =	sadd.s32 s1, s7  }
0x38: {  	s24 =	sadd.s32 s1, s9;
	s26 =	sadd.s32 s4, s25;
	s7 =	sshll.u32 s21, $0x3  }
0x39: {  	s6 =	ssub.s32 s6, s22;
	s12 =	sshrl.u32 s11, $0x3;
	[smem:$0x7F5] =	sst s0  }
0x3a: {  	s14 =	sadd.s32 $0x4B00, s5;
	s30 =	sadd.s32 s1, s13;
	[smem:$0x7F7] =	sst s19  }
0x3b: {  	s16 =	sshll.u32 s11, $0x3;
	s18 =	sshrl.u32 s17, $0x3;
	[smem:$0x7F8] =	sst s20  }
0x3c: {  	s22 =	sadd.s32 $0x5460, s5;
	s11 =	sadd.s32 $0x5780, s5;
	[smem:$0x7FA] =	sst s24  }
0x3d: {  	s0 =	sadd.s32 s4, s23;
	[smem:$0x7FB] =	sst s26;
	s9 =	sadd.s32 s1, s7  }
0x3e: {  	s15 =	sshrl.u32 s14, $0x3;
	s28 =	sadd.s32 s1, s16;
	s19 =	sshll.u32 s14, $0x3  }
0x3f: {  	s29 =	sadd.s32 s4, s18;
	s20 =	sadd.s32 $0x5140, s5;
	s7 =	sshll.u32 s17, $0x3  }
0x40: {  	s10 =	sshrl.u32 s22, $0x3;
	s13 =	sshll.u32 s22, $0x3;
	s14 =	sadd.s32 $0x5AA0, s5  }
0x41: {  	s16 =	sadd.s32 $0x5DC0, s5;
	s5 =	sadd.s32 $0x60E0, s5;
	[smem:$0x7F9] =	sst s0  }
0x42: {  	[smem:$0x7FC] =	sst s9;
	s0 =	sadd.s32 s4, s12;
	s31 =	sadd.s32 s4, s15  }
0x43: {  	s25 =	sadd.s32 s1, s19;
	s21 =	sshrl.u32 s20, $0x3;
	s23 =	sadd.s32 s1, s7  }
0x44: {  	s24 =	sadd.s32 s4, s10;
	s12 =	sshrl.u32 s11, $0x3;
	s19 =	sadd.s32 s1, s13  }
0x45: {  	s15 =	sshrl.u32 s14, $0x3;
	s7 =	sshll.u32 s11, $0x3;
	s8 =	sshrl.u32 s16, $0x3  }
0x46: {  	s10 =	sshrl.u32 s5, $0x3;
	s11 =	sshll.u32 s16, $0x3;
	s13 =	sshll.u32 s5, $0x3  }
0x47: {  	s5 =	simm.s32 $0x320;
	s16 =	simm.s32 $0x1;
	s9 =	simm.s32 $0xCE40  }
0x48: {  	[smem:$0x7FD] =	sst s0;
	s26 =	sadd.s32 s4, s21;
	s0 =	sshll.u32 s20, $0x3  }
0x49: {  	s22 =	sadd.s32 s4, s12;
	s20 =	sadd.s32 s4, s15;
	s15 =	smax.u32 s6, $0x1  }
0x4a: {  	s17 =	sadd.s32 s1, s7;
	s18 =	sadd.s32 s4, s8;
	p1 =	sne.s32 s15, $0x1  }
.Ltmp0:
0x4b: {  	s7 =	sadd.s32 s1, s11;
	s11 =	simm.s32 $0x640;
	(pc) =	sbr.rel @!p1 .LBB2_3-.Ltmp0, $4  }
0x4c: {  	s8 =	simm.s32 $0x5;
	s6 =	simm.s32 $0x6;
	s21 =	sadd.s32 s1, s0  }
0x4d: {  	s0 =	sshll.u32 s14, $0x3;
	s14 =	sadd.s32 s4, s10;
	s4 =	sadd.s32 s1, s13  }
0x4e: {  	s13 =	simm.s32 $0x2;
	s10 =	simm.s32 $0x4;
	s12 =	sadd.s32 s1, s0  }
0x4f: {  	s1 =	sadd.s32 $0xFFFFFFFF, s15;
	s15 =	simm.s32 $0x3;
	s0 =	rddreg [dreg:$0x3]  }
0x50: {  	[smem:$0x7EB] =	sst s1  }
0x51: {  	[tilespmem:s2], [sflag:$0x1] =	stream.linear.gather [hbm4b:s0+s2], $0x320, $0x38;
	[tilespmem:$0x19640] =	vst v63  }
0x52: {  	s1 =	rddreg [dreg:$0x4]  }
0x53: {  	[tilespmem:s5], [sflag:$0x2] =	stream.linear.gather [hbm4b:s1+s2], $0x320, $0x38;
	[tilespmem:$0x19640] =	vst v63  }
0x54: {  	_ =	swait.ge [sflag:s16], $0x320  }
0x55: {  	[sflag:s16] =	ssyncset.done $0x0  }
0x56: {  	[sflag:s16] =	ssyncadd.s32 $0xFFFFFCE0  }
0x57: {  	[tilespmem:s11], [sflag:$0x3] =	stream.indirect.gather [hbm4b:s3+s5], $0x40, s2, s5, $0xb8;
	[tilespmem:$0x19640] =	vst v63  }
0x58: {  	_ =	swait.ge [sflag:s15], $0xC800  }
0x59: {  	[sflag:s15] =	ssyncset.done $0x0  }
0x5a: {  	s0 =	rddreg [dreg:$0x5];
	[sflag:s15] =	ssyncadd.s32 $0xFFFF3800  }
0x5b: {  	[hbm4b:s0+s2] =	stream.linear.scatter [tilespmem:s11], [sflag:$0x5], $0xC800, $0x38;
	[tilespmem:$0x19640] =	vst v63  }
0x5c: {  	s1 =	rddreg [dreg:$0x6]  }
0x5d: {  	[tilespmem:s2], [sflag:$0x1] =	stream.linear.gather [hbm4b:s1+s2], $0x320, $0x38;
	[tilespmem:$0x19640] =	vst v63  }
0x5e: {  	_ =	swait.ge [sflag:s13], $0x320  }
0x5f: {  	[sflag:s13] =	ssyncset.done $0x0  }
0x60: {  	[sflag:s13] =	ssyncadd.s32 $0xFFFFFCE0  }
0x61: {  	[tilespmem:s9], [sflag:$0x4] =	stream.indirect.gather [hbm4b:s3+s5], $0x40, s5, s5, $0xb8;
	[tilespmem:$0x19640] =	vst v63  }
0x62: {  	_ =	swait.ge [sflag:s10], $0xC800  }
0x63: {  	[sflag:s10] =	ssyncset.done $0x0  }
0x64: {  	s0 =	rddreg [dreg:$0x7];
	[sflag:s10] =	ssyncadd.s32 $0xFFFF3800  }
0x65: {  	[hbm4b:s0+s2] =	stream.linear.scatter [tilespmem:s9], [sflag:$0x6], $0xC800, $0x38;
	[tilespmem:$0x19640] =	vst v63  }
0x66: {  	s1 =	rddreg [dreg:$0x8]  }
0x67: {  	[tilespmem:s5], [sflag:$0x2] =	stream.linear.gather [hbm4b:s1+s2], $0x320, $0x38;
	[tilespmem:$0x19640] =	vst v63  }
0x68: {  	_ =	swait.ge [sflag:s16], $0x320  }
0x69: {  	[sflag:s16] =	ssyncset.done $0x0  }
0x6a: {  	[sflag:s16] =	ssyncadd.s32 $0xFFFFFCE0  }
0x6b: {  	_ =	swait.ge [sflag:s8], $0xC800  }
0x6c: {  	[sflag:s8] =	ssyncset.done $0x0  }
0x6d: {  	[sflag:s8] =	ssyncadd.s32 $0xFFFF3800  }
0x6e: {  	[tilespmem:s11], [sflag:$0x3] =	stream.indirect.gather [hbm4b:s3+s5], $0x40, s2, s5, $0xb8;
	[tilespmem:$0x19640] =	vst v63  }
0x6f: {  	_ =	swait.ge [sflag:s15], $0xC800  }
0x70: {  	[sflag:s15] =	ssyncset.done $0x0  }
0x71: {  	s0 =	rddreg [dreg:$0x9];
	[sflag:s15] =	ssyncadd.s32 $0xFFFF3800  }
0x72: {  	[hbm4b:s0+s2] =	stream.linear.scatter [tilespmem:s11], [sflag:$0x5], $0xC800, $0x38;
	[tilespmem:$0x19640] =	vst v63  }
0x73: {  	s1 =	rddreg [dreg:$0xa]  }
0x74: {  	[tilespmem:s2], [sflag:$0x1] =	stream.linear.gather [hbm4b:s1+s2], $0x320, $0x38;
	[tilespmem:$0x19640] =	vst v63  }
0x75: {  	_ =	swait.ge [sflag:s13], $0x320  }
0x76: {  	[sflag:s13] =	ssyncset.done $0x0  }
0x77: {  	[sflag:s13] =	ssyncadd.s32 $0xFFFFFCE0  }
0x78: {  	_ =	swait.ge [sflag:s6], $0xC800  }
0x79: {  	[sflag:s6] =	ssyncset.done $0x0  }
0x7a: {  	[sflag:s6] =	ssyncadd.s32 $0xFFFF3800  }
0x7b: {  	[tilespmem:s9], [sflag:$0x4] =	stream.indirect.gather [hbm4b:s3+s5], $0x40, s5, s5, $0xb8;
	[tilespmem:$0x19640] =	vst v63  }
0x7c: {  	_ =	swait.ge [sflag:s10], $0xC800  }
0x7d: {  	[sflag:s10] =	ssyncset.done $0x0  }
0x7e: {  	s0 =	rddreg [dreg:$0xb];
	[sflag:s10] =	ssyncadd.s32 $0xFFFF3800  }
0x7f: {  	[hbm4b:s0+s2] =	stream.linear.scatter [tilespmem:s9], [sflag:$0x6], $0xC800, $0x38;
	[tilespmem:$0x19640] =	vst v63  }
0x80: {  	s1 =	rddreg [dreg:$0xc]  }
0x81: {  	[tilespmem:s5], [sflag:$0x2] =	stream.linear.gather [hbm4b:s1+s2], $0x320, $0x38;
	[tilespmem:$0x19640] =	vst v63  }
0x82: {  	_ =	swait.ge [sflag:s16], $0x320  }
0x83: {  	[sflag:s16] =	ssyncset.done $0x0  }
0x84: {  	[sflag:s16] =	ssyncadd.s32 $0xFFFFFCE0  }
0x85: {  	_ =	swait.ge [sflag:s8], $0xC800  }
0x86: {  	[sflag:s8] =	ssyncset.done $0x0  }
0x87: {  	[sflag:s8] =	ssyncadd.s32 $0xFFFF3800  }
0x88: {  	[tilespmem:s11], [sflag:$0x3] =	stream.indirect.gather [hbm4b:s3+s5], $0x40, s2, s5, $0xb8;
	[tilespmem:$0x19640] =	vst v63  }
0x89: {  	_ =	swait.ge [sflag:s15], $0xC800  }
0x8a: {  	[sflag:s15] =	ssyncset.done $0x0  }
0x8b: {  	s0 =	rddreg [dreg:$0xd];
	[sflag:s15] =	ssyncadd.s32 $0xFFFF3800  }
0x8c: {  	[hbm4b:s0+s2] =	stream.linear.scatter [tilespmem:s11], [sflag:$0x5], $0xC800, $0x38;
	[tilespmem:$0x19640] =	vst v63  }
0x8d: {  	s1 =	rddreg [dreg:$0xe]  }
0x8e: {  	[tilespmem:s2], [sflag:$0x1] =	stream.linear.gather [hbm4b:s1+s2], $0x320, $0x38;
	[tilespmem:$0x19640] =	vst v63  }
0x8f: {  	_ =	swait.ge [sflag:s13], $0x320  }
0x90: {  	[sflag:s13] =	ssyncset.done $0x0  }
0x91: {  	[sflag:s13] =	ssyncadd.s32 $0xFFFFFCE0  }
0x92: {  	_ =	swait.ge [sflag:s6], $0xC800  }
0x93: {  	[sflag:s6] =	ssyncset.done $0x0  }
0x94: {  	[sflag:s6] =	ssyncadd.s32 $0xFFFF3800  }
0x95: {  	[tilespmem:s9], [sflag:$0x4] =	stream.indirect.gather [hbm4b:s3+s5], $0x40, s5, s5, $0xb8;
	[tilespmem:$0x19640] =	vst v63  }
0x96: {  	_ =	swait.ge [sflag:s10], $0xC800  }
0x97: {  	[sflag:s10] =	ssyncset.done $0x0  }
0x98: {  	s0 =	rddreg [dreg:$0xf];
	[sflag:s10] =	ssyncadd.s32 $0xFFFF3800  }
0x99: {  	[hbm4b:s0+s2] =	stream.linear.scatter [tilespmem:s9], [sflag:$0x6], $0xC800, $0x38;
	[tilespmem:$0x19640] =	vst v63  }
0x9a: {  	s1 =	rddreg [dreg:$0x10]  }
0x9b: {  	[tilespmem:s5], [sflag:$0x2] =	stream.linear.gather [hbm4b:s1+s2], $0x320, $0x38;
	[tilespmem:$0x19640] =	vst v63  }
0x9c: {  	_ =	swait.ge [sflag:s16], $0x320  }
0x9d: {  	[sflag:s16] =	ssyncset.done $0x0  }
0x9e: {  	[sflag:s16] =	ssyncadd.s32 $0xFFFFFCE0  }
0x9f: {  	_ =	swait.ge [sflag:s8], $0xC800  }
0xa0: {  	[sflag:s8] =	ssyncset.done $0x0  }
0xa1: {  	[sflag:s8] =	ssyncadd.s32 $0xFFFF3800  }
0xa2: {  	[tilespmem:s11], [sflag:$0x3] =	stream.indirect.gather [hbm4b:s3+s5], $0x40, s2, s5, $0xb8;
	[tilespmem:$0x19640] =	vst v63  }
0xa3: {  	_ =	swait.ge [sflag:s15], $0xC800  }
0xa4: {  	[sflag:s15] =	ssyncset.done $0x0  }
0xa5: {  	s0 =	rddreg [dreg:$0x11];
	[sflag:s15] =	ssyncadd.s32 $0xFFFF3800  }
0xa6: {  	[hbm4b:s0+s2] =	stream.linear.scatter [tilespmem:s11], [sflag:$0x5], $0xC800, $0x38;
	[tilespmem:$0x19640] =	vst v63  }
0xa7: {  	s1 =	rddreg [dreg:$0x12]  }
0xa8: {  	[tilespmem:s2], [sflag:$0x1] =	stream.linear.gather [hbm4b:s1+s2], $0x320, $0x38;
	[tilespmem:$0x19640] =	vst v63  }
0xa9: {  	_ =	swait.ge [sflag:s13], $0x320  }
0xaa: {  	[sflag:s13] =	ssyncset.done $0x0  }
0xab: {  	[sflag:s13] =	ssyncadd.s32 $0xFFFFFCE0  }
0xac: {  	_ =	swait.ge [sflag:s6], $0xC800  }
0xad: {  	[sflag:s6] =	ssyncset.done $0x0  }
0xae: {  	[sflag:s6] =	ssyncadd.s32 $0xFFFF3800  }
0xaf: {  	[tilespmem:s9], [sflag:$0x4] =	stream.indirect.gather [hbm4b:s3+s5], $0x40, s5, s5, $0xb8;
	[tilespmem:$0x19640] =	vst v63  }
0xb0: {  	_ =	swait.ge [sflag:s10], $0xC800  }
0xb1: {  	[sflag:s10] =	ssyncset.done $0x0  }
0xb2: {  	s0 =	rddreg [dreg:$0x13];
	[sflag:s10] =	ssyncadd.s32 $0xFFFF3800  }
0xb3: {  	[hbm4b:s0+s2] =	stream.linear.scatter [tilespmem:s9], [sflag:$0x6], $0xC800, $0x38;
	[tilespmem:$0x19640] =	vst v63  }
0xb4: {  	s1 =	rddreg [dreg:$0x14]  }
0xb5: {  	[tilespmem:s5], [sflag:$0x2] =	stream.linear.gather [hbm4b:s1+s2], $0x320, $0x38;
	[tilespmem:$0x19640] =	vst v63  }
0xb6: {  	_ =	swait.ge [sflag:s16], $0x320  }
0xb7: {  	[sflag:s16] =	ssyncset.done $0x0  }
0xb8: {  	[sflag:s16] =	ssyncadd.s32 $0xFFFFFCE0  }
0xb9: {  	_ =	swait.ge [sflag:s8], $0xC800  }
0xba: {  	[sflag:s8] =	ssyncset.done $0x0  }
0xbb: {  	[sflag:s8] =	ssyncadd.s32 $0xFFFF3800  }
0xbc: {  	[tilespmem:s11], [sflag:$0x3] =	stream.indirect.gather [hbm4b:s3+s5], $0x40, s2, s5, $0xb8;
	[tilespmem:$0x19640] =	vst v63  }
0xbd: {  	_ =	swait.ge [sflag:s15], $0xC800  }
0xbe: {  	[sflag:s15] =	ssyncset.done $0x0  }
0xbf: {  	s0 =	rddreg [dreg:$0x15];
	[sflag:s15] =	ssyncadd.s32 $0xFFFF3800  }
0xc0: {  	[hbm4b:s0+s2] =	stream.linear.scatter [tilespmem:s11], [sflag:$0x5], $0xC800, $0x38;
	[tilespmem:$0x19640] =	vst v63  }
0xc1: {  	s1 =	rddreg [dreg:$0x16]  }
0xc2: {  	[tilespmem:s2], [sflag:$0x1] =	stream.linear.gather [hbm4b:s1+s2], $0x320, $0x38;
	[tilespmem:$0x19640] =	vst v63  }
0xc3: {  	_ =	swait.ge [sflag:s13], $0x320  }
0xc4: {  	[sflag:s13] =	ssyncset.done $0x0  }
0xc5: {  	[sflag:s13] =	ssyncadd.s32 $0xFFFFFCE0  }
0xc6: {  	_ =	swait.ge [sflag:s6], $0xC800  }
0xc7: {  	[sflag:s6] =	ssyncset.done $0x0  }
0xc8: {  	[sflag:s6] =	ssyncadd.s32 $0xFFFF3800  }
0xc9: {  	[tilespmem:s9], [sflag:$0x4] =	stream.indirect.gather [hbm4b:s3+s5], $0x40, s5, s5, $0xb8;
	[tilespmem:$0x19640] =	vst v63  }
0xca: {  	_ =	swait.ge [sflag:s10], $0xC800  }
0xcb: {  	[sflag:s10] =	ssyncset.done $0x0  }
0xcc: {  	s0 =	rddreg [dreg:$0x17];
	[sflag:s10] =	ssyncadd.s32 $0xFFFF3800  }
0xcd: {  	[hbm4b:s0+s2] =	stream.linear.scatter [tilespmem:s9], [sflag:$0x6], $0xC800, $0x38;
	[tilespmem:$0x19640] =	vst v63  }
0xce: {  	s1 =	rddreg [dreg:$0x18]  }
0xcf: {  	[tilespmem:s5], [sflag:$0x2] =	stream.linear.gather [hbm4b:s1+s2], $0x320, $0x38;
	[tilespmem:$0x19640] =	vst v63  }
0xd0: {  	_ =	swait.ge [sflag:s16], $0x320  }
0xd1: {  	[sflag:s16] =	ssyncset.done $0x0  }
0xd2: {  	[sflag:s16] =	ssyncadd.s32 $0xFFFFFCE0  }
0xd3: {  	_ =	swait.ge [sflag:s8], $0xC800  }
0xd4: {  	[sflag:s8] =	ssyncset.done $0x0  }
0xd5: {  	[sflag:s8] =	ssyncadd.s32 $0xFFFF3800  }
0xd6: {  	[tilespmem:s11], [sflag:$0x3] =	stream.indirect.gather [hbm4b:s3+s5], $0x40, s2, s5, $0xb8;
	[tilespmem:$0x19640] =	vst v63  }
0xd7: {  	_ =	swait.ge [sflag:s15], $0xC800  }
0xd8: {  	[sflag:s15] =	ssyncset.done $0x0  }
0xd9: {  	s0 =	rddreg [dreg:$0x19];
	[sflag:s15] =	ssyncadd.s32 $0xFFFF3800  }
0xda: {  	[hbm4b:s0+s2] =	stream.linear.scatter [tilespmem:s11], [sflag:$0x5], $0xC800, $0x38;
	[tilespmem:$0x19640] =	vst v63  }
0xdb: {  	s1 =	rddreg [dreg:$0x1a]  }
0xdc: {  	[tilespmem:s2], [sflag:$0x1] =	stream.linear.gather [hbm4b:s1+s2], $0x320, $0x38;
	[tilespmem:$0x19640] =	vst v63  }
0xdd: {  	_ =	swait.ge [sflag:s13], $0x320  }
0xde: {  	[sflag:s13] =	ssyncset.done $0x0  }
0xdf: {  	[sflag:s13] =	ssyncadd.s32 $0xFFFFFCE0  }
0xe0: {  	_ =	swait.ge [sflag:s6], $0xC800  }
0xe1: {  	[sflag:s6] =	ssyncset.done $0x0  }
0xe2: {  	[sflag:s6] =	ssyncadd.s32 $0xFFFF3800  }
0xe3: {  	[tilespmem:s9], [sflag:$0x4] =	stream.indirect.gather [hbm4b:s3+s5], $0x40, s5, s5, $0xb8;
	[tilespmem:$0x19640] =	vst v63  }
0xe4: {  	_ =	swait.ge [sflag:s10], $0xC800  }
0xe5: {  	[sflag:s10] =	ssyncset.done $0x0  }
0xe6: {  	s0 =	rddreg [dreg:$0x1b];
	[sflag:s10] =	ssyncadd.s32 $0xFFFF3800  }
0xe7: {  	[hbm4b:s0+s2] =	stream.linear.scatter [tilespmem:s9], [sflag:$0x6], $0xC800, $0x38;
	[tilespmem:$0x19640] =	vst v63  }
0xe8: {  	s1 =	rddreg [dreg:$0x1c]  }
0xe9: {  	[tilespmem:s5], [sflag:$0x2] =	stream.linear.gather [hbm4b:s1+s2], $0x320, $0x38;
	[tilespmem:$0x19640] =	vst v63  }
0xea: {  	_ =	swait.ge [sflag:s16], $0x320  }
0xeb: {  	[sflag:s16] =	ssyncset.done $0x0  }
0xec: {  	[sflag:s16] =	ssyncadd.s32 $0xFFFFFCE0  }
0xed: {  	_ =	swait.ge [sflag:s8], $0xC800  }
0xee: {  	[sflag:s8] =	ssyncset.done $0x0  }
0xef: {  	[sflag:s8] =	ssyncadd.s32 $0xFFFF3800  }
0xf0: {  	[tilespmem:s11], [sflag:$0x3] =	stream.indirect.gather [hbm4b:s3+s5], $0x40, s2, s5, $0xb8;
	[tilespmem:$0x19640] =	vst v63  }
0xf1: {  	_ =	swait.ge [sflag:s15], $0xC800  }
0xf2: {  	[sflag:s15] =	ssyncset.done $0x0  }
0xf3: {  	s0 =	rddreg [dreg:$0x1d];
	[sflag:s15] =	ssyncadd.s32 $0xFFFF3800  }
0xf4: {  	[hbm4b:s0+s2] =	stream.linear.scatter [tilespmem:s11], [sflag:$0x5], $0xC800, $0x38;
	[tilespmem:$0x19640] =	vst v63  }
0xf5: {  	s1 =	rddreg [dreg:$0x1e]  }
0xf6: {  	[tilespmem:s2], [sflag:$0x1] =	stream.linear.gather [hbm4b:s1+s2], $0x320, $0x38;
	[tilespmem:$0x19640] =	vst v63  }
0xf7: {  	_ =	swait.ge [sflag:s13], $0x320  }
0xf8: {  	[sflag:s13] =	ssyncset.done $0x0  }
0xf9: {  	[sflag:s13] =	ssyncadd.s32 $0xFFFFFCE0  }
0xfa: {  	_ =	swait.ge [sflag:s6], $0xC800  }
0xfb: {  	[sflag:s6] =	ssyncset.done $0x0  }
0xfc: {  	[sflag:s6] =	ssyncadd.s32 $0xFFFF3800  }
0xfd: {  	[tilespmem:s9], [sflag:$0x4] =	stream.indirect.gather [hbm4b:s3+s5], $0x40, s5, s5, $0xb8;
	[tilespmem:$0x19640] =	vst v63  }
0xfe: {  	_ =	swait.ge [sflag:s10], $0xC800  }
0xff: {  	s0 =	rddreg [dreg:$0x1f];
	[sflag:s10] =	ssyncset.done $0x0  }
0x100: {  	s1 =	sld [smem:$0x7ED];
	[sflag:s10] =	ssyncadd.s32 $0xFFFF3800  }
0x101: {  	[hbm4b:s0+s2] =	stream.linear.scatter [tilespmem:s9], [sflag:$0x6], $0xC800, $0x38;
	[tilespmem:$0x19640] =	vst v63  }
0x102: {  	_ = 	snop  }
0x103: {  	[tilespmem:s5], [sflag:$0x2] =	stream.linear.gather [hbm4b:s1+s2], $0x320, $0x38;
	[tilespmem:$0x19640] =	vst v63  }
0x104: {  	_ =	swait.ge [sflag:s16], $0x320  }
0x105: {  	[sflag:s16] =	ssyncset.done $0x0  }
0x106: {  	[sflag:s16] =	ssyncadd.s32 $0xFFFFFCE0  }
0x107: {  	_ =	swait.ge [sflag:s8], $0xC800  }
0x108: {  	[sflag:s8] =	ssyncset.done $0x0  }
0x109: {  	[sflag:s8] =	ssyncadd.s32 $0xFFFF3800  }
0x10a: {  	[tilespmem:s11], [sflag:$0x3] =	stream.indirect.gather [hbm4b:s3+s5], $0x40, s2, s5, $0xb8;
	[tilespmem:$0x19640] =	vst v63  }
0x10b: {  	_ =	swait.ge [sflag:s15], $0xC800  }
0x10c: {  	s0 =	sld [smem:$0x7EE]  }
0x10d: {  	[sflag:s15] =	ssyncset.done $0x0  }
0x10e: {  	s1 =	sld [smem:$0x7EF];
	[sflag:s15] =	ssyncadd.s32 $0xFFFF3800  }
0x10f: {  	[hbm4b:s0+s2] =	stream.linear.scatter [tilespmem:s11], [sflag:$0x5], $0xC800, $0x38;
	[tilespmem:$0x19640] =	vst v63  }
0x110: {  	_ = 	snop  }
0x111: {  	[tilespmem:s2], [sflag:$0x1] =	stream.linear.gather [hbm4b:s1+s2], $0x320, $0x38;
	[tilespmem:$0x19640] =	vst v63  }
0x112: {  	_ =	swait.ge [sflag:s13], $0x320  }
0x113: {  	[sflag:s13] =	ssyncset.done $0x0  }
0x114: {  	[sflag:s13] =	ssyncadd.s32 $0xFFFFFCE0  }
0x115: {  	_ =	swait.ge [sflag:s6], $0xC800  }
0x116: {  	[sflag:s6] =	ssyncset.done $0x0  }
0x117: {  	[sflag:s6] =	ssyncadd.s32 $0xFFFF3800  }
0x118: {  	[tilespmem:s9], [sflag:$0x4] =	stream.indirect.gather [hbm4b:s3+s5], $0x40, s5, s5, $0xb8;
	[tilespmem:$0x19640] =	vst v63  }
0x119: {  	_ =	swait.ge [sflag:s10], $0xC800  }
0x11a: {  	s0 =	sld [smem:$0x7F0]  }
0x11b: {  	[sflag:s10] =	ssyncset.done $0x0  }
0x11c: {  	s1 =	sld [smem:$0x7F1];
	[sflag:s10] =	ssyncadd.s32 $0xFFFF3800  }
0x11d: {  	[hbm4b:s0+s2] =	stream.linear.scatter [tilespmem:s9], [sflag:$0x6], $0xC800, $0x38;
	[tilespmem:$0x19640] =	vst v63  }
0x11e: {  	_ = 	snop  }
0x11f: {  	[tilespmem:s5], [sflag:$0x2] =	stream.linear.gather [hbm4b:s1+s2], $0x320, $0x38;
	[tilespmem:$0x19640] =	vst v63  }
0x120: {  	_ =	swait.ge [sflag:s16], $0x320  }
0x121: {  	[sflag:s16] =	ssyncset.done $0x0  }
0x122: {  	[sflag:s16] =	ssyncadd.s32 $0xFFFFFCE0  }
0x123: {  	_ =	swait.ge [sflag:s8], $0xC800  }
0x124: {  	[sflag:s8] =	ssyncset.done $0x0  }
0x125: {  	[sflag:s8] =	ssyncadd.s32 $0xFFFF3800  }
0x126: {  	[tilespmem:s11], [sflag:$0x3] =	stream.indirect.gather [hbm4b:s3+s5], $0x40, s2, s5, $0xb8;
	[tilespmem:$0x19640] =	vst v63  }
0x127: {  	_ =	swait.ge [sflag:s15], $0xC800  }
0x128: {  	s0 =	sld [smem:$0x7F2]  }
0x129: {  	[sflag:s15] =	ssyncset.done $0x0  }
0x12a: {  	s1 =	sld [smem:$0x7F3];
	[sflag:s15] =	ssyncadd.s32 $0xFFFF3800  }
0x12b: {  	[hbm4b:s0+s2] =	stream.linear.scatter [tilespmem:s11], [sflag:$0x5], $0xC800, $0x38;
	[tilespmem:$0x19640] =	vst v63  }
0x12c: {  	_ = 	snop  }
0x12d: {  	[tilespmem:s2], [sflag:$0x1] =	stream.linear.gather [hbm4b:s1+s2], $0x320, $0x38;
	[tilespmem:$0x19640] =	vst v63  }
0x12e: {  	_ =	swait.ge [sflag:s13], $0x320  }
0x12f: {  	[sflag:s13] =	ssyncset.done $0x0  }
0x130: {  	[sflag:s13] =	ssyncadd.s32 $0xFFFFFCE0  }
0x131: {  	_ =	swait.ge [sflag:s6], $0xC800  }
0x132: {  	[sflag:s6] =	ssyncset.done $0x0  }
0x133: {  	[sflag:s6] =	ssyncadd.s32 $0xFFFF3800  }
0x134: {  	[tilespmem:s9], [sflag:$0x4] =	stream.indirect.gather [hbm4b:s3+s5], $0x40, s5, s5, $0xb8;
	[tilespmem:$0x19640] =	vst v63  }
0x135: {  	_ =	swait.ge [sflag:s10], $0xC800  }
0x136: {  	s0 =	sld [smem:$0x7F4]  }
0x137: {  	[sflag:s10] =	ssyncset.done $0x0  }
0x138: {  	s1 =	sld [smem:$0x7F5];
	[sflag:s10] =	ssyncadd.s32 $0xFFFF3800  }
0x139: {  	[hbm4b:s0+s2] =	stream.linear.scatter [tilespmem:s9], [sflag:$0x6], $0xC800, $0x38;
	[tilespmem:$0x19640] =	vst v63  }
0x13a: {  	_ = 	snop  }
0x13b: {  	[tilespmem:s5], [sflag:$0x2] =	stream.linear.gather [hbm4b:s1+s2], $0x320, $0x38;
	[tilespmem:$0x19640] =	vst v63  }
0x13c: {  	_ =	swait.ge [sflag:s16], $0x320  }
0x13d: {  	[sflag:s16] =	ssyncset.done $0x0  }
0x13e: {  	[sflag:s16] =	ssyncadd.s32 $0xFFFFFCE0  }
0x13f: {  	_ =	swait.ge [sflag:s8], $0xC800  }
0x140: {  	[sflag:s8] =	ssyncset.done $0x0  }
0x141: {  	[sflag:s8] =	ssyncadd.s32 $0xFFFF3800  }
0x142: {  	[tilespmem:s11], [sflag:$0x3] =	stream.indirect.gather [hbm4b:s3+s5], $0x40, s2, s5, $0xb8;
	[tilespmem:$0x19640] =	vst v63  }
0x143: {  	_ =	swait.ge [sflag:s15], $0xC800  }
0x144: {  	s0 =	sld [smem:$0x7F6]  }
0x145: {  	[sflag:s15] =	ssyncset.done $0x0  }
0x146: {  	s1 =	sld [smem:$0x7F7];
	[sflag:s15] =	ssyncadd.s32 $0xFFFF3800  }
0x147: {  	[hbm4b:s0+s2] =	stream.linear.scatter [tilespmem:s11], [sflag:$0x5], $0xC800, $0x38;
	[tilespmem:$0x19640] =	vst v63  }
0x148: {  	_ = 	snop  }
0x149: {  	[tilespmem:s2], [sflag:$0x1] =	stream.linear.gather [hbm4b:s1+s2], $0x320, $0x38;
	[tilespmem:$0x19640] =	vst v63  }
0x14a: {  	_ =	swait.ge [sflag:s13], $0x320  }
0x14b: {  	[sflag:s13] =	ssyncset.done $0x0  }
0x14c: {  	[sflag:s13] =	ssyncadd.s32 $0xFFFFFCE0  }
0x14d: {  	_ =	swait.ge [sflag:s6], $0xC800  }
0x14e: {  	[sflag:s6] =	ssyncset.done $0x0  }
0x14f: {  	[sflag:s6] =	ssyncadd.s32 $0xFFFF3800  }
0x150: {  	[tilespmem:s9], [sflag:$0x4] =	stream.indirect.gather [hbm4b:s3+s5], $0x40, s5, s5, $0xb8;
	[tilespmem:$0x19640] =	vst v63  }
0x151: {  	_ =	swait.ge [sflag:s10], $0xC800  }
0x152: {  	s0 =	sld [smem:$0x7F8]  }
0x153: {  	[sflag:s10] =	ssyncset.done $0x0  }
0x154: {  	s1 =	sld [smem:$0x7F9];
	[sflag:s10] =	ssyncadd.s32 $0xFFFF3800  }
0x155: {  	[hbm4b:s0+s2] =	stream.linear.scatter [tilespmem:s9], [sflag:$0x6], $0xC800, $0x38;
	[tilespmem:$0x19640] =	vst v63  }
0x156: {  	_ = 	snop  }
0x157: {  	[tilespmem:s5], [sflag:$0x2] =	stream.linear.gather [hbm4b:s1+s2], $0x320, $0x38;
	[tilespmem:$0x19640] =	vst v63  }
0x158: {  	_ =	swait.ge [sflag:s16], $0x320  }
0x159: {  	[sflag:s16] =	ssyncset.done $0x0  }
0x15a: {  	[sflag:s16] =	ssyncadd.s32 $0xFFFFFCE0  }
0x15b: {  	_ =	swait.ge [sflag:s8], $0xC800  }
0x15c: {  	[sflag:s8] =	ssyncset.done $0x0  }
0x15d: {  	[sflag:s8] =	ssyncadd.s32 $0xFFFF3800  }
0x15e: {  	[tilespmem:s11], [sflag:$0x3] =	stream.indirect.gather [hbm4b:s3+s5], $0x40, s2, s5, $0xb8;
	[tilespmem:$0x19640] =	vst v63  }
0x15f: {  	_ =	swait.ge [sflag:s15], $0xC800  }
0x160: {  	s0 =	sld [smem:$0x7FA]  }
0x161: {  	[sflag:s15] =	ssyncset.done $0x0  }
0x162: {  	s1 =	sld [smem:$0x7FB];
	[sflag:s15] =	ssyncadd.s32 $0xFFFF3800  }
0x163: {  	[hbm4b:s0+s2] =	stream.linear.scatter [tilespmem:s11], [sflag:$0x5], $0xC800, $0x38;
	[tilespmem:$0x19640] =	vst v63  }
0x164: {  	_ = 	snop  }
0x165: {  	[tilespmem:s2], [sflag:$0x1] =	stream.linear.gather [hbm4b:s1+s2], $0x320, $0x38;
	[tilespmem:$0x19640] =	vst v63  }
0x166: {  	_ =	swait.ge [sflag:s13], $0x320  }
0x167: {  	[sflag:s13] =	ssyncset.done $0x0  }
0x168: {  	[sflag:s13] =	ssyncadd.s32 $0xFFFFFCE0  }
0x169: {  	_ =	swait.ge [sflag:s6], $0xC800  }
0x16a: {  	[sflag:s6] =	ssyncset.done $0x0  }
0x16b: {  	[sflag:s6] =	ssyncadd.s32 $0xFFFF3800  }
0x16c: {  	[tilespmem:s9], [sflag:$0x4] =	stream.indirect.gather [hbm4b:s3+s5], $0x40, s5, s5, $0xb8;
	[tilespmem:$0x19640] =	vst v63  }
0x16d: {  	_ =	swait.ge [sflag:s10], $0xC800  }
0x16e: {  	s0 =	sld [smem:$0x7FC]  }
0x16f: {  	[sflag:s10] =	ssyncset.done $0x0  }
0x170: {  	s1 =	sld [smem:$0x7FD];
	[sflag:s10] =	ssyncadd.s32 $0xFFFF3800  }
0x171: {  	[hbm4b:s0+s2] =	stream.linear.scatter [tilespmem:s9], [sflag:$0x6], $0xC800, $0x38;
	[tilespmem:$0x19640] =	vst v63  }
0x172: {  	_ = 	snop  }
0x173: {  	[tilespmem:s5], [sflag:$0x2] =	stream.linear.gather [hbm4b:s1+s2], $0x320, $0x38;
	[tilespmem:$0x19640] =	vst v63  }
0x174: {  	_ =	swait.ge [sflag:s16], $0x320  }
0x175: {  	[sflag:s16] =	ssyncset.done $0x0  }
0x176: {  	[sflag:s16] =	ssyncadd.s32 $0xFFFFFCE0  }
0x177: {  	_ =	swait.ge [sflag:s8], $0xC800  }
0x178: {  	[sflag:s8] =	ssyncset.done $0x0  }
0x179: {  	[sflag:s8] =	ssyncadd.s32 $0xFFFF3800  }
0x17a: {  	[tilespmem:s11], [sflag:$0x3] =	stream.indirect.gather [hbm4b:s3+s5], $0x40, s2, s5, $0xb8;
	[tilespmem:$0x19640] =	vst v63  }
0x17b: {  	_ =	swait.ge [sflag:s15], $0xC800  }
0x17c: {  	[sflag:s15] =	ssyncset.done $0x0  }
0x17d: {  	[sflag:s15] =	ssyncadd.s32 $0xFFFF3800  }
0x17e: {  	[hbm4b:s30+s2] =	stream.linear.scatter [tilespmem:s11], [sflag:$0x5], $0xC800, $0x38;
	[tilespmem:$0x19640] =	vst v63  }
0x17f: {  	_ = 	snop  }
0x180: {  	[tilespmem:s2], [sflag:$0x1] =	stream.linear.gather [hbm4b:s31+s2], $0x320, $0x38;
	[tilespmem:$0x19640] =	vst v63  }
0x181: {  	_ =	swait.ge [sflag:s13], $0x320  }
0x182: {  	[sflag:s13] =	ssyncset.done $0x0  }
0x183: {  	[sflag:s13] =	ssyncadd.s32 $0xFFFFFCE0  }
0x184: {  	_ =	swait.ge [sflag:s6], $0xC800  }
0x185: {  	[sflag:s6] =	ssyncset.done $0x0  }
0x186: {  	[sflag:s6] =	ssyncadd.s32 $0xFFFF3800  }
0x187: {  	[tilespmem:s9], [sflag:$0x4] =	stream.indirect.gather [hbm4b:s3+s5], $0x40, s5, s5, $0xb8;
	[tilespmem:$0x19640] =	vst v63  }
0x188: {  	_ =	swait.ge [sflag:s10], $0xC800  }
0x189: {  	[sflag:s10] =	ssyncset.done $0x0  }
0x18a: {  	[sflag:s10] =	ssyncadd.s32 $0xFFFF3800  }
0x18b: {  	[hbm4b:s28+s2] =	stream.linear.scatter [tilespmem:s9], [sflag:$0x6], $0xC800, $0x38;
	[tilespmem:$0x19640] =	vst v63  }
0x18c: {  	_ = 	snop  }
0x18d: {  	[tilespmem:s5], [sflag:$0x2] =	stream.linear.gather [hbm4b:s29+s2], $0x320, $0x38;
	[tilespmem:$0x19640] =	vst v63  }
0x18e: {  	_ =	swait.ge [sflag:s16], $0x320  }
0x18f: {  	[sflag:s16] =	ssyncset.done $0x0  }
0x190: {  	[sflag:s16] =	ssyncadd.s32 $0xFFFFFCE0  }
0x191: {  	_ =	swait.ge [sflag:s8], $0xC800  }
0x192: {  	[sflag:s8] =	ssyncset.done $0x0  }
0x193: {  	[sflag:s8] =	ssyncadd.s32 $0xFFFF3800  }
0x194: {  	[tilespmem:s11], [sflag:$0x3] =	stream.indirect.gather [hbm4b:s3+s5], $0x40, s2, s5, $0xb8;
	[tilespmem:$0x19640] =	vst v63  }
0x195: {  	_ =	swait.ge [sflag:s15], $0xC800  }
0x196: {  	[sflag:s15] =	ssyncset.done $0x0  }
0x197: {  	[sflag:s15] =	ssyncadd.s32 $0xFFFF3800  }
0x198: {  	[hbm4b:s25+s2] =	stream.linear.scatter [tilespmem:s11], [sflag:$0x5], $0xC800, $0x38;
	[tilespmem:$0x19640] =	vst v63  }
0x199: {  	_ = 	snop  }
0x19a: {  	[tilespmem:s2], [sflag:$0x1] =	stream.linear.gather [hbm4b:s26+s2], $0x320, $0x38;
	[tilespmem:$0x19640] =	vst v63  }
0x19b: {  	_ =	swait.ge [sflag:s13], $0x320  }
0x19c: {  	[sflag:s13] =	ssyncset.done $0x0  }
0x19d: {  	[sflag:s13] =	ssyncadd.s32 $0xFFFFFCE0  }
0x19e: {  	_ =	swait.ge [sflag:s6], $0xC800  }
0x19f: {  	[sflag:s6] =	ssyncset.done $0x0  }
0x1a0: {  	[sflag:s6] =	ssyncadd.s32 $0xFFFF3800  }
0x1a1: {  	[tilespmem:s9], [sflag:$0x4] =	stream.indirect.gather [hbm4b:s3+s5], $0x40, s5, s5, $0xb8;
	[tilespmem:$0x19640] =	vst v63  }
0x1a2: {  	_ =	swait.ge [sflag:s10], $0xC800  }
0x1a3: {  	[sflag:s10] =	ssyncset.done $0x0  }
0x1a4: {  	[sflag:s10] =	ssyncadd.s32 $0xFFFF3800  }
0x1a5: {  	[hbm4b:s23+s2] =	stream.linear.scatter [tilespmem:s9], [sflag:$0x6], $0xC800, $0x38;
	[tilespmem:$0x19640] =	vst v63  }
0x1a6: {  	_ = 	snop  }
0x1a7: {  	[tilespmem:s5], [sflag:$0x2] =	stream.linear.gather [hbm4b:s24+s2], $0x320, $0x38;
	[tilespmem:$0x19640] =	vst v63  }
0x1a8: {  	_ =	swait.ge [sflag:s16], $0x320  }
0x1a9: {  	[sflag:s16] =	ssyncset.done $0x0  }
0x1aa: {  	[sflag:s16] =	ssyncadd.s32 $0xFFFFFCE0  }
0x1ab: {  	_ =	swait.ge [sflag:s8], $0xC800  }
0x1ac: {  	[sflag:s8] =	ssyncset.done $0x0  }
0x1ad: {  	[sflag:s8] =	ssyncadd.s32 $0xFFFF3800  }
0x1ae: {  	[tilespmem:s11], [sflag:$0x3] =	stream.indirect.gather [hbm4b:s3+s5], $0x40, s2, s5, $0xb8;
	[tilespmem:$0x19640] =	vst v63  }
0x1af: {  	_ =	swait.ge [sflag:s15], $0xC800  }
0x1b0: {  	[sflag:s15] =	ssyncset.done $0x0  }
0x1b1: {  	[sflag:s15] =	ssyncadd.s32 $0xFFFF3800  }
0x1b2: {  	[hbm4b:s21+s2] =	stream.linear.scatter [tilespmem:s11], [sflag:$0x5], $0xC800, $0x38;
	[tilespmem:$0x19640] =	vst v63  }
0x1b3: {  	_ = 	snop  }
0x1b4: {  	[tilespmem:s2], [sflag:$0x1] =	stream.linear.gather [hbm4b:s22+s2], $0x320, $0x38;
	[tilespmem:$0x19640] =	vst v63  }
0x1b5: {  	_ =	swait.ge [sflag:s13], $0x320  }
0x1b6: {  	[sflag:s13] =	ssyncset.done $0x0  }
0x1b7: {  	[sflag:s13] =	ssyncadd.s32 $0xFFFFFCE0  }
0x1b8: {  	_ =	swait.ge [sflag:s6], $0xC800  }
0x1b9: {  	[sflag:s6] =	ssyncset.done $0x0  }
0x1ba: {  	[sflag:s6] =	ssyncadd.s32 $0xFFFF3800  }
0x1bb: {  	[tilespmem:s9], [sflag:$0x4] =	stream.indirect.gather [hbm4b:s3+s5], $0x40, s5, s5, $0xb8;
	[tilespmem:$0x19640] =	vst v63  }
0x1bc: {  	_ =	swait.ge [sflag:s10], $0xC800  }
0x1bd: {  	[sflag:s10] =	ssyncset.done $0x0  }
0x1be: {  	[sflag:s10] =	ssyncadd.s32 $0xFFFF3800  }
0x1bf: {  	[hbm4b:s19+s2] =	stream.linear.scatter [tilespmem:s9], [sflag:$0x6], $0xC800, $0x38;
	[tilespmem:$0x19640] =	vst v63  }
0x1c0: {  	_ = 	snop  }
0x1c1: {  	[tilespmem:s5], [sflag:$0x2] =	stream.linear.gather [hbm4b:s20+s2], $0x320, $0x38;
	[tilespmem:$0x19640] =	vst v63  }
0x1c2: {  	_ =	swait.ge [sflag:s16], $0x320  }
0x1c3: {  	[sflag:s16] =	ssyncset.done $0x0  }
0x1c4: {  	[sflag:s16] =	ssyncadd.s32 $0xFFFFFCE0  }
0x1c5: {  	_ =	swait.ge [sflag:s8], $0xC800  }
0x1c6: {  	[sflag:s8] =	ssyncset.done $0x0  }
0x1c7: {  	[sflag:s8] =	ssyncadd.s32 $0xFFFF3800  }
0x1c8: {  	[tilespmem:s11], [sflag:$0x3] =	stream.indirect.gather [hbm4b:s3+s5], $0x40, s2, s5, $0xb8;
	[tilespmem:$0x19640] =	vst v63  }
0x1c9: {  	_ =	swait.ge [sflag:s15], $0xC800  }
0x1ca: {  	[sflag:s15] =	ssyncset.done $0x0  }
0x1cb: {  	[sflag:s15] =	ssyncadd.s32 $0xFFFF3800  }
0x1cc: {  	[hbm4b:s17+s2] =	stream.linear.scatter [tilespmem:s11], [sflag:$0x5], $0xC800, $0x38;
	[tilespmem:$0x19640] =	vst v63  }
0x1cd: {  	_ = 	snop  }
0x1ce: {  	[tilespmem:s2], [sflag:$0x1] =	stream.linear.gather [hbm4b:s18+s2], $0x320, $0x38;
	[tilespmem:$0x19640] =	vst v63  }
0x1cf: {  	_ =	swait.ge [sflag:s13], $0x320  }
0x1d0: {  	[sflag:s13] =	ssyncset.done $0x0  }
0x1d1: {  	[sflag:s13] =	ssyncadd.s32 $0xFFFFFCE0  }
0x1d2: {  	_ =	swait.ge [sflag:s6], $0xC800  }
0x1d3: {  	[sflag:s6] =	ssyncset.done $0x0  }
0x1d4: {  	[sflag:s6] =	ssyncadd.s32 $0xFFFF3800  }
0x1d5: {  	[tilespmem:s9], [sflag:$0x4] =	stream.indirect.gather [hbm4b:s3+s5], $0x40, s5, s5, $0xb8;
	[tilespmem:$0x19640] =	vst v63  }
0x1d6: {  	_ =	swait.ge [sflag:s10], $0xC800  }
0x1d7: {  	[sflag:s10] =	ssyncset.done $0x0  }
0x1d8: {  	[sflag:s10] =	ssyncadd.s32 $0xFFFF3800  }
0x1d9: {  	[hbm4b:s12+s2] =	stream.linear.scatter [tilespmem:s9], [sflag:$0x6], $0xC800, $0x38;
	[tilespmem:$0x19640] =	vst v63  }
0x1da: {  	_ = 	snop  }
0x1db: {  	[tilespmem:s5], [sflag:$0x2] =	stream.linear.gather [hbm4b:s14+s2], $0x320, $0x38;
	[tilespmem:$0x19640] =	vst v63  }
0x1dc: {  	_ =	swait.ge [sflag:s16], $0x320  }
0x1dd: {  	[sflag:s16] =	ssyncset.done $0x0  }
0x1de: {  	[sflag:s16] =	ssyncadd.s32 $0xFFFFFCE0  }
0x1df: {  	_ =	swait.ge [sflag:s8], $0xC800  }
0x1e0: {  	[sflag:s8] =	ssyncset.done $0x0  }
0x1e1: {  	[sflag:s8] =	ssyncadd.s32 $0xFFFF3800  }
0x1e2: {  	[tilespmem:s11], [sflag:$0x3] =	stream.indirect.gather [hbm4b:s3+s5], $0x40, s2, s5, $0xb8;
	[tilespmem:$0x19640] =	vst v63  }
0x1e3: {  	_ =	swait.ge [sflag:s15], $0xC800  }
0x1e4: {  	[sflag:s15] =	ssyncset.done $0x0  }
0x1e5: {  	[sflag:s15] =	ssyncadd.s32 $0xFFFF3800  }
0x1e6: {  	[hbm4b:s7+s2] =	stream.linear.scatter [tilespmem:s11], [sflag:$0x5], $0xC800, $0x38;
	[tilespmem:$0x19640] =	vst v63  }
0x1e7: {  	_ =	swait.ge [sflag:s13], $0x320  }
0x1e8: {  	[sflag:s13] =	ssyncset.done $0x0  }
0x1e9: {  	[sflag:s13] =	ssyncadd.s32 $0xFFFFFCE0  }
0x1ea: {  	_ =	swait.ge [sflag:s6], $0xC800  }
0x1eb: {  	[sflag:s6] =	ssyncset.done $0x0  }
0x1ec: {  	[sflag:s6] =	ssyncadd.s32 $0xFFFF3800  }
0x1ed: {  	[tilespmem:s9], [sflag:$0x4] =	stream.indirect.gather [hbm4b:s3+s5], $0x40, s5, s5, $0xb8;
	[tilespmem:$0x19640] =	vst v63  }
0x1ee: {  	_ =	swait.ge [sflag:s10], $0xC800  }
0x1ef: {  	[sflag:s10] =	ssyncset.done $0x0  }
0x1f0: {  	[sflag:s10] =	ssyncadd.s32 $0xFFFF3800  }
0x1f1: {  	[hbm4b:s4+s2] =	stream.linear.scatter [tilespmem:s9], [sflag:$0x6], $0xC800, $0x38;
	[tilespmem:$0x19640] =	vst v63  }
0x1f2: {  	_ =	swait.ge [sflag:s8], $0xC800  }
0x1f3: {  	s1 =	sld [smem:$0x7EB];
	_ =	sdelay $0x2  }
0x1f4: {  	p1 =	sne.s32 s1, $0x1  }
.Ltmp1:
0x1f5: {  	[sflag:s8] =	ssyncset.done $0x0;
	(pc) =	sbr.rel @!p1 .LBB2_3-.Ltmp1, $4  }
0x1f6: {  	[sflag:s8] =	ssyncadd.s32 $0xFFFF3800  }
0x1f7: {  	_ =	swait.ge [sflag:s6], $0xC800  }
0x1f8: {  	p0 =	por $0x1, $0x1;
	s0 =	rddreg [dreg:$0x3]  }
0x1f9: {  	s1 =	sadd.s32 $0xFFFFFFFF, s1;
	[sflag:s6] =	ssyncset.done $0x0;
	[smem:$0x7EC] =	sst s31  }
.LBB2_2:
0x1fa: {  	[sflag:s6] =	ssyncadd.s32 $0xFFFF3800  }
0x1fb: {  	s31 =	smov.u32 s30;
	s30 =	smov.u32 s29;
	s29 =	smov.u32 s28  }
0x1fc: {  	s28 =	smov.u32 s26;
	s26 =	smov.u32 s25;
	s25 =	smov.u32 s24  }
0x1fd: {  	s24 =	smov.u32 s23;
	s23 =	smov.u32 s22;
	s22 =	smov.u32 s21  }
0x1fe: {  	s21 =	smov.u32 s20;
	s20 =	smov.u32 s19;
	s19 =	smov.u32 s18  }
0x1ff: {  	s18 =	smov.u32 s17;
	s17 =	smov.u32 s14;
	s14 =	smov.u32 s12  }
0x200: {  	[tilespmem:s2], [sflag:$0x1] =	stream.linear.gather [hbm4b:s0+s2], $0x320, $0x38;
	[tilespmem:$0x19640] =	vst v63  }
0x201: {  	s12 =	smov.u32 s7;
	s7 =	smov.u32 s4;
	s4 =	rddreg [dreg:$0x4]  }
0x202: {  	[tilespmem:s5], [sflag:$0x2] =	stream.linear.gather [hbm4b:s4+s2], $0x320, $0x38;
	[tilespmem:$0x19640] =	vst v63  }
0x203: {  	_ =	swait.ge [sflag:s16], $0x320  }
0x204: {  	[sflag:s16] =	ssyncset.done $0x0  }
0x205: {  	[sflag:s16] =	ssyncadd.s32 $0xFFFFFCE0  }
0x206: {  	[tilespmem:s11], [sflag:$0x3] =	stream.indirect.gather [hbm4b:s3+s5], $0x40, s2, s5, $0xb8;
	[tilespmem:$0x19640] =	vst v63  }
0x207: {  	_ =	swait.ge [sflag:s15], $0xC800  }
0x208: {  	[sflag:s15] =	ssyncset.done $0x0  }
0x209: {  	s0 =	rddreg [dreg:$0x5];
	[sflag:s15] =	ssyncadd.s32 $0xFFFF3800  }
0x20a: {  	[hbm4b:s0+s2] =	stream.linear.scatter [tilespmem:s11], [sflag:$0x5], $0xC800, $0x38;
	[tilespmem:$0x19640] =	vst v63  }
0x20b: {  	s4 =	rddreg [dreg:$0x6]  }
0x20c: {  	[tilespmem:s2], [sflag:$0x1] =	stream.linear.gather [hbm4b:s4+s2], $0x320, $0x38;
	[tilespmem:$0x19640] =	vst v63  }
0x20d: {  	_ =	swait.ge [sflag:s13], $0x320  }
0x20e: {  	[sflag:s13] =	ssyncset.done $0x0  }
0x20f: {  	[sflag:s13] =	ssyncadd.s32 $0xFFFFFCE0  }
0x210: {  	[tilespmem:s9], [sflag:$0x4] =	stream.indirect.gather [hbm4b:s3+s5], $0x40, s5, s5, $0xb8;
	[tilespmem:$0x19640] =	vst v63  }
0x211: {  	_ =	swait.ge [sflag:s10], $0xC800  }
0x212: {  	[sflag:s10] =	ssyncset.done $0x0  }
0x213: {  	s0 =	rddreg [dreg:$0x7];
	[sflag:s10] =	ssyncadd.s32 $0xFFFF3800  }
0x214: {  	[hbm4b:s0+s2] =	stream.linear.scatter [tilespmem:s9], [sflag:$0x6], $0xC800, $0x38;
	[tilespmem:$0x19640] =	vst v63  }
0x215: {  	s4 =	rddreg [dreg:$0x8]  }
0x216: {  	[tilespmem:s5], [sflag:$0x2] =	stream.linear.gather [hbm4b:s4+s2], $0x320, $0x38;
	[tilespmem:$0x19640] =	vst v63  }
0x217: {  	_ =	swait.ge [sflag:s16], $0x320  }
0x218: {  	[sflag:s16] =	ssyncset.done $0x0  }
0x219: {  	[sflag:s16] =	ssyncadd.s32 $0xFFFFFCE0  }
0x21a: {  	_ =	swait.ge [sflag:s8], $0xC800  }
0x21b: {  	[sflag:s8] =	ssyncset.done $0x0  }
0x21c: {  	[sflag:s8] =	ssyncadd.s32 $0xFFFF3800  }
0x21d: {  	[tilespmem:s11], [sflag:$0x3] =	stream.indirect.gather [hbm4b:s3+s5], $0x40, s2, s5, $0xb8;
	[tilespmem:$0x19640] =	vst v63  }
0x21e: {  	_ =	swait.ge [sflag:s15], $0xC800  }
0x21f: {  	[sflag:s15] =	ssyncset.done $0x0  }
0x220: {  	s0 =	rddreg [dreg:$0x9];
	[sflag:s15] =	ssyncadd.s32 $0xFFFF3800  }
0x221: {  	[hbm4b:s0+s2] =	stream.linear.scatter [tilespmem:s11], [sflag:$0x5], $0xC800, $0x38;
	[tilespmem:$0x19640] =	vst v63  }
0x222: {  	s4 =	rddreg [dreg:$0xa]  }
0x223: {  	[tilespmem:s2], [sflag:$0x1] =	stream.linear.gather [hbm4b:s4+s2], $0x320, $0x38;
	[tilespmem:$0x19640] =	vst v63  }
0x224: {  	_ =	swait.ge [sflag:s13], $0x320  }
0x225: {  	[sflag:s13] =	ssyncset.done $0x0  }
0x226: {  	[sflag:s13] =	ssyncadd.s32 $0xFFFFFCE0  }
0x227: {  	_ =	swait.ge [sflag:s6], $0xC800  }
0x228: {  	[sflag:s6] =	ssyncset.done $0x0  }
0x229: {  	[sflag:s6] =	ssyncadd.s32 $0xFFFF3800  }
0x22a: {  	[tilespmem:s9], [sflag:$0x4] =	stream.indirect.gather [hbm4b:s3+s5], $0x40, s5, s5, $0xb8;
	[tilespmem:$0x19640] =	vst v63  }
0x22b: {  	_ =	swait.ge [sflag:s10], $0xC800  }
0x22c: {  	[sflag:s10] =	ssyncset.done $0x0  }
0x22d: {  	s0 =	rddreg [dreg:$0xb];
	[sflag:s10] =	ssyncadd.s32 $0xFFFF3800  }
0x22e: {  	[hbm4b:s0+s2] =	stream.linear.scatter [tilespmem:s9], [sflag:$0x6], $0xC800, $0x38;
	[tilespmem:$0x19640] =	vst v63  }
0x22f: {  	s4 =	rddreg [dreg:$0xc]  }
0x230: {  	[tilespmem:s5], [sflag:$0x2] =	stream.linear.gather [hbm4b:s4+s2], $0x320, $0x38;
	[tilespmem:$0x19640] =	vst v63  }
0x231: {  	_ =	swait.ge [sflag:s16], $0x320  }
0x232: {  	[sflag:s16] =	ssyncset.done $0x0  }
0x233: {  	[sflag:s16] =	ssyncadd.s32 $0xFFFFFCE0  }
0x234: {  	_ =	swait.ge [sflag:s8], $0xC800  }
0x235: {  	[sflag:s8] =	ssyncset.done $0x0  }
0x236: {  	[sflag:s8] =	ssyncadd.s32 $0xFFFF3800  }
0x237: {  	[tilespmem:s11], [sflag:$0x3] =	stream.indirect.gather [hbm4b:s3+s5], $0x40, s2, s5, $0xb8;
	[tilespmem:$0x19640] =	vst v63  }
0x238: {  	_ =	swait.ge [sflag:s15], $0xC800  }
0x239: {  	[sflag:s15] =	ssyncset.done $0x0  }
0x23a: {  	s0 =	rddreg [dreg:$0xd];
	[sflag:s15] =	ssyncadd.s32 $0xFFFF3800  }
0x23b: {  	[hbm4b:s0+s2] =	stream.linear.scatter [tilespmem:s11], [sflag:$0x5], $0xC800, $0x38;
	[tilespmem:$0x19640] =	vst v63  }
0x23c: {  	s4 =	rddreg [dreg:$0xe]  }
0x23d: {  	[tilespmem:s2], [sflag:$0x1] =	stream.linear.gather [hbm4b:s4+s2], $0x320, $0x38;
	[tilespmem:$0x19640] =	vst v63  }
0x23e: {  	_ =	swait.ge [sflag:s13], $0x320  }
0x23f: {  	[sflag:s13] =	ssyncset.done $0x0  }
0x240: {  	[sflag:s13] =	ssyncadd.s32 $0xFFFFFCE0  }
0x241: {  	_ =	swait.ge [sflag:s6], $0xC800  }
0x242: {  	[sflag:s6] =	ssyncset.done $0x0  }
0x243: {  	[sflag:s6] =	ssyncadd.s32 $0xFFFF3800  }
0x244: {  	[tilespmem:s9], [sflag:$0x4] =	stream.indirect.gather [hbm4b:s3+s5], $0x40, s5, s5, $0xb8;
	[tilespmem:$0x19640] =	vst v63  }
0x245: {  	_ =	swait.ge [sflag:s10], $0xC800  }
0x246: {  	[sflag:s10] =	ssyncset.done $0x0  }
0x247: {  	s0 =	rddreg [dreg:$0xf];
	[sflag:s10] =	ssyncadd.s32 $0xFFFF3800  }
0x248: {  	[hbm4b:s0+s2] =	stream.linear.scatter [tilespmem:s9], [sflag:$0x6], $0xC800, $0x38;
	[tilespmem:$0x19640] =	vst v63  }
0x249: {  	s4 =	rddreg [dreg:$0x10]  }
0x24a: {  	[tilespmem:s5], [sflag:$0x2] =	stream.linear.gather [hbm4b:s4+s2], $0x320, $0x38;
	[tilespmem:$0x19640] =	vst v63  }
0x24b: {  	_ =	swait.ge [sflag:s16], $0x320  }
0x24c: {  	[sflag:s16] =	ssyncset.done $0x0  }
0x24d: {  	[sflag:s16] =	ssyncadd.s32 $0xFFFFFCE0  }
0x24e: {  	_ =	swait.ge [sflag:s8], $0xC800  }
0x24f: {  	[sflag:s8] =	ssyncset.done $0x0  }
0x250: {  	[sflag:s8] =	ssyncadd.s32 $0xFFFF3800  }
0x251: {  	[tilespmem:s11], [sflag:$0x3] =	stream.indirect.gather [hbm4b:s3+s5], $0x40, s2, s5, $0xb8;
	[tilespmem:$0x19640] =	vst v63  }
0x252: {  	_ =	swait.ge [sflag:s15], $0xC800  }
0x253: {  	[sflag:s15] =	ssyncset.done $0x0  }
0x254: {  	s0 =	rddreg [dreg:$0x11];
	[sflag:s15] =	ssyncadd.s32 $0xFFFF3800  }
0x255: {  	[hbm4b:s0+s2] =	stream.linear.scatter [tilespmem:s11], [sflag:$0x5], $0xC800, $0x38;
	[tilespmem:$0x19640] =	vst v63  }
0x256: {  	s4 =	rddreg [dreg:$0x12]  }
0x257: {  	[tilespmem:s2], [sflag:$0x1] =	stream.linear.gather [hbm4b:s4+s2], $0x320, $0x38;
	[tilespmem:$0x19640] =	vst v63  }
0x258: {  	_ =	swait.ge [sflag:s13], $0x320  }
0x259: {  	[sflag:s13] =	ssyncset.done $0x0  }
0x25a: {  	[sflag:s13] =	ssyncadd.s32 $0xFFFFFCE0  }
0x25b: {  	_ =	swait.ge [sflag:s6], $0xC800  }
0x25c: {  	[sflag:s6] =	ssyncset.done $0x0  }
0x25d: {  	[sflag:s6] =	ssyncadd.s32 $0xFFFF3800  }
0x25e: {  	[tilespmem:s9], [sflag:$0x4] =	stream.indirect.gather [hbm4b:s3+s5], $0x40, s5, s5, $0xb8;
	[tilespmem:$0x19640] =	vst v63  }
0x25f: {  	_ =	swait.ge [sflag:s10], $0xC800  }
0x260: {  	[sflag:s10] =	ssyncset.done $0x0  }
0x261: {  	s0 =	rddreg [dreg:$0x13];
	[sflag:s10] =	ssyncadd.s32 $0xFFFF3800  }
0x262: {  	[hbm4b:s0+s2] =	stream.linear.scatter [tilespmem:s9], [sflag:$0x6], $0xC800, $0x38;
	[tilespmem:$0x19640] =	vst v63  }
0x263: {  	s4 =	rddreg [dreg:$0x14]  }
0x264: {  	[tilespmem:s5], [sflag:$0x2] =	stream.linear.gather [hbm4b:s4+s2], $0x320, $0x38;
	[tilespmem:$0x19640] =	vst v63  }
0x265: {  	_ =	swait.ge [sflag:s16], $0x320  }
0x266: {  	[sflag:s16] =	ssyncset.done $0x0  }
0x267: {  	[sflag:s16] =	ssyncadd.s32 $0xFFFFFCE0  }
0x268: {  	_ =	swait.ge [sflag:s8], $0xC800  }
0x269: {  	[sflag:s8] =	ssyncset.done $0x0  }
0x26a: {  	[sflag:s8] =	ssyncadd.s32 $0xFFFF3800  }
0x26b: {  	[tilespmem:s11], [sflag:$0x3] =	stream.indirect.gather [hbm4b:s3+s5], $0x40, s2, s5, $0xb8;
	[tilespmem:$0x19640] =	vst v63  }
0x26c: {  	_ =	swait.ge [sflag:s15], $0xC800  }
0x26d: {  	[sflag:s15] =	ssyncset.done $0x0  }
0x26e: {  	s0 =	rddreg [dreg:$0x15];
	[sflag:s15] =	ssyncadd.s32 $0xFFFF3800  }
0x26f: {  	[hbm4b:s0+s2] =	stream.linear.scatter [tilespmem:s11], [sflag:$0x5], $0xC800, $0x38;
	[tilespmem:$0x19640] =	vst v63  }
0x270: {  	s4 =	rddreg [dreg:$0x16]  }
0x271: {  	[tilespmem:s2], [sflag:$0x1] =	stream.linear.gather [hbm4b:s4+s2], $0x320, $0x38;
	[tilespmem:$0x19640] =	vst v63  }
0x272: {  	_ =	swait.ge [sflag:s13], $0x320  }
0x273: {  	[sflag:s13] =	ssyncset.done $0x0  }
0x274: {  	[sflag:s13] =	ssyncadd.s32 $0xFFFFFCE0  }
0x275: {  	_ =	swait.ge [sflag:s6], $0xC800  }
0x276: {  	[sflag:s6] =	ssyncset.done $0x0  }
0x277: {  	[sflag:s6] =	ssyncadd.s32 $0xFFFF3800  }
0x278: {  	[tilespmem:s9], [sflag:$0x4] =	stream.indirect.gather [hbm4b:s3+s5], $0x40, s5, s5, $0xb8;
	[tilespmem:$0x19640] =	vst v63  }
0x279: {  	_ =	swait.ge [sflag:s10], $0xC800  }
0x27a: {  	[sflag:s10] =	ssyncset.done $0x0  }
0x27b: {  	s0 =	rddreg [dreg:$0x17];
	[sflag:s10] =	ssyncadd.s32 $0xFFFF3800  }
0x27c: {  	[hbm4b:s0+s2] =	stream.linear.scatter [tilespmem:s9], [sflag:$0x6], $0xC800, $0x38;
	[tilespmem:$0x19640] =	vst v63  }
0x27d: {  	s4 =	rddreg [dreg:$0x18]  }
0x27e: {  	[tilespmem:s5], [sflag:$0x2] =	stream.linear.gather [hbm4b:s4+s2], $0x320, $0x38;
	[tilespmem:$0x19640] =	vst v63  }
0x27f: {  	_ =	swait.ge [sflag:s16], $0x320  }
0x280: {  	[sflag:s16] =	ssyncset.done $0x0  }
0x281: {  	[sflag:s16] =	ssyncadd.s32 $0xFFFFFCE0  }
0x282: {  	_ =	swait.ge [sflag:s8], $0xC800  }
0x283: {  	[sflag:s8] =	ssyncset.done $0x0  }
0x284: {  	[sflag:s8] =	ssyncadd.s32 $0xFFFF3800  }
0x285: {  	[tilespmem:s11], [sflag:$0x3] =	stream.indirect.gather [hbm4b:s3+s5], $0x40, s2, s5, $0xb8;
	[tilespmem:$0x19640] =	vst v63  }
0x286: {  	_ =	swait.ge [sflag:s15], $0xC800  }
0x287: {  	[sflag:s15] =	ssyncset.done $0x0  }
0x288: {  	s0 =	rddreg [dreg:$0x19];
	[sflag:s15] =	ssyncadd.s32 $0xFFFF3800  }
0x289: {  	[hbm4b:s0+s2] =	stream.linear.scatter [tilespmem:s11], [sflag:$0x5], $0xC800, $0x38;
	[tilespmem:$0x19640] =	vst v63  }
0x28a: {  	s4 =	rddreg [dreg:$0x1a]  }
0x28b: {  	[tilespmem:s2], [sflag:$0x1] =	stream.linear.gather [hbm4b:s4+s2], $0x320, $0x38;
	[tilespmem:$0x19640] =	vst v63  }
0x28c: {  	_ =	swait.ge [sflag:s13], $0x320  }
0x28d: {  	[sflag:s13] =	ssyncset.done $0x0  }
0x28e: {  	[sflag:s13] =	ssyncadd.s32 $0xFFFFFCE0  }
0x28f: {  	_ =	swait.ge [sflag:s6], $0xC800  }
0x290: {  	[sflag:s6] =	ssyncset.done $0x0  }
0x291: {  	[sflag:s6] =	ssyncadd.s32 $0xFFFF3800  }
0x292: {  	[tilespmem:s9], [sflag:$0x4] =	stream.indirect.gather [hbm4b:s3+s5], $0x40, s5, s5, $0xb8;
	[tilespmem:$0x19640] =	vst v63  }
0x293: {  	_ =	swait.ge [sflag:s10], $0xC800  }
0x294: {  	[sflag:s10] =	ssyncset.done $0x0  }
0x295: {  	s0 =	rddreg [dreg:$0x1b];
	[sflag:s10] =	ssyncadd.s32 $0xFFFF3800  }
0x296: {  	[hbm4b:s0+s2] =	stream.linear.scatter [tilespmem:s9], [sflag:$0x6], $0xC800, $0x38;
	[tilespmem:$0x19640] =	vst v63  }
0x297: {  	s4 =	rddreg [dreg:$0x1c]  }
0x298: {  	[tilespmem:s5], [sflag:$0x2] =	stream.linear.gather [hbm4b:s4+s2], $0x320, $0x38;
	[tilespmem:$0x19640] =	vst v63  }
0x299: {  	_ =	swait.ge [sflag:s16], $0x320  }
0x29a: {  	[sflag:s16] =	ssyncset.done $0x0  }
0x29b: {  	[sflag:s16] =	ssyncadd.s32 $0xFFFFFCE0  }
0x29c: {  	_ =	swait.ge [sflag:s8], $0xC800  }
0x29d: {  	[sflag:s8] =	ssyncset.done $0x0  }
0x29e: {  	[sflag:s8] =	ssyncadd.s32 $0xFFFF3800  }
0x29f: {  	[tilespmem:s11], [sflag:$0x3] =	stream.indirect.gather [hbm4b:s3+s5], $0x40, s2, s5, $0xb8;
	[tilespmem:$0x19640] =	vst v63  }
0x2a0: {  	_ =	swait.ge [sflag:s15], $0xC800  }
0x2a1: {  	[sflag:s15] =	ssyncset.done $0x0  }
0x2a2: {  	s0 =	rddreg [dreg:$0x1d];
	[sflag:s15] =	ssyncadd.s32 $0xFFFF3800  }
0x2a3: {  	[hbm4b:s0+s2] =	stream.linear.scatter [tilespmem:s11], [sflag:$0x5], $0xC800, $0x38;
	[tilespmem:$0x19640] =	vst v63  }
0x2a4: {  	s4 =	rddreg [dreg:$0x1e]  }
0x2a5: {  	[tilespmem:s2], [sflag:$0x1] =	stream.linear.gather [hbm4b:s4+s2], $0x320, $0x38;
	[tilespmem:$0x19640] =	vst v63  }
0x2a6: {  	_ =	swait.ge [sflag:s13], $0x320  }
0x2a7: {  	[sflag:s13] =	ssyncset.done $0x0  }
0x2a8: {  	[sflag:s13] =	ssyncadd.s32 $0xFFFFFCE0  }
0x2a9: {  	_ =	swait.ge [sflag:s6], $0xC800  }
0x2aa: {  	[sflag:s6] =	ssyncset.done $0x0  }
0x2ab: {  	[sflag:s6] =	ssyncadd.s32 $0xFFFF3800  }
0x2ac: {  	[tilespmem:s9], [sflag:$0x4] =	stream.indirect.gather [hbm4b:s3+s5], $0x40, s5, s5, $0xb8;
	[tilespmem:$0x19640] =	vst v63  }
0x2ad: {  	_ =	swait.ge [sflag:s10], $0xC800  }
0x2ae: {  	s0 =	rddreg [dreg:$0x1f];
	[sflag:s10] =	ssyncset.done $0x0  }
0x2af: {  	s4 =	sld [smem:$0x7ED];
	[sflag:s10] =	ssyncadd.s32 $0xFFFF3800  }
0x2b0: {  	[hbm4b:s0+s2] =	stream.linear.scatter [tilespmem:s9], [sflag:$0x6], $0xC800, $0x38;
	[tilespmem:$0x19640] =	vst v63  }
0x2b1: {  	_ = 	snop  }
0x2b2: {  	[tilespmem:s5], [sflag:$0x2] =	stream.linear.gather [hbm4b:s4+s2], $0x320, $0x38;
	[tilespmem:$0x19640] =	vst v63  }
0x2b3: {  	_ =	swait.ge [sflag:s16], $0x320  }
0x2b4: {  	[sflag:s16] =	ssyncset.done $0x0  }
0x2b5: {  	[sflag:s16] =	ssyncadd.s32 $0xFFFFFCE0  }
0x2b6: {  	_ =	swait.ge [sflag:s8], $0xC800  }
0x2b7: {  	[sflag:s8] =	ssyncset.done $0x0  }
0x2b8: {  	[sflag:s8] =	ssyncadd.s32 $0xFFFF3800  }
0x2b9: {  	[tilespmem:s11], [sflag:$0x3] =	stream.indirect.gather [hbm4b:s3+s5], $0x40, s2, s5, $0xb8;
	[tilespmem:$0x19640] =	vst v63  }
0x2ba: {  	_ =	swait.ge [sflag:s15], $0xC800  }
0x2bb: {  	s0 =	sld [smem:$0x7EE]  }
0x2bc: {  	[sflag:s15] =	ssyncset.done $0x0  }
0x2bd: {  	s4 =	sld [smem:$0x7EF];
	[sflag:s15] =	ssyncadd.s32 $0xFFFF3800  }
0x2be: {  	[hbm4b:s0+s2] =	stream.linear.scatter [tilespmem:s11], [sflag:$0x5], $0xC800, $0x38;
	[tilespmem:$0x19640] =	vst v63  }
0x2bf: {  	_ = 	snop  }
0x2c0: {  	[tilespmem:s2], [sflag:$0x1] =	stream.linear.gather [hbm4b:s4+s2], $0x320, $0x38;
	[tilespmem:$0x19640] =	vst v63  }
0x2c1: {  	_ =	swait.ge [sflag:s13], $0x320  }
0x2c2: {  	[sflag:s13] =	ssyncset.done $0x0  }
0x2c3: {  	[sflag:s13] =	ssyncadd.s32 $0xFFFFFCE0  }
0x2c4: {  	_ =	swait.ge [sflag:s6], $0xC800  }
0x2c5: {  	[sflag:s6] =	ssyncset.done $0x0  }
0x2c6: {  	[sflag:s6] =	ssyncadd.s32 $0xFFFF3800  }
0x2c7: {  	[tilespmem:s9], [sflag:$0x4] =	stream.indirect.gather [hbm4b:s3+s5], $0x40, s5, s5, $0xb8;
	[tilespmem:$0x19640] =	vst v63  }
0x2c8: {  	_ =	swait.ge [sflag:s10], $0xC800  }
0x2c9: {  	s0 =	sld [smem:$0x7F0]  }
0x2ca: {  	[sflag:s10] =	ssyncset.done $0x0  }
0x2cb: {  	s4 =	sld [smem:$0x7F1];
	[sflag:s10] =	ssyncadd.s32 $0xFFFF3800  }
0x2cc: {  	[hbm4b:s0+s2] =	stream.linear.scatter [tilespmem:s9], [sflag:$0x6], $0xC800, $0x38;
	[tilespmem:$0x19640] =	vst v63  }
0x2cd: {  	_ = 	snop  }
0x2ce: {  	[tilespmem:s5], [sflag:$0x2] =	stream.linear.gather [hbm4b:s4+s2], $0x320, $0x38;
	[tilespmem:$0x19640] =	vst v63  }
0x2cf: {  	_ =	swait.ge [sflag:s16], $0x320  }
0x2d0: {  	[sflag:s16] =	ssyncset.done $0x0  }
0x2d1: {  	[sflag:s16] =	ssyncadd.s32 $0xFFFFFCE0  }
0x2d2: {  	_ =	swait.ge [sflag:s8], $0xC800  }
0x2d3: {  	[sflag:s8] =	ssyncset.done $0x0  }
0x2d4: {  	[sflag:s8] =	ssyncadd.s32 $0xFFFF3800  }
0x2d5: {  	[tilespmem:s11], [sflag:$0x3] =	stream.indirect.gather [hbm4b:s3+s5], $0x40, s2, s5, $0xb8;
	[tilespmem:$0x19640] =	vst v63  }
0x2d6: {  	_ =	swait.ge [sflag:s15], $0xC800  }
0x2d7: {  	s0 =	sld [smem:$0x7F2]  }
0x2d8: {  	[sflag:s15] =	ssyncset.done $0x0  }
0x2d9: {  	s4 =	sld [smem:$0x7F3];
	[sflag:s15] =	ssyncadd.s32 $0xFFFF3800  }
0x2da: {  	[hbm4b:s0+s2] =	stream.linear.scatter [tilespmem:s11], [sflag:$0x5], $0xC800, $0x38;
	[tilespmem:$0x19640] =	vst v63  }
0x2db: {  	_ = 	snop  }
0x2dc: {  	[tilespmem:s2], [sflag:$0x1] =	stream.linear.gather [hbm4b:s4+s2], $0x320, $0x38;
	[tilespmem:$0x19640] =	vst v63  }
0x2dd: {  	_ =	swait.ge [sflag:s13], $0x320  }
0x2de: {  	[sflag:s13] =	ssyncset.done $0x0  }
0x2df: {  	[sflag:s13] =	ssyncadd.s32 $0xFFFFFCE0  }
0x2e0: {  	_ =	swait.ge [sflag:s6], $0xC800  }
0x2e1: {  	[sflag:s6] =	ssyncset.done $0x0  }
0x2e2: {  	[sflag:s6] =	ssyncadd.s32 $0xFFFF3800  }
0x2e3: {  	[tilespmem:s9], [sflag:$0x4] =	stream.indirect.gather [hbm4b:s3+s5], $0x40, s5, s5, $0xb8;
	[tilespmem:$0x19640] =	vst v63  }
0x2e4: {  	_ =	swait.ge [sflag:s10], $0xC800  }
0x2e5: {  	s0 =	sld [smem:$0x7F4]  }
0x2e6: {  	[sflag:s10] =	ssyncset.done $0x0  }
0x2e7: {  	s4 =	sld [smem:$0x7F5];
	[sflag:s10] =	ssyncadd.s32 $0xFFFF3800  }
0x2e8: {  	[hbm4b:s0+s2] =	stream.linear.scatter [tilespmem:s9], [sflag:$0x6], $0xC800, $0x38;
	[tilespmem:$0x19640] =	vst v63  }
0x2e9: {  	_ = 	snop  }
0x2ea: {  	[tilespmem:s5], [sflag:$0x2] =	stream.linear.gather [hbm4b:s4+s2], $0x320, $0x38;
	[tilespmem:$0x19640] =	vst v63  }
0x2eb: {  	_ =	swait.ge [sflag:s16], $0x320  }
0x2ec: {  	[sflag:s16] =	ssyncset.done $0x0  }
0x2ed: {  	[sflag:s16] =	ssyncadd.s32 $0xFFFFFCE0  }
0x2ee: {  	_ =	swait.ge [sflag:s8], $0xC800  }
0x2ef: {  	[sflag:s8] =	ssyncset.done $0x0  }
0x2f0: {  	[sflag:s8] =	ssyncadd.s32 $0xFFFF3800  }
0x2f1: {  	[tilespmem:s11], [sflag:$0x3] =	stream.indirect.gather [hbm4b:s3+s5], $0x40, s2, s5, $0xb8;
	[tilespmem:$0x19640] =	vst v63  }
0x2f2: {  	_ =	swait.ge [sflag:s15], $0xC800  }
0x2f3: {  	s0 =	sld [smem:$0x7F6]  }
0x2f4: {  	[sflag:s15] =	ssyncset.done $0x0  }
0x2f5: {  	s4 =	sld [smem:$0x7F7];
	[sflag:s15] =	ssyncadd.s32 $0xFFFF3800  }
0x2f6: {  	[hbm4b:s0+s2] =	stream.linear.scatter [tilespmem:s11], [sflag:$0x5], $0xC800, $0x38;
	[tilespmem:$0x19640] =	vst v63  }
0x2f7: {  	_ = 	snop  }
0x2f8: {  	[tilespmem:s2], [sflag:$0x1] =	stream.linear.gather [hbm4b:s4+s2], $0x320, $0x38;
	[tilespmem:$0x19640] =	vst v63  }
0x2f9: {  	_ =	swait.ge [sflag:s13], $0x320  }
0x2fa: {  	[sflag:s13] =	ssyncset.done $0x0  }
0x2fb: {  	[sflag:s13] =	ssyncadd.s32 $0xFFFFFCE0  }
0x2fc: {  	_ =	swait.ge [sflag:s6], $0xC800  }
0x2fd: {  	[sflag:s6] =	ssyncset.done $0x0  }
0x2fe: {  	[sflag:s6] =	ssyncadd.s32 $0xFFFF3800  }
0x2ff: {  	[tilespmem:s9], [sflag:$0x4] =	stream.indirect.gather [hbm4b:s3+s5], $0x40, s5, s5, $0xb8;
	[tilespmem:$0x19640] =	vst v63  }
0x300: {  	_ =	swait.ge [sflag:s10], $0xC800  }
0x301: {  	s0 =	sld [smem:$0x7F8]  }
0x302: {  	[sflag:s10] =	ssyncset.done $0x0  }
0x303: {  	s4 =	sld [smem:$0x7F9];
	[sflag:s10] =	ssyncadd.s32 $0xFFFF3800  }
0x304: {  	[hbm4b:s0+s2] =	stream.linear.scatter [tilespmem:s9], [sflag:$0x6], $0xC800, $0x38;
	[tilespmem:$0x19640] =	vst v63  }
0x305: {  	_ = 	snop  }
0x306: {  	[tilespmem:s5], [sflag:$0x2] =	stream.linear.gather [hbm4b:s4+s2], $0x320, $0x38;
	[tilespmem:$0x19640] =	vst v63  }
0x307: {  	_ =	swait.ge [sflag:s16], $0x320  }
0x308: {  	[sflag:s16] =	ssyncset.done $0x0  }
0x309: {  	[sflag:s16] =	ssyncadd.s32 $0xFFFFFCE0  }
0x30a: {  	_ =	swait.ge [sflag:s8], $0xC800  }
0x30b: {  	[sflag:s8] =	ssyncset.done $0x0  }
0x30c: {  	[sflag:s8] =	ssyncadd.s32 $0xFFFF3800  }
0x30d: {  	[tilespmem:s11], [sflag:$0x3] =	stream.indirect.gather [hbm4b:s3+s5], $0x40, s2, s5, $0xb8;
	[tilespmem:$0x19640] =	vst v63  }
0x30e: {  	_ =	swait.ge [sflag:s15], $0xC800  }
0x30f: {  	s0 =	sld [smem:$0x7FA]  }
0x310: {  	[sflag:s15] =	ssyncset.done $0x0  }
0x311: {  	s4 =	sld [smem:$0x7FB];
	[sflag:s15] =	ssyncadd.s32 $0xFFFF3800  }
0x312: {  	[hbm4b:s0+s2] =	stream.linear.scatter [tilespmem:s11], [sflag:$0x5], $0xC800, $0x38;
	[tilespmem:$0x19640] =	vst v63  }
0x313: {  	_ = 	snop  }
0x314: {  	[tilespmem:s2], [sflag:$0x1] =	stream.linear.gather [hbm4b:s4+s2], $0x320, $0x38;
	[tilespmem:$0x19640] =	vst v63  }
0x315: {  	_ =	swait.ge [sflag:s13], $0x320  }
0x316: {  	[sflag:s13] =	ssyncset.done $0x0  }
0x317: {  	[sflag:s13] =	ssyncadd.s32 $0xFFFFFCE0  }
0x318: {  	_ =	swait.ge [sflag:s6], $0xC800  }
0x319: {  	[sflag:s6] =	ssyncset.done $0x0  }
0x31a: {  	[sflag:s6] =	ssyncadd.s32 $0xFFFF3800  }
0x31b: {  	[tilespmem:s9], [sflag:$0x4] =	stream.indirect.gather [hbm4b:s3+s5], $0x40, s5, s5, $0xb8;
	[tilespmem:$0x19640] =	vst v63  }
0x31c: {  	_ =	swait.ge [sflag:s10], $0xC800  }
0x31d: {  	s0 =	sld [smem:$0x7FC]  }
0x31e: {  	[sflag:s10] =	ssyncset.done $0x0  }
0x31f: {  	s4 =	sld [smem:$0x7FD];
	[sflag:s10] =	ssyncadd.s32 $0xFFFF3800  }
0x320: {  	[hbm4b:s0+s2] =	stream.linear.scatter [tilespmem:s9], [sflag:$0x6], $0xC800, $0x38;
	[tilespmem:$0x19640] =	vst v63  }
0x321: {  	_ = 	snop  }
0x322: {  	[tilespmem:s5], [sflag:$0x2] =	stream.linear.gather [hbm4b:s4+s2], $0x320, $0x38;
	[tilespmem:$0x19640] =	vst v63  }
0x323: {  	s4 =	smov.u32 s7  }
0x324: {  	s7 =	smov.u32 s12;
	s12 =	smov.u32 s14;
	s14 =	smov.u32 s17  }
0x325: {  	s17 =	smov.u32 s18;
	s18 =	smov.u32 s19;
	s19 =	smov.u32 s20  }
0x326: {  	s20 =	smov.u32 s21;
	s21 =	smov.u32 s22;
	s22 =	smov.u32 s23  }
0x327: {  	s23 =	smov.u32 s24;
	s24 =	smov.u32 s25;
	s25 =	smov.u32 s26  }
0x328: {  	s26 =	smov.u32 s28;
	s28 =	smov.u32 s29;
	s29 =	smov.u32 s30  }
0x329: {  	s30 =	smov.u32 s31;
	s31 =	sld [smem:$0x7EC];
	_ =	swait.ge [sflag:s16], $0x320  }
0x32a: {  	[sflag:s16] =	ssyncset.done $0x0  }
0x32b: {  	[sflag:s16] =	ssyncadd.s32 $0xFFFFFCE0  }
0x32c: {  	_ =	swait.ge [sflag:s8], $0xC800  }
0x32d: {  	[sflag:s8] =	ssyncset.done $0x0  }
0x32e: {  	[sflag:s8] =	ssyncadd.s32 $0xFFFF3800  }
0x32f: {  	[tilespmem:s11], [sflag:$0x3] =	stream.indirect.gather [hbm4b:s3+s5], $0x40, s2, s5, $0xb8;
	[tilespmem:$0x19640] =	vst v63  }
0x330: {  	_ =	swait.ge [sflag:s15], $0xC800  }
0x331: {  	[sflag:s15] =	ssyncset.done $0x0  }
0x332: {  	[sflag:s15] =	ssyncadd.s32 $0xFFFF3800  }
0x333: {  	[hbm4b:s30+s2] =	stream.linear.scatter [tilespmem:s11], [sflag:$0x5], $0xC800, $0x38;
	[tilespmem:$0x19640] =	vst v63  }
0x334: {  	_ = 	snop  }
0x335: {  	[tilespmem:s2], [sflag:$0x1] =	stream.linear.gather [hbm4b:s31+s2], $0x320, $0x38;
	[tilespmem:$0x19640] =	vst v63  }
0x336: {  	_ =	swait.ge [sflag:s13], $0x320  }
0x337: {  	[sflag:s13] =	ssyncset.done $0x0  }
0x338: {  	[sflag:s13] =	ssyncadd.s32 $0xFFFFFCE0  }
0x339: {  	_ =	swait.ge [sflag:s6], $0xC800  }
0x33a: {  	[sflag:s6] =	ssyncset.done $0x0  }
0x33b: {  	[sflag:s6] =	ssyncadd.s32 $0xFFFF3800  }
0x33c: {  	[tilespmem:s9], [sflag:$0x4] =	stream.indirect.gather [hbm4b:s3+s5], $0x40, s5, s5, $0xb8;
	[tilespmem:$0x19640] =	vst v63  }
0x33d: {  	_ =	swait.ge [sflag:s10], $0xC800  }
0x33e: {  	[sflag:s10] =	ssyncset.done $0x0  }
0x33f: {  	[sflag:s10] =	ssyncadd.s32 $0xFFFF3800  }
0x340: {  	[hbm4b:s28+s2] =	stream.linear.scatter [tilespmem:s9], [sflag:$0x6], $0xC800, $0x38;
	[tilespmem:$0x19640] =	vst v63  }
0x341: {  	_ = 	snop  }
0x342: {  	[tilespmem:s5], [sflag:$0x2] =	stream.linear.gather [hbm4b:s29+s2], $0x320, $0x38;
	[tilespmem:$0x19640] =	vst v63  }
0x343: {  	_ =	swait.ge [sflag:s16], $0x320  }
0x344: {  	[sflag:s16] =	ssyncset.done $0x0  }
0x345: {  	[sflag:s16] =	ssyncadd.s32 $0xFFFFFCE0  }
0x346: {  	_ =	swait.ge [sflag:s8], $0xC800  }
0x347: {  	[sflag:s8] =	ssyncset.done $0x0  }
0x348: {  	[sflag:s8] =	ssyncadd.s32 $0xFFFF3800  }
0x349: {  	[tilespmem:s11], [sflag:$0x3] =	stream.indirect.gather [hbm4b:s3+s5], $0x40, s2, s5, $0xb8;
	[tilespmem:$0x19640] =	vst v63  }
0x34a: {  	_ =	swait.ge [sflag:s15], $0xC800  }
0x34b: {  	[sflag:s15] =	ssyncset.done $0x0  }
0x34c: {  	[sflag:s15] =	ssyncadd.s32 $0xFFFF3800  }
0x34d: {  	[hbm4b:s25+s2] =	stream.linear.scatter [tilespmem:s11], [sflag:$0x5], $0xC800, $0x38;
	[tilespmem:$0x19640] =	vst v63  }
0x34e: {  	_ = 	snop  }
0x34f: {  	[tilespmem:s2], [sflag:$0x1] =	stream.linear.gather [hbm4b:s26+s2], $0x320, $0x38;
	[tilespmem:$0x19640] =	vst v63  }
0x350: {  	_ =	swait.ge [sflag:s13], $0x320  }
0x351: {  	[sflag:s13] =	ssyncset.done $0x0  }
0x352: {  	[sflag:s13] =	ssyncadd.s32 $0xFFFFFCE0  }
0x353: {  	_ =	swait.ge [sflag:s6], $0xC800  }
0x354: {  	[sflag:s6] =	ssyncset.done $0x0  }
0x355: {  	[sflag:s6] =	ssyncadd.s32 $0xFFFF3800  }
0x356: {  	[tilespmem:s9], [sflag:$0x4] =	stream.indirect.gather [hbm4b:s3+s5], $0x40, s5, s5, $0xb8;
	[tilespmem:$0x19640] =	vst v63  }
0x357: {  	_ =	swait.ge [sflag:s10], $0xC800  }
0x358: {  	[sflag:s10] =	ssyncset.done $0x0  }
0x359: {  	[sflag:s10] =	ssyncadd.s32 $0xFFFF3800  }
0x35a: {  	[hbm4b:s23+s2] =	stream.linear.scatter [tilespmem:s9], [sflag:$0x6], $0xC800, $0x38;
	[tilespmem:$0x19640] =	vst v63  }
0x35b: {  	_ = 	snop  }
0x35c: {  	[tilespmem:s5], [sflag:$0x2] =	stream.linear.gather [hbm4b:s24+s2], $0x320, $0x38;
	[tilespmem:$0x19640] =	vst v63  }
0x35d: {  	_ =	swait.ge [sflag:s16], $0x320  }
0x35e: {  	[sflag:s16] =	ssyncset.done $0x0  }
0x35f: {  	[sflag:s16] =	ssyncadd.s32 $0xFFFFFCE0  }
0x360: {  	_ =	swait.ge [sflag:s8], $0xC800  }
0x361: {  	[sflag:s8] =	ssyncset.done $0x0  }
0x362: {  	[sflag:s8] =	ssyncadd.s32 $0xFFFF3800  }
0x363: {  	[tilespmem:s11], [sflag:$0x3] =	stream.indirect.gather [hbm4b:s3+s5], $0x40, s2, s5, $0xb8;
	[tilespmem:$0x19640] =	vst v63  }
0x364: {  	_ =	swait.ge [sflag:s15], $0xC800  }
0x365: {  	[sflag:s15] =	ssyncset.done $0x0  }
0x366: {  	[sflag:s15] =	ssyncadd.s32 $0xFFFF3800  }
0x367: {  	[hbm4b:s21+s2] =	stream.linear.scatter [tilespmem:s11], [sflag:$0x5], $0xC800, $0x38;
	[tilespmem:$0x19640] =	vst v63  }
0x368: {  	_ = 	snop  }
0x369: {  	[tilespmem:s2], [sflag:$0x1] =	stream.linear.gather [hbm4b:s22+s2], $0x320, $0x38;
	[tilespmem:$0x19640] =	vst v63  }
0x36a: {  	_ =	swait.ge [sflag:s13], $0x320  }
0x36b: {  	[sflag:s13] =	ssyncset.done $0x0  }
0x36c: {  	[sflag:s13] =	ssyncadd.s32 $0xFFFFFCE0  }
0x36d: {  	_ =	swait.ge [sflag:s6], $0xC800  }
0x36e: {  	[sflag:s6] =	ssyncset.done $0x0  }
0x36f: {  	[sflag:s6] =	ssyncadd.s32 $0xFFFF3800  }
0x370: {  	[tilespmem:s9], [sflag:$0x4] =	stream.indirect.gather [hbm4b:s3+s5], $0x40, s5, s5, $0xb8;
	[tilespmem:$0x19640] =	vst v63  }
0x371: {  	_ =	swait.ge [sflag:s10], $0xC800  }
0x372: {  	[sflag:s10] =	ssyncset.done $0x0  }
0x373: {  	[sflag:s10] =	ssyncadd.s32 $0xFFFF3800  }
0x374: {  	[hbm4b:s19+s2] =	stream.linear.scatter [tilespmem:s9], [sflag:$0x6], $0xC800, $0x38;
	[tilespmem:$0x19640] =	vst v63  }
0x375: {  	_ = 	snop  }
0x376: {  	[tilespmem:s5], [sflag:$0x2] =	stream.linear.gather [hbm4b:s20+s2], $0x320, $0x38;
	[tilespmem:$0x19640] =	vst v63  }
0x377: {  	_ =	swait.ge [sflag:s16], $0x320  }
0x378: {  	[sflag:s16] =	ssyncset.done $0x0  }
0x379: {  	[sflag:s16] =	ssyncadd.s32 $0xFFFFFCE0  }
0x37a: {  	_ =	swait.ge [sflag:s8], $0xC800  }
0x37b: {  	[sflag:s8] =	ssyncset.done $0x0  }
0x37c: {  	[sflag:s8] =	ssyncadd.s32 $0xFFFF3800  }
0x37d: {  	[tilespmem:s11], [sflag:$0x3] =	stream.indirect.gather [hbm4b:s3+s5], $0x40, s2, s5, $0xb8;
	[tilespmem:$0x19640] =	vst v63  }
0x37e: {  	_ =	swait.ge [sflag:s15], $0xC800  }
0x37f: {  	[sflag:s15] =	ssyncset.done $0x0  }
0x380: {  	[sflag:s15] =	ssyncadd.s32 $0xFFFF3800  }
0x381: {  	[hbm4b:s17+s2] =	stream.linear.scatter [tilespmem:s11], [sflag:$0x5], $0xC800, $0x38;
	[tilespmem:$0x19640] =	vst v63  }
0x382: {  	_ = 	snop  }
0x383: {  	[tilespmem:s2], [sflag:$0x1] =	stream.linear.gather [hbm4b:s18+s2], $0x320, $0x38;
	[tilespmem:$0x19640] =	vst v63  }
0x384: {  	_ =	swait.ge [sflag:s13], $0x320  }
0x385: {  	[sflag:s13] =	ssyncset.done $0x0  }
0x386: {  	[sflag:s13] =	ssyncadd.s32 $0xFFFFFCE0  }
0x387: {  	_ =	swait.ge [sflag:s6], $0xC800  }
0x388: {  	[sflag:s6] =	ssyncset.done $0x0  }
0x389: {  	[sflag:s6] =	ssyncadd.s32 $0xFFFF3800  }
0x38a: {  	[tilespmem:s9], [sflag:$0x4] =	stream.indirect.gather [hbm4b:s3+s5], $0x40, s5, s5, $0xb8;
	[tilespmem:$0x19640] =	vst v63  }
0x38b: {  	_ =	swait.ge [sflag:s10], $0xC800  }
0x38c: {  	[sflag:s10] =	ssyncset.done $0x0  }
0x38d: {  	[sflag:s10] =	ssyncadd.s32 $0xFFFF3800  }
0x38e: {  	[hbm4b:s12+s2] =	stream.linear.scatter [tilespmem:s9], [sflag:$0x6], $0xC800, $0x38;
	[tilespmem:$0x19640] =	vst v63  }
0x38f: {  	_ = 	snop  }
0x390: {  	[tilespmem:s5], [sflag:$0x2] =	stream.linear.gather [hbm4b:s14+s2], $0x320, $0x38;
	[tilespmem:$0x19640] =	vst v63  }
0x391: {  	_ =	swait.ge [sflag:s16], $0x320  }
0x392: {  	[sflag:s16] =	ssyncset.done $0x0  }
0x393: {  	[sflag:s16] =	ssyncadd.s32 $0xFFFFFCE0  }
0x394: {  	_ =	swait.ge [sflag:s8], $0xC800  }
0x395: {  	[sflag:s8] =	ssyncset.done $0x0  }
0x396: {  	[sflag:s8] =	ssyncadd.s32 $0xFFFF3800  }
0x397: {  	[tilespmem:s11], [sflag:$0x3] =	stream.indirect.gather [hbm4b:s3+s5], $0x40, s2, s5, $0xb8;
	[tilespmem:$0x19640] =	vst v63  }
0x398: {  	_ =	swait.ge [sflag:s15], $0xC800  }
0x399: {  	[sflag:s15] =	ssyncset.done $0x0  }
0x39a: {  	[sflag:s15] =	ssyncadd.s32 $0xFFFF3800  }
0x39b: {  	[hbm4b:s7+s2] =	stream.linear.scatter [tilespmem:s11], [sflag:$0x5], $0xC800, $0x38;
	[tilespmem:$0x19640] =	vst v63  }
0x39c: {  	_ =	swait.ge [sflag:s13], $0x320  }
0x39d: {  	[sflag:s13] =	ssyncset.done $0x0  }
0x39e: {  	[sflag:s13] =	ssyncadd.s32 $0xFFFFFCE0  }
0x39f: {  	_ =	swait.ge [sflag:s6], $0xC800  }
0x3a0: {  	[sflag:s6] =	ssyncset.done $0x0  }
0x3a1: {  	[sflag:s6] =	ssyncadd.s32 $0xFFFF3800  }
0x3a2: {  	[tilespmem:s9], [sflag:$0x4] =	stream.indirect.gather [hbm4b:s3+s5], $0x40, s5, s5, $0xb8;
	[tilespmem:$0x19640] =	vst v63  }
0x3a3: {  	_ =	swait.ge [sflag:s10], $0xC800  }
0x3a4: {  	[sflag:s10] =	ssyncset.done $0x0  }
0x3a5: {  	p1 =	sne.s32 s1, $0x1;
	[sflag:s10] =	ssyncadd.s32 $0xFFFF3800  }
0x3a6: {  	[hbm4b:s4+s2] =	stream.linear.scatter [tilespmem:s9], [sflag:$0x6], $0xC800, $0x38;
	[tilespmem:$0x19640] =	vst v63  }
.Ltmp2:
0x3a7: {  	_ =	swait.ge [sflag:s8], $0xC800;
	(pc) =	sbr.rel @p1 .LBB2_2-.Ltmp2, $4  }
0x3a8: {  	[sflag:s8] =	ssyncset.done $0x0  }
0x3a9: {  	[sflag:s8] =	ssyncadd.s32 $0xFFFF3800  }
0x3aa: {  	_ =	swait.ge [sflag:s6], $0xC800  }
0x3ab: {  	s1 =	sadd.s32 $0xFFFFFFFF, s1;
	s0 =	rddreg [dreg:$0x3];
	[sflag:s6] =	ssyncset.done $0x0  }
.LBB2_3:
0x3ac: {  	[sflag:s6] =	ssyncadd.s32 @p0 $0xFFFF3800  }
0x3ad: {  	[tilespmem:s2], [sflag:$0x1] =	stream.linear.gather [hbm4b:s0+s2], $0x320, $0x38;
	[tilespmem:$0x19640] =	vst v63  }
0x3ae: {  	s1 =	rddreg [dreg:$0x4]  }
0x3af: {  	[tilespmem:s5], [sflag:$0x2] =	stream.linear.gather [hbm4b:s1+s2], $0x320, $0x38;
	[tilespmem:$0x19640] =	vst v63  }
0x3b0: {  	_ =	swait.ge [sflag:s16], $0x320  }
0x3b1: {  	[sflag:s16] =	ssyncset.done $0x0  }
0x3b2: {  	[sflag:s16] =	ssyncadd.s32 $0xFFFFFCE0  }
0x3b3: {  	[tilespmem:s11], [sflag:$0x3] =	stream.indirect.gather [hbm4b:s3+s5], $0x40, s2, s5, $0xb8;
	[tilespmem:$0x19640] =	vst v63  }
0x3b4: {  	_ =	swait.ge [sflag:s15], $0xC800  }
0x3b5: {  	[sflag:s15] =	ssyncset.done $0x0  }
0x3b6: {  	s0 =	rddreg [dreg:$0x5];
	[sflag:s15] =	ssyncadd.s32 $0xFFFF3800  }
0x3b7: {  	[hbm4b:s0+s2] =	stream.linear.scatter [tilespmem:s11], [sflag:$0x5], $0xC800, $0x38;
	[tilespmem:$0x19640] =	vst v63  }
0x3b8: {  	s1 =	rddreg [dreg:$0x6]  }
0x3b9: {  	[tilespmem:s2], [sflag:$0x1] =	stream.linear.gather [hbm4b:s1+s2], $0x320, $0x38;
	[tilespmem:$0x19640] =	vst v63  }
0x3ba: {  	_ =	swait.ge [sflag:s13], $0x320  }
0x3bb: {  	[sflag:s13] =	ssyncset.done $0x0  }
0x3bc: {  	[sflag:s13] =	ssyncadd.s32 $0xFFFFFCE0  }
0x3bd: {  	[tilespmem:s9], [sflag:$0x4] =	stream.indirect.gather [hbm4b:s3+s5], $0x40, s5, s5, $0xb8;
	[tilespmem:$0x19640] =	vst v63  }
0x3be: {  	_ =	swait.ge [sflag:s10], $0xC800  }
0x3bf: {  	[sflag:s10] =	ssyncset.done $0x0  }
0x3c0: {  	s0 =	rddreg [dreg:$0x7];
	[sflag:s10] =	ssyncadd.s32 $0xFFFF3800  }
0x3c1: {  	[hbm4b:s0+s2] =	stream.linear.scatter [tilespmem:s9], [sflag:$0x6], $0xC800, $0x38;
	[tilespmem:$0x19640] =	vst v63  }
0x3c2: {  	s1 =	rddreg [dreg:$0x8]  }
0x3c3: {  	[tilespmem:s5], [sflag:$0x2] =	stream.linear.gather [hbm4b:s1+s2], $0x320, $0x38;
	[tilespmem:$0x19640] =	vst v63  }
0x3c4: {  	_ =	swait.ge [sflag:s16], $0x320  }
0x3c5: {  	[sflag:s16] =	ssyncset.done $0x0  }
0x3c6: {  	[sflag:s16] =	ssyncadd.s32 $0xFFFFFCE0  }
0x3c7: {  	_ =	swait.ge [sflag:s8], $0xC800  }
0x3c8: {  	[sflag:s8] =	ssyncset.done $0x0  }
0x3c9: {  	[sflag:s8] =	ssyncadd.s32 $0xFFFF3800  }
0x3ca: {  	[tilespmem:s11], [sflag:$0x3] =	stream.indirect.gather [hbm4b:s3+s5], $0x40, s2, s5, $0xb8;
	[tilespmem:$0x19640] =	vst v63  }
0x3cb: {  	_ =	swait.ge [sflag:s15], $0xC800  }
0x3cc: {  	[sflag:s15] =	ssyncset.done $0x0  }
0x3cd: {  	s0 =	rddreg [dreg:$0x9];
	[sflag:s15] =	ssyncadd.s32 $0xFFFF3800  }
0x3ce: {  	[hbm4b:s0+s2] =	stream.linear.scatter [tilespmem:s11], [sflag:$0x5], $0xC800, $0x38;
	[tilespmem:$0x19640] =	vst v63  }
0x3cf: {  	s1 =	rddreg [dreg:$0xa]  }
0x3d0: {  	[tilespmem:s2], [sflag:$0x1] =	stream.linear.gather [hbm4b:s1+s2], $0x320, $0x38;
	[tilespmem:$0x19640] =	vst v63  }
0x3d1: {  	_ =	swait.ge [sflag:s13], $0x320  }
0x3d2: {  	[sflag:s13] =	ssyncset.done $0x0  }
0x3d3: {  	[sflag:s13] =	ssyncadd.s32 $0xFFFFFCE0  }
0x3d4: {  	_ =	swait.ge [sflag:s6], $0xC800  }
0x3d5: {  	[sflag:s6] =	ssyncset.done $0x0  }
0x3d6: {  	[sflag:s6] =	ssyncadd.s32 $0xFFFF3800  }
0x3d7: {  	[tilespmem:s9], [sflag:$0x4] =	stream.indirect.gather [hbm4b:s3+s5], $0x40, s5, s5, $0xb8;
	[tilespmem:$0x19640] =	vst v63  }
0x3d8: {  	_ =	swait.ge [sflag:s10], $0xC800  }
0x3d9: {  	[sflag:s10] =	ssyncset.done $0x0  }
0x3da: {  	s0 =	rddreg [dreg:$0xb];
	[sflag:s10] =	ssyncadd.s32 $0xFFFF3800  }
0x3db: {  	[hbm4b:s0+s2] =	stream.linear.scatter [tilespmem:s9], [sflag:$0x6], $0xC800, $0x38;
	[tilespmem:$0x19640] =	vst v63  }
0x3dc: {  	s1 =	rddreg [dreg:$0xc]  }
0x3dd: {  	[tilespmem:s5], [sflag:$0x2] =	stream.linear.gather [hbm4b:s1+s2], $0x320, $0x38;
	[tilespmem:$0x19640] =	vst v63  }
0x3de: {  	_ =	swait.ge [sflag:s16], $0x320  }
0x3df: {  	[sflag:s16] =	ssyncset.done $0x0  }
0x3e0: {  	[sflag:s16] =	ssyncadd.s32 $0xFFFFFCE0  }
0x3e1: {  	_ =	swait.ge [sflag:s8], $0xC800  }
0x3e2: {  	[sflag:s8] =	ssyncset.done $0x0  }
0x3e3: {  	[sflag:s8] =	ssyncadd.s32 $0xFFFF3800  }
0x3e4: {  	[tilespmem:s11], [sflag:$0x3] =	stream.indirect.gather [hbm4b:s3+s5], $0x40, s2, s5, $0xb8;
	[tilespmem:$0x19640] =	vst v63  }
0x3e5: {  	_ =	swait.ge [sflag:s15], $0xC800  }
0x3e6: {  	[sflag:s15] =	ssyncset.done $0x0  }
0x3e7: {  	s0 =	rddreg [dreg:$0xd];
	[sflag:s15] =	ssyncadd.s32 $0xFFFF3800  }
0x3e8: {  	[hbm4b:s0+s2] =	stream.linear.scatter [tilespmem:s11], [sflag:$0x5], $0xC800, $0x38;
	[tilespmem:$0x19640] =	vst v63  }
0x3e9: {  	s1 =	rddreg [dreg:$0xe]  }
0x3ea: {  	[tilespmem:s2], [sflag:$0x1] =	stream.linear.gather [hbm4b:s1+s2], $0x320, $0x38;
	[tilespmem:$0x19640] =	vst v63  }
0x3eb: {  	_ =	swait.ge [sflag:s13], $0x320  }
0x3ec: {  	[sflag:s13] =	ssyncset.done $0x0  }
0x3ed: {  	[sflag:s13] =	ssyncadd.s32 $0xFFFFFCE0  }
0x3ee: {  	_ =	swait.ge [sflag:s6], $0xC800  }
0x3ef: {  	[sflag:s6] =	ssyncset.done $0x0  }
0x3f0: {  	[sflag:s6] =	ssyncadd.s32 $0xFFFF3800  }
0x3f1: {  	[tilespmem:s9], [sflag:$0x4] =	stream.indirect.gather [hbm4b:s3+s5], $0x40, s5, s5, $0xb8;
	[tilespmem:$0x19640] =	vst v63  }
0x3f2: {  	_ =	swait.ge [sflag:s10], $0xC800  }
0x3f3: {  	[sflag:s10] =	ssyncset.done $0x0  }
0x3f4: {  	s0 =	rddreg [dreg:$0xf];
	[sflag:s10] =	ssyncadd.s32 $0xFFFF3800  }
0x3f5: {  	[hbm4b:s0+s2] =	stream.linear.scatter [tilespmem:s9], [sflag:$0x6], $0xC800, $0x38;
	[tilespmem:$0x19640] =	vst v63  }
0x3f6: {  	s1 =	rddreg [dreg:$0x10]  }
0x3f7: {  	[tilespmem:s5], [sflag:$0x2] =	stream.linear.gather [hbm4b:s1+s2], $0x320, $0x38;
	[tilespmem:$0x19640] =	vst v63  }
0x3f8: {  	_ =	swait.ge [sflag:s16], $0x320  }
0x3f9: {  	[sflag:s16] =	ssyncset.done $0x0  }
0x3fa: {  	[sflag:s16] =	ssyncadd.s32 $0xFFFFFCE0  }
0x3fb: {  	_ =	swait.ge [sflag:s8], $0xC800  }
0x3fc: {  	[sflag:s8] =	ssyncset.done $0x0  }
0x3fd: {  	[sflag:s8] =	ssyncadd.s32 $0xFFFF3800  }
0x3fe: {  	[tilespmem:s11], [sflag:$0x3] =	stream.indirect.gather [hbm4b:s3+s5], $0x40, s2, s5, $0xb8;
	[tilespmem:$0x19640] =	vst v63  }
0x3ff: {  	_ =	swait.ge [sflag:s15], $0xC800  }
0x400: {  	[sflag:s15] =	ssyncset.done $0x0  }
0x401: {  	s0 =	rddreg [dreg:$0x11];
	[sflag:s15] =	ssyncadd.s32 $0xFFFF3800  }
0x402: {  	[hbm4b:s0+s2] =	stream.linear.scatter [tilespmem:s11], [sflag:$0x5], $0xC800, $0x38;
	[tilespmem:$0x19640] =	vst v63  }
0x403: {  	s1 =	rddreg [dreg:$0x12]  }
0x404: {  	[tilespmem:s2], [sflag:$0x1] =	stream.linear.gather [hbm4b:s1+s2], $0x320, $0x38;
	[tilespmem:$0x19640] =	vst v63  }
0x405: {  	_ =	swait.ge [sflag:s13], $0x320  }
0x406: {  	[sflag:s13] =	ssyncset.done $0x0  }
0x407: {  	[sflag:s13] =	ssyncadd.s32 $0xFFFFFCE0  }
0x408: {  	_ =	swait.ge [sflag:s6], $0xC800  }
0x409: {  	[sflag:s6] =	ssyncset.done $0x0  }
0x40a: {  	[sflag:s6] =	ssyncadd.s32 $0xFFFF3800  }
0x40b: {  	[tilespmem:s9], [sflag:$0x4] =	stream.indirect.gather [hbm4b:s3+s5], $0x40, s5, s5, $0xb8;
	[tilespmem:$0x19640] =	vst v63  }
0x40c: {  	_ =	swait.ge [sflag:s10], $0xC800  }
0x40d: {  	[sflag:s10] =	ssyncset.done $0x0  }
0x40e: {  	s0 =	rddreg [dreg:$0x13];
	[sflag:s10] =	ssyncadd.s32 $0xFFFF3800  }
0x40f: {  	[hbm4b:s0+s2] =	stream.linear.scatter [tilespmem:s9], [sflag:$0x6], $0xC800, $0x38;
	[tilespmem:$0x19640] =	vst v63  }
0x410: {  	s1 =	rddreg [dreg:$0x14]  }
0x411: {  	[tilespmem:s5], [sflag:$0x2] =	stream.linear.gather [hbm4b:s1+s2], $0x320, $0x38;
	[tilespmem:$0x19640] =	vst v63  }
0x412: {  	_ =	swait.ge [sflag:s16], $0x320  }
0x413: {  	[sflag:s16] =	ssyncset.done $0x0  }
0x414: {  	[sflag:s16] =	ssyncadd.s32 $0xFFFFFCE0  }
0x415: {  	_ =	swait.ge [sflag:s8], $0xC800  }
0x416: {  	[sflag:s8] =	ssyncset.done $0x0  }
0x417: {  	[sflag:s8] =	ssyncadd.s32 $0xFFFF3800  }
0x418: {  	[tilespmem:s11], [sflag:$0x3] =	stream.indirect.gather [hbm4b:s3+s5], $0x40, s2, s5, $0xb8;
	[tilespmem:$0x19640] =	vst v63  }
0x419: {  	_ =	swait.ge [sflag:s15], $0xC800  }
0x41a: {  	[sflag:s15] =	ssyncset.done $0x0  }
0x41b: {  	s0 =	rddreg [dreg:$0x15];
	[sflag:s15] =	ssyncadd.s32 $0xFFFF3800  }
0x41c: {  	[hbm4b:s0+s2] =	stream.linear.scatter [tilespmem:s11], [sflag:$0x5], $0xC800, $0x38;
	[tilespmem:$0x19640] =	vst v63  }
0x41d: {  	s1 =	rddreg [dreg:$0x16]  }
0x41e: {  	[tilespmem:s2], [sflag:$0x1] =	stream.linear.gather [hbm4b:s1+s2], $0x320, $0x38;
	[tilespmem:$0x19640] =	vst v63  }
0x41f: {  	_ =	swait.ge [sflag:s13], $0x320  }
0x420: {  	[sflag:s13] =	ssyncset.done $0x0  }
0x421: {  	[sflag:s13] =	ssyncadd.s32 $0xFFFFFCE0  }
0x422: {  	_ =	swait.ge [sflag:s6], $0xC800  }
0x423: {  	[sflag:s6] =	ssyncset.done $0x0  }
0x424: {  	[sflag:s6] =	ssyncadd.s32 $0xFFFF3800  }
0x425: {  	[tilespmem:s9], [sflag:$0x4] =	stream.indirect.gather [hbm4b:s3+s5], $0x40, s5, s5, $0xb8;
	[tilespmem:$0x19640] =	vst v63  }
0x426: {  	_ =	swait.ge [sflag:s10], $0xC800  }
0x427: {  	[sflag:s10] =	ssyncset.done $0x0  }
0x428: {  	s0 =	rddreg [dreg:$0x17];
	[sflag:s10] =	ssyncadd.s32 $0xFFFF3800  }
0x429: {  	[hbm4b:s0+s2] =	stream.linear.scatter [tilespmem:s9], [sflag:$0x6], $0xC800, $0x38;
	[tilespmem:$0x19640] =	vst v63  }
0x42a: {  	s1 =	rddreg [dreg:$0x18]  }
0x42b: {  	[tilespmem:s5], [sflag:$0x2] =	stream.linear.gather [hbm4b:s1+s2], $0x320, $0x38;
	[tilespmem:$0x19640] =	vst v63  }
0x42c: {  	_ =	swait.ge [sflag:s16], $0x320  }
0x42d: {  	[sflag:s16] =	ssyncset.done $0x0  }
0x42e: {  	[sflag:s16] =	ssyncadd.s32 $0xFFFFFCE0  }
0x42f: {  	_ =	swait.ge [sflag:s8], $0xC800  }
0x430: {  	[sflag:s8] =	ssyncset.done $0x0  }
0x431: {  	[sflag:s8] =	ssyncadd.s32 $0xFFFF3800  }
0x432: {  	[tilespmem:s11], [sflag:$0x3] =	stream.indirect.gather [hbm4b:s3+s5], $0x40, s2, s5, $0xb8;
	[tilespmem:$0x19640] =	vst v63  }
0x433: {  	_ =	swait.ge [sflag:s15], $0xC800  }
0x434: {  	[sflag:s15] =	ssyncset.done $0x0  }
0x435: {  	s0 =	rddreg [dreg:$0x19];
	[sflag:s15] =	ssyncadd.s32 $0xFFFF3800  }
0x436: {  	[hbm4b:s0+s2] =	stream.linear.scatter [tilespmem:s11], [sflag:$0x5], $0xC800, $0x38;
	[tilespmem:$0x19640] =	vst v63  }
0x437: {  	s1 =	rddreg [dreg:$0x1a]  }
0x438: {  	[tilespmem:s2], [sflag:$0x1] =	stream.linear.gather [hbm4b:s1+s2], $0x320, $0x38;
	[tilespmem:$0x19640] =	vst v63  }
0x439: {  	_ =	swait.ge [sflag:s13], $0x320  }
0x43a: {  	[sflag:s13] =	ssyncset.done $0x0  }
0x43b: {  	[sflag:s13] =	ssyncadd.s32 $0xFFFFFCE0  }
0x43c: {  	_ =	swait.ge [sflag:s6], $0xC800  }
0x43d: {  	[sflag:s6] =	ssyncset.done $0x0  }
0x43e: {  	[sflag:s6] =	ssyncadd.s32 $0xFFFF3800  }
0x43f: {  	[tilespmem:s9], [sflag:$0x4] =	stream.indirect.gather [hbm4b:s3+s5], $0x40, s5, s5, $0xb8;
	[tilespmem:$0x19640] =	vst v63  }
0x440: {  	_ =	swait.ge [sflag:s10], $0xC800  }
0x441: {  	[sflag:s10] =	ssyncset.done $0x0  }
0x442: {  	s0 =	rddreg [dreg:$0x1b];
	[sflag:s10] =	ssyncadd.s32 $0xFFFF3800  }
0x443: {  	[hbm4b:s0+s2] =	stream.linear.scatter [tilespmem:s9], [sflag:$0x6], $0xC800, $0x38;
	[tilespmem:$0x19640] =	vst v63  }
0x444: {  	s1 =	rddreg [dreg:$0x1c]  }
0x445: {  	[tilespmem:s5], [sflag:$0x2] =	stream.linear.gather [hbm4b:s1+s2], $0x320, $0x38;
	[tilespmem:$0x19640] =	vst v63  }
0x446: {  	_ =	swait.ge [sflag:s16], $0x320  }
0x447: {  	[sflag:s16] =	ssyncset.done $0x0  }
0x448: {  	[sflag:s16] =	ssyncadd.s32 $0xFFFFFCE0  }
0x449: {  	_ =	swait.ge [sflag:s8], $0xC800  }
0x44a: {  	[sflag:s8] =	ssyncset.done $0x0  }
0x44b: {  	[sflag:s8] =	ssyncadd.s32 $0xFFFF3800  }
0x44c: {  	[tilespmem:s11], [sflag:$0x3] =	stream.indirect.gather [hbm4b:s3+s5], $0x40, s2, s5, $0xb8;
	[tilespmem:$0x19640] =	vst v63  }
0x44d: {  	_ =	swait.ge [sflag:s15], $0xC800  }
0x44e: {  	[sflag:s15] =	ssyncset.done $0x0  }
0x44f: {  	s0 =	rddreg [dreg:$0x1d];
	[sflag:s15] =	ssyncadd.s32 $0xFFFF3800  }
0x450: {  	[hbm4b:s0+s2] =	stream.linear.scatter [tilespmem:s11], [sflag:$0x5], $0xC800, $0x38;
	[tilespmem:$0x19640] =	vst v63  }
0x451: {  	s1 =	rddreg [dreg:$0x1e]  }
0x452: {  	[tilespmem:s2], [sflag:$0x1] =	stream.linear.gather [hbm4b:s1+s2], $0x320, $0x38;
	[tilespmem:$0x19640] =	vst v63  }
0x453: {  	_ =	swait.ge [sflag:s13], $0x320  }
0x454: {  	[sflag:s13] =	ssyncset.done $0x0  }
0x455: {  	[sflag:s13] =	ssyncadd.s32 $0xFFFFFCE0  }
0x456: {  	_ =	swait.ge [sflag:s6], $0xC800  }
0x457: {  	[sflag:s6] =	ssyncset.done $0x0  }
0x458: {  	[sflag:s6] =	ssyncadd.s32 $0xFFFF3800  }
0x459: {  	[tilespmem:s9], [sflag:$0x4] =	stream.indirect.gather [hbm4b:s3+s5], $0x40, s5, s5, $0xb8;
	[tilespmem:$0x19640] =	vst v63  }
0x45a: {  	_ =	swait.ge [sflag:s10], $0xC800  }
0x45b: {  	s0 =	rddreg [dreg:$0x1f];
	[sflag:s10] =	ssyncset.done $0x0  }
0x45c: {  	s1 =	sld [smem:$0x7ED];
	[sflag:s10] =	ssyncadd.s32 $0xFFFF3800  }
0x45d: {  	[hbm4b:s0+s2] =	stream.linear.scatter [tilespmem:s9], [sflag:$0x6], $0xC800, $0x38;
	[tilespmem:$0x19640] =	vst v63  }
0x45e: {  	_ = 	snop  }
0x45f: {  	[tilespmem:s5], [sflag:$0x2] =	stream.linear.gather [hbm4b:s1+s2], $0x320, $0x38;
	[tilespmem:$0x19640] =	vst v63  }
0x460: {  	_ =	swait.ge [sflag:s16], $0x320  }
0x461: {  	[sflag:s16] =	ssyncset.done $0x0  }
0x462: {  	[sflag:s16] =	ssyncadd.s32 $0xFFFFFCE0  }
0x463: {  	_ =	swait.ge [sflag:s8], $0xC800  }
0x464: {  	[sflag:s8] =	ssyncset.done $0x0  }
0x465: {  	[sflag:s8] =	ssyncadd.s32 $0xFFFF3800  }
0x466: {  	[tilespmem:s11], [sflag:$0x3] =	stream.indirect.gather [hbm4b:s3+s5], $0x40, s2, s5, $0xb8;
	[tilespmem:$0x19640] =	vst v63  }
0x467: {  	_ =	swait.ge [sflag:s15], $0xC800  }
0x468: {  	s0 =	sld [smem:$0x7EE]  }
0x469: {  	[sflag:s15] =	ssyncset.done $0x0  }
0x46a: {  	s1 =	sld [smem:$0x7EF];
	[sflag:s15] =	ssyncadd.s32 $0xFFFF3800  }
0x46b: {  	[hbm4b:s0+s2] =	stream.linear.scatter [tilespmem:s11], [sflag:$0x5], $0xC800, $0x38;
	[tilespmem:$0x19640] =	vst v63  }
0x46c: {  	_ = 	snop  }
0x46d: {  	[tilespmem:s2], [sflag:$0x1] =	stream.linear.gather [hbm4b:s1+s2], $0x320, $0x38;
	[tilespmem:$0x19640] =	vst v63  }
0x46e: {  	_ =	swait.ge [sflag:s13], $0x320  }
0x46f: {  	[sflag:s13] =	ssyncset.done $0x0  }
0x470: {  	[sflag:s13] =	ssyncadd.s32 $0xFFFFFCE0  }
0x471: {  	_ =	swait.ge [sflag:s6], $0xC800  }
0x472: {  	[sflag:s6] =	ssyncset.done $0x0  }
0x473: {  	[sflag:s6] =	ssyncadd.s32 $0xFFFF3800  }
0x474: {  	[tilespmem:s9], [sflag:$0x4] =	stream.indirect.gather [hbm4b:s3+s5], $0x40, s5, s5, $0xb8;
	[tilespmem:$0x19640] =	vst v63  }
0x475: {  	_ =	swait.ge [sflag:s10], $0xC800  }
0x476: {  	s0 =	sld [smem:$0x7F0]  }
0x477: {  	[sflag:s10] =	ssyncset.done $0x0  }
0x478: {  	s1 =	sld [smem:$0x7F1];
	[sflag:s10] =	ssyncadd.s32 $0xFFFF3800  }
0x479: {  	[hbm4b:s0+s2] =	stream.linear.scatter [tilespmem:s9], [sflag:$0x6], $0xC800, $0x38;
	[tilespmem:$0x19640] =	vst v63  }
0x47a: {  	_ = 	snop  }
0x47b: {  	[tilespmem:s5], [sflag:$0x2] =	stream.linear.gather [hbm4b:s1+s2], $0x320, $0x38;
	[tilespmem:$0x19640] =	vst v63  }
0x47c: {  	_ =	swait.ge [sflag:s16], $0x320  }
0x47d: {  	[sflag:s16] =	ssyncset.done $0x0  }
0x47e: {  	[sflag:s16] =	ssyncadd.s32 $0xFFFFFCE0  }
0x47f: {  	_ =	swait.ge [sflag:s8], $0xC800  }
0x480: {  	[sflag:s8] =	ssyncset.done $0x0  }
0x481: {  	[sflag:s8] =	ssyncadd.s32 $0xFFFF3800  }
0x482: {  	[tilespmem:s11], [sflag:$0x3] =	stream.indirect.gather [hbm4b:s3+s5], $0x40, s2, s5, $0xb8;
	[tilespmem:$0x19640] =	vst v63  }
0x483: {  	_ =	swait.ge [sflag:s15], $0xC800  }
0x484: {  	s0 =	sld [smem:$0x7F2]  }
0x485: {  	[sflag:s15] =	ssyncset.done $0x0  }
0x486: {  	s1 =	sld [smem:$0x7F3];
	[sflag:s15] =	ssyncadd.s32 $0xFFFF3800  }
0x487: {  	[hbm4b:s0+s2] =	stream.linear.scatter [tilespmem:s11], [sflag:$0x5], $0xC800, $0x38;
	[tilespmem:$0x19640] =	vst v63  }
0x488: {  	_ = 	snop  }
0x489: {  	[tilespmem:s2], [sflag:$0x1] =	stream.linear.gather [hbm4b:s1+s2], $0x320, $0x38;
	[tilespmem:$0x19640] =	vst v63  }
0x48a: {  	_ =	swait.ge [sflag:s13], $0x320  }
0x48b: {  	[sflag:s13] =	ssyncset.done $0x0  }
0x48c: {  	[sflag:s13] =	ssyncadd.s32 $0xFFFFFCE0  }
0x48d: {  	_ =	swait.ge [sflag:s6], $0xC800  }
0x48e: {  	[sflag:s6] =	ssyncset.done $0x0  }
0x48f: {  	[sflag:s6] =	ssyncadd.s32 $0xFFFF3800  }
0x490: {  	[tilespmem:s9], [sflag:$0x4] =	stream.indirect.gather [hbm4b:s3+s5], $0x40, s5, s5, $0xb8;
	[tilespmem:$0x19640] =	vst v63  }
0x491: {  	_ =	swait.ge [sflag:s10], $0xC800  }
0x492: {  	s0 =	sld [smem:$0x7F4]  }
0x493: {  	[sflag:s10] =	ssyncset.done $0x0  }
0x494: {  	s1 =	sld [smem:$0x7F5];
	[sflag:s10] =	ssyncadd.s32 $0xFFFF3800  }
0x495: {  	[hbm4b:s0+s2] =	stream.linear.scatter [tilespmem:s9], [sflag:$0x6], $0xC800, $0x38;
	[tilespmem:$0x19640] =	vst v63  }
0x496: {  	_ = 	snop  }
0x497: {  	[tilespmem:s5], [sflag:$0x2] =	stream.linear.gather [hbm4b:s1+s2], $0x320, $0x38;
	[tilespmem:$0x19640] =	vst v63  }
0x498: {  	_ =	swait.ge [sflag:s16], $0x320  }
0x499: {  	[sflag:s16] =	ssyncset.done $0x0  }
0x49a: {  	[sflag:s16] =	ssyncadd.s32 $0xFFFFFCE0  }
0x49b: {  	_ =	swait.ge [sflag:s8], $0xC800  }
0x49c: {  	[sflag:s8] =	ssyncset.done $0x0  }
0x49d: {  	[sflag:s8] =	ssyncadd.s32 $0xFFFF3800  }
0x49e: {  	[tilespmem:s11], [sflag:$0x3] =	stream.indirect.gather [hbm4b:s3+s5], $0x40, s2, s5, $0xb8;
	[tilespmem:$0x19640] =	vst v63  }
0x49f: {  	_ =	swait.ge [sflag:s15], $0xC800  }
0x4a0: {  	s0 =	sld [smem:$0x7F6]  }
0x4a1: {  	[sflag:s15] =	ssyncset.done $0x0  }
0x4a2: {  	s1 =	sld [smem:$0x7F7];
	[sflag:s15] =	ssyncadd.s32 $0xFFFF3800  }
0x4a3: {  	[hbm4b:s0+s2] =	stream.linear.scatter [tilespmem:s11], [sflag:$0x5], $0xC800, $0x38;
	[tilespmem:$0x19640] =	vst v63  }
0x4a4: {  	_ = 	snop  }
0x4a5: {  	[tilespmem:s2], [sflag:$0x1] =	stream.linear.gather [hbm4b:s1+s2], $0x320, $0x38;
	[tilespmem:$0x19640] =	vst v63  }
0x4a6: {  	_ =	swait.ge [sflag:s13], $0x320  }
0x4a7: {  	[sflag:s13] =	ssyncset.done $0x0  }
0x4a8: {  	[sflag:s13] =	ssyncadd.s32 $0xFFFFFCE0  }
0x4a9: {  	_ =	swait.ge [sflag:s6], $0xC800  }
0x4aa: {  	[sflag:s6] =	ssyncset.done $0x0  }
0x4ab: {  	[sflag:s6] =	ssyncadd.s32 $0xFFFF3800  }
0x4ac: {  	[tilespmem:s9], [sflag:$0x4] =	stream.indirect.gather [hbm4b:s3+s5], $0x40, s5, s5, $0xb8;
	[tilespmem:$0x19640] =	vst v63  }
0x4ad: {  	_ =	swait.ge [sflag:s10], $0xC800  }
0x4ae: {  	s0 =	sld [smem:$0x7F8]  }
0x4af: {  	[sflag:s10] =	ssyncset.done $0x0  }
0x4b0: {  	s1 =	sld [smem:$0x7F9];
	[sflag:s10] =	ssyncadd.s32 $0xFFFF3800  }
0x4b1: {  	[hbm4b:s0+s2] =	stream.linear.scatter [tilespmem:s9], [sflag:$0x6], $0xC800, $0x38;
	[tilespmem:$0x19640] =	vst v63  }
0x4b2: {  	_ = 	snop  }
0x4b3: {  	[tilespmem:s5], [sflag:$0x2] =	stream.linear.gather [hbm4b:s1+s2], $0x320, $0x38;
	[tilespmem:$0x19640] =	vst v63  }
0x4b4: {  	_ =	swait.ge [sflag:s16], $0x320  }
0x4b5: {  	[sflag:s16] =	ssyncset.done $0x0  }
0x4b6: {  	[sflag:s16] =	ssyncadd.s32 $0xFFFFFCE0  }
0x4b7: {  	_ =	swait.ge [sflag:s8], $0xC800  }
0x4b8: {  	[sflag:s8] =	ssyncset.done $0x0  }
0x4b9: {  	[sflag:s8] =	ssyncadd.s32 $0xFFFF3800  }
0x4ba: {  	[tilespmem:s11], [sflag:$0x3] =	stream.indirect.gather [hbm4b:s3+s5], $0x40, s2, s5, $0xb8;
	[tilespmem:$0x19640] =	vst v63  }
0x4bb: {  	_ =	swait.ge [sflag:s15], $0xC800  }
0x4bc: {  	s0 =	sld [smem:$0x7FA]  }
0x4bd: {  	[sflag:s15] =	ssyncset.done $0x0  }
0x4be: {  	s1 =	sld [smem:$0x7FB];
	[sflag:s15] =	ssyncadd.s32 $0xFFFF3800  }
0x4bf: {  	[hbm4b:s0+s2] =	stream.linear.scatter [tilespmem:s11], [sflag:$0x5], $0xC800, $0x38;
	[tilespmem:$0x19640] =	vst v63  }
0x4c0: {  	_ = 	snop  }
0x4c1: {  	[tilespmem:s2], [sflag:$0x1] =	stream.linear.gather [hbm4b:s1+s2], $0x320, $0x38;
	[tilespmem:$0x19640] =	vst v63  }
0x4c2: {  	_ =	swait.ge [sflag:s13], $0x320  }
0x4c3: {  	[sflag:s13] =	ssyncset.done $0x0  }
0x4c4: {  	[sflag:s13] =	ssyncadd.s32 $0xFFFFFCE0  }
0x4c5: {  	_ =	swait.ge [sflag:s6], $0xC800  }
0x4c6: {  	[sflag:s6] =	ssyncset.done $0x0  }
0x4c7: {  	[sflag:s6] =	ssyncadd.s32 $0xFFFF3800  }
0x4c8: {  	[tilespmem:s9], [sflag:$0x4] =	stream.indirect.gather [hbm4b:s3+s5], $0x40, s5, s5, $0xb8;
	[tilespmem:$0x19640] =	vst v63  }
0x4c9: {  	_ =	swait.ge [sflag:s10], $0xC800  }
0x4ca: {  	s0 =	sld [smem:$0x7FC]  }
0x4cb: {  	[sflag:s10] =	ssyncset.done $0x0  }
0x4cc: {  	s1 =	sld [smem:$0x7FD];
	[sflag:s10] =	ssyncadd.s32 $0xFFFF3800  }
0x4cd: {  	[hbm4b:s0+s2] =	stream.linear.scatter [tilespmem:s9], [sflag:$0x6], $0xC800, $0x38;
	[tilespmem:$0x19640] =	vst v63  }
0x4ce: {  	_ = 	snop  }
0x4cf: {  	[tilespmem:s5], [sflag:$0x2] =	stream.linear.gather [hbm4b:s1+s2], $0x320, $0x38;
	[tilespmem:$0x19640] =	vst v63  }
0x4d0: {  	_ =	swait.ge [sflag:s16], $0x320  }
0x4d1: {  	[sflag:s16] =	ssyncset.done $0x0  }
0x4d2: {  	[sflag:s16] =	ssyncadd.s32 $0xFFFFFCE0  }
0x4d3: {  	_ =	swait.ge [sflag:s8], $0xC800  }
0x4d4: {  	[sflag:s8] =	ssyncset.done $0x0  }
0x4d5: {  	[sflag:s8] =	ssyncadd.s32 $0xFFFF3800  }
0x4d6: {  	[tilespmem:s11], [sflag:$0x3] =	stream.indirect.gather [hbm4b:s3+s5], $0x40, s2, s5, $0xb8;
	[tilespmem:$0x19640] =	vst v63  }
0x4d7: {  	_ =	swait.ge [sflag:s15], $0xC800  }
0x4d8: {  	[sflag:s15] =	ssyncset.done $0x0  }
0x4d9: {  	[sflag:s15] =	ssyncadd.s32 $0xFFFF3800  }
0x4da: {  	[hbm4b:s30+s2] =	stream.linear.scatter [tilespmem:s11], [sflag:$0x5], $0xC800, $0x38;
	[tilespmem:$0x19640] =	vst v63  }
0x4db: {  	_ = 	snop  }
0x4dc: {  	[tilespmem:s2], [sflag:$0x1] =	stream.linear.gather [hbm4b:s31+s2], $0x320, $0x38;
	[tilespmem:$0x19640] =	vst v63  }
0x4dd: {  	_ =	swait.ge [sflag:s13], $0x320  }
0x4de: {  	[sflag:s13] =	ssyncset.done $0x0  }
0x4df: {  	[sflag:s13] =	ssyncadd.s32 $0xFFFFFCE0  }
0x4e0: {  	_ =	swait.ge [sflag:s6], $0xC800  }
0x4e1: {  	[sflag:s6] =	ssyncset.done $0x0  }
0x4e2: {  	[sflag:s6] =	ssyncadd.s32 $0xFFFF3800  }
0x4e3: {  	[tilespmem:s9], [sflag:$0x4] =	stream.indirect.gather [hbm4b:s3+s5], $0x40, s5, s5, $0xb8;
	[tilespmem:$0x19640] =	vst v63  }
0x4e4: {  	_ =	swait.ge [sflag:s10], $0xC800  }
0x4e5: {  	[sflag:s10] =	ssyncset.done $0x0  }
0x4e6: {  	[sflag:s10] =	ssyncadd.s32 $0xFFFF3800  }
0x4e7: {  	[hbm4b:s28+s2] =	stream.linear.scatter [tilespmem:s9], [sflag:$0x6], $0xC800, $0x38;
	[tilespmem:$0x19640] =	vst v63  }
0x4e8: {  	_ = 	snop  }
0x4e9: {  	[tilespmem:s5], [sflag:$0x2] =	stream.linear.gather [hbm4b:s29+s2], $0x320, $0x38;
	[tilespmem:$0x19640] =	vst v63  }
0x4ea: {  	_ =	swait.ge [sflag:s16], $0x320  }
0x4eb: {  	[sflag:s16] =	ssyncset.done $0x0  }
0x4ec: {  	[sflag:s16] =	ssyncadd.s32 $0xFFFFFCE0  }
0x4ed: {  	_ =	swait.ge [sflag:s8], $0xC800  }
0x4ee: {  	[sflag:s8] =	ssyncset.done $0x0  }
0x4ef: {  	[sflag:s8] =	ssyncadd.s32 $0xFFFF3800  }
0x4f0: {  	[tilespmem:s11], [sflag:$0x3] =	stream.indirect.gather [hbm4b:s3+s5], $0x40, s2, s5, $0xb8;
	[tilespmem:$0x19640] =	vst v63  }
0x4f1: {  	_ =	swait.ge [sflag:s15], $0xC800  }
0x4f2: {  	[sflag:s15] =	ssyncset.done $0x0  }
0x4f3: {  	[sflag:s15] =	ssyncadd.s32 $0xFFFF3800  }
0x4f4: {  	[hbm4b:s25+s2] =	stream.linear.scatter [tilespmem:s11], [sflag:$0x5], $0xC800, $0x38;
	[tilespmem:$0x19640] =	vst v63  }
0x4f5: {  	_ = 	snop  }
0x4f6: {  	[tilespmem:s2], [sflag:$0x1] =	stream.linear.gather [hbm4b:s26+s2], $0x320, $0x38;
	[tilespmem:$0x19640] =	vst v63  }
0x4f7: {  	_ =	swait.ge [sflag:s13], $0x320  }
0x4f8: {  	[sflag:s13] =	ssyncset.done $0x0  }
0x4f9: {  	[sflag:s13] =	ssyncadd.s32 $0xFFFFFCE0  }
0x4fa: {  	_ =	swait.ge [sflag:s6], $0xC800  }
0x4fb: {  	[sflag:s6] =	ssyncset.done $0x0  }
0x4fc: {  	[sflag:s6] =	ssyncadd.s32 $0xFFFF3800  }
0x4fd: {  	[tilespmem:s9], [sflag:$0x4] =	stream.indirect.gather [hbm4b:s3+s5], $0x40, s5, s5, $0xb8;
	[tilespmem:$0x19640] =	vst v63  }
0x4fe: {  	_ =	swait.ge [sflag:s10], $0xC800  }
0x4ff: {  	[sflag:s10] =	ssyncset.done $0x0  }
0x500: {  	[sflag:s10] =	ssyncadd.s32 $0xFFFF3800  }
0x501: {  	[hbm4b:s23+s2] =	stream.linear.scatter [tilespmem:s9], [sflag:$0x6], $0xC800, $0x38;
	[tilespmem:$0x19640] =	vst v63  }
0x502: {  	_ = 	snop  }
0x503: {  	[tilespmem:s5], [sflag:$0x2] =	stream.linear.gather [hbm4b:s24+s2], $0x320, $0x38;
	[tilespmem:$0x19640] =	vst v63  }
0x504: {  	_ =	swait.ge [sflag:s16], $0x320  }
0x505: {  	[sflag:s16] =	ssyncset.done $0x0  }
0x506: {  	[sflag:s16] =	ssyncadd.s32 $0xFFFFFCE0  }
0x507: {  	_ =	swait.ge [sflag:s8], $0xC800  }
0x508: {  	[sflag:s8] =	ssyncset.done $0x0  }
0x509: {  	[sflag:s8] =	ssyncadd.s32 $0xFFFF3800  }
0x50a: {  	[tilespmem:s11], [sflag:$0x3] =	stream.indirect.gather [hbm4b:s3+s5], $0x40, s2, s5, $0xb8;
	[tilespmem:$0x19640] =	vst v63  }
0x50b: {  	_ =	swait.ge [sflag:s15], $0xC800  }
0x50c: {  	[sflag:s15] =	ssyncset.done $0x0  }
0x50d: {  	[sflag:s15] =	ssyncadd.s32 $0xFFFF3800  }
0x50e: {  	[hbm4b:s21+s2] =	stream.linear.scatter [tilespmem:s11], [sflag:$0x5], $0xC800, $0x38;
	[tilespmem:$0x19640] =	vst v63  }
0x50f: {  	_ = 	snop  }
0x510: {  	[tilespmem:s2], [sflag:$0x1] =	stream.linear.gather [hbm4b:s22+s2], $0x320, $0x38;
	[tilespmem:$0x19640] =	vst v63  }
0x511: {  	_ =	swait.ge [sflag:s13], $0x320  }
0x512: {  	[sflag:s13] =	ssyncset.done $0x0  }
0x513: {  	[sflag:s13] =	ssyncadd.s32 $0xFFFFFCE0  }
0x514: {  	_ =	swait.ge [sflag:s6], $0xC800  }
0x515: {  	[sflag:s6] =	ssyncset.done $0x0  }
0x516: {  	[sflag:s6] =	ssyncadd.s32 $0xFFFF3800  }
0x517: {  	[tilespmem:s9], [sflag:$0x4] =	stream.indirect.gather [hbm4b:s3+s5], $0x40, s5, s5, $0xb8;
	[tilespmem:$0x19640] =	vst v63  }
0x518: {  	_ =	swait.ge [sflag:s10], $0xC800  }
0x519: {  	[sflag:s10] =	ssyncset.done $0x0  }
0x51a: {  	[sflag:s10] =	ssyncadd.s32 $0xFFFF3800  }
0x51b: {  	[hbm4b:s19+s2] =	stream.linear.scatter [tilespmem:s9], [sflag:$0x6], $0xC800, $0x38;
	[tilespmem:$0x19640] =	vst v63  }
0x51c: {  	_ = 	snop  }
0x51d: {  	[tilespmem:s5], [sflag:$0x2] =	stream.linear.gather [hbm4b:s20+s2], $0x320, $0x38;
	[tilespmem:$0x19640] =	vst v63  }
0x51e: {  	_ =	swait.ge [sflag:s16], $0x320  }
0x51f: {  	[sflag:s16] =	ssyncset.done $0x0  }
0x520: {  	[sflag:s16] =	ssyncadd.s32 $0xFFFFFCE0  }
0x521: {  	_ =	swait.ge [sflag:s8], $0xC800  }
0x522: {  	[sflag:s8] =	ssyncset.done $0x0  }
0x523: {  	[sflag:s8] =	ssyncadd.s32 $0xFFFF3800  }
0x524: {  	[tilespmem:s11], [sflag:$0x3] =	stream.indirect.gather [hbm4b:s3+s5], $0x40, s2, s5, $0xb8;
	[tilespmem:$0x19640] =	vst v63  }
0x525: {  	_ =	swait.ge [sflag:s15], $0xC800  }
0x526: {  	[sflag:s15] =	ssyncset.done $0x0  }
0x527: {  	[sflag:s15] =	ssyncadd.s32 $0xFFFF3800  }
0x528: {  	[hbm4b:s17+s2] =	stream.linear.scatter [tilespmem:s11], [sflag:$0x5], $0xC800, $0x38;
	[tilespmem:$0x19640] =	vst v63  }
0x529: {  	_ = 	snop  }
0x52a: {  	[tilespmem:s2], [sflag:$0x1] =	stream.linear.gather [hbm4b:s18+s2], $0x320, $0x38;
	[tilespmem:$0x19640] =	vst v63  }
0x52b: {  	_ =	swait.ge [sflag:s13], $0x320  }
0x52c: {  	[sflag:s13] =	ssyncset.done $0x0  }
0x52d: {  	[sflag:s13] =	ssyncadd.s32 $0xFFFFFCE0  }
0x52e: {  	_ =	swait.ge [sflag:s6], $0xC800  }
0x52f: {  	[sflag:s6] =	ssyncset.done $0x0  }
0x530: {  	[sflag:s6] =	ssyncadd.s32 $0xFFFF3800  }
0x531: {  	[tilespmem:s9], [sflag:$0x4] =	stream.indirect.gather [hbm4b:s3+s5], $0x40, s5, s5, $0xb8;
	[tilespmem:$0x19640] =	vst v63  }
0x532: {  	_ =	swait.ge [sflag:s10], $0xC800  }
0x533: {  	[sflag:s10] =	ssyncset.done $0x0  }
0x534: {  	[sflag:s10] =	ssyncadd.s32 $0xFFFF3800  }
0x535: {  	[hbm4b:s12+s2] =	stream.linear.scatter [tilespmem:s9], [sflag:$0x6], $0xC800, $0x38;
	[tilespmem:$0x19640] =	vst v63  }
0x536: {  	_ = 	snop  }
0x537: {  	[tilespmem:s5], [sflag:$0x2] =	stream.linear.gather [hbm4b:s14+s2], $0x320, $0x38;
	[tilespmem:$0x19640] =	vst v63  }
0x538: {  	_ =	swait.ge [sflag:s16], $0x320  }
0x539: {  	[sflag:s16] =	ssyncset.done $0x0  }
0x53a: {  	[sflag:s16] =	ssyncadd.s32 $0xFFFFFCE0  }
0x53b: {  	_ =	swait.ge [sflag:s8], $0xC800  }
0x53c: {  	[sflag:s8] =	ssyncset.done $0x0  }
0x53d: {  	[sflag:s8] =	ssyncadd.s32 $0xFFFF3800  }
0x53e: {  	[tilespmem:s11], [sflag:$0x3] =	stream.indirect.gather [hbm4b:s3+s5], $0x40, s2, s5, $0xb8;
	[tilespmem:$0x19640] =	vst v63  }
0x53f: {  	_ =	swait.ge [sflag:s15], $0xC800  }
0x540: {  	[sflag:s15] =	ssyncset.done $0x0  }
0x541: {  	[sflag:s15] =	ssyncadd.s32 $0xFFFF3800  }
0x542: {  	[hbm4b:s7+s2] =	stream.linear.scatter [tilespmem:s11], [sflag:$0x5], $0xC800, $0x38;
	[tilespmem:$0x19640] =	vst v63  }
0x543: {  	_ =	swait.ge [sflag:s13], $0x320  }
0x544: {  	[sflag:s13] =	ssyncset.done $0x0  }
0x545: {  	[sflag:s13] =	ssyncadd.s32 $0xFFFFFCE0  }
0x546: {  	_ =	swait.ge [sflag:s6], $0xC800  }
0x547: {  	[sflag:s6] =	ssyncset.done $0x0  }
0x548: {  	[sflag:s6] =	ssyncadd.s32 $0xFFFF3800  }
0x549: {  	[tilespmem:s9], [sflag:$0x4] =	stream.indirect.gather [hbm4b:s3+s5], $0x40, s5, s5, $0xb8;
	[tilespmem:$0x19640] =	vst v63  }
0x54a: {  	_ =	swait.ge [sflag:s10], $0xC800  }
0x54b: {  	[sflag:s10] =	ssyncset.done $0x0  }
0x54c: {  	[sflag:s10] =	ssyncadd.s32 $0xFFFF3800  }
0x54d: {  	[hbm4b:s4+s2] =	stream.linear.scatter [tilespmem:s9], [sflag:$0x6], $0xC800, $0x38;
	[tilespmem:$0x19640] =	vst v63  }
0x54e: {  	_ =	swait.ge [sflag:s8], $0xC800  }
0x54f: {  	[sflag:s8] =	ssyncset.done $0x0  }
0x550: {  	[sflag:s8] =	ssyncadd.s32 $0xFFFF3800  }
0x551: {  	_ =	swait.ge [sflag:s6], $0xC800  }
0x552: {  	[sflag:s6] =	ssyncset.done $0x0  }
0x553: {  	[sflag:s6] =	ssyncadd.s32 $0xFFFF3800  }
0x554: {  	_ =	sfence.sel $0x180000  }
0x555: {  	[bflag:$0x0] =	sbarrier.arrive $0xFFFF  }
0x556: {  	_ =	strace $0x90000047  }
0x557: {  	s31 =	stileid.u32;
	[bflag:$0x2] =	sbarrier.arrive $0xFFFF  }
0x558: {  	p0 =	sne.s32 s31, $0x0;
	s0 =	rddreg [dreg:$0x2]  }
0x559: {  	s0 =	sadd.s32 @!p0 $0x100000, s0  }
0x55a: {  	[sflag:s0] =	ssyncadd.tile.s32 @!p0 $0x1;
	_ =	shalt  }
.Lfunc_end2:
_tile_overlayer_lowered:
.L_overlay_start_2:
0x55b: {  	(tag) =	ssettag $0x2  }
0x55c: {  	s0 =	rddreg [dreg:$0x0];
	s2 =	stileid.u32  }
0x55d: {  	s1 =	rddreg [dreg:$0x1];
	p0 =	sne.s32 s2, $0x0  }
0x55e: {  	s3 =	rddreg [dreg:$0x2];
	[bflag:$0x3] =	sbarrier.arrive $0xFFFF;
	s2 =	simm.s32 @!p0 $0x1C07  }
0x55f: {  	[timem:s3], [sflag:s2] =	dma.local @!p0 [hbm:s0], s1  }
0x560: {  	s0 =	simm.s32 @!p0 $0x7  }
0x561: {  	_ =	swait.ge @!p0 [sflag:s0], s1  }
0x562: {  	s1 =	ssub.s32 @!p0 $0x0, s1;
	[sflag:s0] =	ssyncset.done @!p0 $0x0  }
0x563: {  	[sflag:s0] =	ssyncadd.s32 @!p0 s1  }
0x564: {  	[bflag:$0x3] =	sbarrier.arrive $0xFFFF  }
0x565: {  	_ =	shalt  }

// kernel: sparse-core-data-format-call.cloned.1.call-start
scs
called_computation_lowered:
.L_overlay_start_0:
0x0: {  	s2 =	sld [smem:$0x3FD9]  }
0x1: {  	s3 =	sld [smem:$0x3FFE];
	_ =	sdelay $0x1  }
0x2: {  	s1 =	srdreg.scid  }
0x3: {  	s0 =	sand.u32 $0x1, s1  }
0x4: {  	s18 =	sshll.u32 s0, $0xA;
	s2 =	sadd.s32 s3, s2  }
0x5: {  	s2 =	sadd.s32 s2, s18  }
0x6: {  	[smem:$0x3FC6] =	sst s2  }
0x7: {  	_ = 	snop  }
0x8: {  	s2 =	sld [smem:$0x3FD0];
	(tm) =	ssettm $0x1  }
0x9: {  	s19 =	sld [smem:$0x3FFB];
	_ =	sdelay $0x3  }
0xa: {  	_ =	strace s19  }
0xb: {  	s3 =	sld [smem:$0x3FFC];
	_ =	sdelay $0x3  }
0xc: {  	_ =	strace s3  }
0xd: {  	s3 =	sld [smem:$0x3FFD];
	_ =	sdelay $0x3  }
0xe: {  	_ =	strace s3  }
0xf: {  	_ =	strace $0x8FFFFFFF  }
0x10: {  	s20 =	sld [smem:$0x3FDB];
	_ =	sdelay $0x1  }
0x11: {  	s4 =	simm.s32 $_scs_section_size  }
0x12: {  	s5 =	simm.s32 $_size__tile_overlayer_lowered;
	s6 =	simm.s32 $_tile_overlayer_lowered  }
0x13: {  	s23 =	simm.s32 $0x1BFF;
	s22 =	sshll.u32 s6, $0x1;
	s3 =	sadd.s32 s4, s20  }
0x14: {  	s7 =	simm.s32 $0x0;
	s21 =	sshll.u32 s5, $0x1;
	s5 =	sadd.s32 s22, s3  }
0x15: {  	[timem:s7], [sflag:s23] =	dma.local [hbm:s5], s21  }
0x16: {  	_ =	swait.ge [sflag:s23], s21  }
0x17: {  	s4 =	ssub.s32 $0x0, s21;
	[sflag:s23] =	ssyncset.done $0x0  }
0x18: {  	[sflag:s23] =	ssyncadd.s32 s4;
	_ =	sdelay $0x1  }
0x19: {  	s24 =	simm.s32 $0x1B8B  }
0x1a: {  	_ =	swait.ge [sflag:s24], $0x1  }
0x1b: {  	[sflag:s24] =	ssyncset.done $0x0  }
0x1c: {  	s26 =	simm.s32 $0x1B8E;
	s25 =	sld [smem:$0x3FFE];
	[sflag:s24] =	ssyncadd.s32 $0xFFFFFFFF  }
0x1d: {  	s27 =	simm.s32 $execute0_lowered;
	[smem:$0x3FD2] =	sst s26  }
0x1e: {  	s5 =	sshll.u32 s27, $0x1;
	_ =	strace $0x80000049;
	[dreg:$0x1] =	wrdreg $0xFFFFFFFF  }
0x1f: {  	s28 =	simm.s32 $_size_execute0_lowered;
	s3 =	sadd.s32 s3, s5;
	[dreg:$0x0] =	wrdreg $0x0  }
0x20: {  	s5 =	sshll.u32 s28, $0x1;
	[dreg:$0x2] =	wrdreg s3  }
0x21: {  	[dreg:$0x3] =	wrdreg s5  }
0x22: {  	[dreg:$0x4] =	wrdreg $0xC0  }
0x23: {  	_ =	task [dreg:s7], $0x5FFFF  }
0x24: {  	[dreg:$0x1] =	wrdreg $0xFFFFFFFF  }
0x25: {  	[dreg:$0x0] =	wrdreg $0x60  }
0x26: {  	[dreg:$0x2] =	wrdreg s25  }
0x27: {  	[dreg:$0x3] =	wrdreg s2  }
0x28: {  	[dreg:$0x4] =	wrdreg $0x9  }
0x29: {  	_ =	task.clear_ibuf [dreg:s7], $0x5FFFF;
	_ =	strace $0x90000049  }
0x2a: {  	s29 =	simm.s32 $0x9;
	_ =	strace $0x8000004B  }
0x2b: {  	_ =	swait.ge [sflag:s29], $0x1  }
0x2c: {  	[sflag:s29] =	ssyncadd.s32 $0xFFFFFFFF  }
0x2d: {  	_ =	strace $0x9000004B  }
0x2e: {  	_ =	sfence  }
0x2f: {  	s30 =	sld [smem:$0x0];
	_ =	sdelay $0x2  }
0x30: {  	s31 =	sshll.u32 s1, $0xD;
	s1 =	sshrl.u32 s1, $0x2  }
0x31: {  	s3 =	sand.u32 $0x4000, s31;
	s1 =	sadd.s32 s1, s30  }
0x32: {  	s0 =	sor.u32 s3, s0;
	s1 =	sshll.u32 s1, $0x11  }
0x33: {  	s0 =	sor.u32 s1, s0  }
0x34: {  	s0 =	sadd.s32 $0x8F2B, s0  }
0x35: {  	[sflag:s0] =	ssyncadd.remote.s32 $0x1  }
0x36: {  	_ =	sfence.sel $0xFFFF  }
0x37: {  	[dreg:$0x0] =	wrdreg $0xFFFFFFFF;
	(pc) =	sbr.abs _section_cstart, $3  }
0x38: {  	[dreg:$0x1] =	wrdreg $0xFFFFFFFF  }
0x39: {  	_ =	task.clear_ibuf [dreg:s7], $0x2FFFF;
	_ =	strace $0x9FFFFFFF  }
0x3a: {  	(tm) =	ssettm $0x7FFFFFFF  }
0x3b: {  	_ =	shalt  }
tec
execute0_lowered:
.L_overlay_start_1:
0x0: {  	(tag) =	ssettag $0x1  }
0x1: {  	s0 =	srdreg.scid  }
0x2: {  	s1 =	sshll.u32 s0, $0x4  }
0x3: {  	s0 =	stileid.u32;
	s1 =	sand.u32 $0x10, s1  }
0x4: {  	s1 =	sor.u32 s0, s1  }
0x5: {  	s6 =	rddreg [dreg:$0x0];
	s4 =	simm.s32 $0x1;
	s2 =	sshll.u32 s1, $0x7  }
0x6: {  	s7 =	simm.s32 $0x2;
	s12 =	simm.s32 $0x0;
	s1 =	ssub.s32 $0x1000, s2  }
0x7: {  	s8 =	simm.s32 $0x8000;
	s13 =	simm.s32 $0x0;
	s3 =	sand.u32 $0xF80, s1  }
0x8: {  	s9 =	simm.s32 $0x0;
	s5 =	sshrl.u32 s1, $0xC;
	p0 =	sne.s32 s3, $0x0  }
.Ltmp0:
0x9: {  	s1 =	rddreg [dreg:$0x2];
	s4 =	simm.s32 @!p0 $0x0;
	(pc) =	sbr.rel .LBB1_1-.Ltmp0, $4  }
0xa: {  	s11 =	simm.s32 $0x0;
	s3 =	rddreg [dreg:$0x1];
	s5 =	sadd.s32 s4, s5  }
0xb: {  	_ =	strace $0x8000004A;
	s4 =	simm.s32 $0x1;
	s5 =	smul.u32 $0xC8, s5  }
0xc: {  	s6 =	sadd.s32 $0xA00, s6;
	s10 =	smov.u32 s2;
	[sflag:s4] =	ssyncpa.u1 $0x0  }
0xd: {  	p0 =	por $0x0, $0x0;
	[sflag:s7] =	ssyncpa.u1 $0x0;
	s7 =	sor.u32 $0x1, s5  }
.LBB1_4:
0xe: {  	s16 =	sshll.u32 s13, $0x3;
	s17 =	sand.u32 $0x78, s13  }
0xf: {  	s30 =	sand.u32 $0x7E00, s13;
	s12 =	sshll.u32 s12, $0xF;
	s16 =	sand.u32 $0xC00, s16  }
0x10: {  	[tilespmem:s15+$0x810 ss:$0x81] =	vst.msk $0xffff, v2;
	s31 =	sand.u32 $0x7, s13;
	s16 =	sor.u32 s17, s16;
	s17 =	sadd.s32 s3, s30  }
0x11: {  	[tilespmem:s15+$0x1020 ss:$0x81] =	vst.msk $0xffff, v0;
	s13 =	sshll.u32 s31, $0x12;
	s12 =	sadd.s32 s12, s17;
	s16 =	sshrl.u32 s16, $0x3  }
0x12: {  	[tilespmem:s15+$0x0 ss:$0x81] =	vst.msk $0xffff, v1;
	s13 =	sor.u32 $0x400, s13;
	s12 =	sadd.s32 s16, s12  }
0x13: {  	[hbm4b:s12+s13] =	stream.strided.scatter [tilespmem:s14], [sflag:$0x2], $0x2000, s8, s13, $0x20;
	[tilespmem:$0x8080] =	vst v63  }
.LBB1_5:
0x14: {  	s14 =	sadd.s32 $0x1, s9  }
0x15: {  	s12 =	sadd.s32 $0x1000, s10;
	s16 =	smov.u32 s10;
	p2 =	sgt.s32 s14, $0xC7  }
0x16: {  	s16 =	smov.u32 @p2 s12  }
0x17: {  	s14 =	simm.s32 @p2 $0x0;
	p2 =	sgt.s32 s16, $0xFFF  }
0x18: {  	s16 =	smov.u32 @p2 s2;
	p2 =	sne.s32 s11, s7  }
.Ltmp1:
0x19: {  	p1 =	slt.u32 s11, $0x2;
	(pc) =	sbr.rel @!p2 .LBB1_6-.Ltmp1, $4  }
0x1a: {  	s15 =	simm.s32 @!p1 $0x2  }
0x1b: {  	s13 =	smov.u32 s10;
	p0 =	por !p0, !p0;
	_ =	swait.ge @!p1 [sflag:s15], $0x2000  }
0x1c: {  	s12 =	smov.u32 s9;
	[sflag:s15] =	ssyncset.done @!p1 $0x0;
	s9 =	smov.u32 s14  }
0x1d: {  	s11 =	sadd.s32 $0x1, s11;
	[sflag:s15] =	ssyncadd.s32 @!p1 $0xFFFFE000;
	s10 =	smov.u32 s16  }
.LBB1_1:
0x1e: {  	p1 =	sge.u32 s11, s5  }
0x1f: {  	s14 =	sand.u32 @!p1 $0x1FFFFFF, s9  }
0x20: {  	s15 =	smulhi.u32 @!p1 $0x147AE15, s14;
	_ =	sdelay $0x1  }
0x21: {  	s15 =	smul.u32 @!p1 $0xC8, s15  }
0x22: {  	s16 =	sxor.u32 @!p1 $0xFFFFFFFF, s11;
	s17 =	smul.u32 @!p1 $0xC80, s10  }
0x23: {  	s31 =	sadd.s32 $0xFFFFFFFF, s11;
	s16 =	sshll.u32 @!p1 s16, $0xD;
	s14 =	ssub.s32 @!p1 s14, s15  }
0x24: {  	s15 =	sand.u32 @!p1 $0x2000, s16;
	s16 =	sadd.s32 @!p1 s6, s17;
	s14 =	sshll.u32 @!p1 s14, $0x4  }
0x25: {  	s17 =	simm.s32 @!p1 $0x6400;
	s14 =	sadd.s32 @!p1 s14, s16;
	s16 =	simm.s32 @!p1 $0x40  }
0x26: {  	[tilespmem:s15], [sflag:$0x1] =	stream.strided.gather @!p1 [hbm4b:s14+s16], $0x2000, s17, s16, $0x38;
	[tilespmem:$0x8080] =	vst v63  }
0x27: {  	p1 =	sge.u32 s31, s5  }
.Ltmp2:
0x28: {  	_ = 	snop;
	(pc) =	sbr.rel @p1 .LBB1_5-.Ltmp2, $1  }
0x29: {  	_ =	sdelay $0x3  }
0x2a: {  	s14 =	simm.s32 $0x1  }
0x2b: {  	_ =	swait.ge [sflag:s4], $0x2000;
	s14 =	simm.s32 @!p0 $0x0  }
0x2c: {  	[sflag:s4] =	ssyncset.done $0x0;
	s15 =	sshll.u32 s14, $0xD  }
0x2d: {  	[sflag:s4] =	ssyncadd.s32 $0xFFFFE000;
	s18 =	sor.u32 $0x20, s15  }
0x2e: {  	s14 =	smul.u32 $0x8100, s14;
	v3 =	vld [tilespmem:s18+$0x10]  }
0x2f: {  	s30 =	sand.u32 $0x1, s11;
	v2 =	vld [tilespmem:s18+$0xFFFFFFF0]  }
0x30: {  	s15 =	smul.u32 $0x8100, s30;
	s14 =	sshrl.u32 s14, $0x2;
	v0 =	vld [tilespmem:s18+$0x0]  }
0x31: {  	v1 =	vld [tilespmem:s18+$0xFFFFFFE0];
	s16 =	sor.u32 $0x4000, s14  }
0x32: {  	s31 =	sshrl.u32 s15, $0x2;
	s15 =	sadd.s32 $0x0, s16  }
0x33: {  	s17 =	simm.s32 $0x4;
	s18 =	sadd.s32 $0x40, s18;
	s14 =	sor.u32 $0x4000, s31;
	[tilespmem:s15+$0x1830 ss:$0x81] =	vst.msk $0xffff, v3  }
.LBB1_3:
0x34: {  	v3 =	vld [tilespmem:s18+$0x10];
	p1 =	sne.s32 s17, $0x1FC;
	[tilespmem:s15+$0x810 ss:$0x81] =	vst.msk $0xffff, v2;
	s19 =	smov.u32 s17;
	s17 =	sadd.s32 $0x4, s17  }
.Ltmp3:
0x35: {  	v2 =	vld [tilespmem:s18+$0xFFFFFFF0];
	[tilespmem:s15+$0x1020 ss:$0x81] =	vst.msk $0xffff, v0;
	(pc) =	sbr.rel @p1 .LBB1_3-.Ltmp3, $4  }
0x36: {  	v0 =	vld [tilespmem:s18+$0x0];
	[tilespmem:s15+$0x0 ss:$0x81] =	vst.msk $0xffff, v1  }
0x37: {  	s15 =	sshra.s32 s19, $0x2;
	v1 =	vld [tilespmem:s18+$0xFFFFFFE0]  }
0x38: {  	s15 =	sadd.s32 s15, s16  }
0x39: {  	s18 =	sadd.s32 $0x40, s18;
	[tilespmem:s15+$0x1830 ss:$0x81] =	vst.msk $0xffff, v3  }
.Ltmp4:
0x3a: {  	_ = 	snop;
	(pc) =	sbr.rel .LBB1_4-.Ltmp4, $1  }
0x3b: {  	_ =	sdelay $0x3  }
.LBB1_6:
0x3c: {  	_ =	sfence.sel $0x180000  }
0x3d: {  	s2 =	simm.s32 $0x1;
	[bflag:$0x0] =	sbarrier.arrive $0xFFFF  }
0x3e: {  	s31 =	simm.s32 $0x2;
	[sflag:s2] =	ssyncpa.u1 $0x1  }
0x3f: {  	[sflag:s31] =	ssyncpa.u1 $0x1  }
0x40: {  	p0 =	sne.s32 s0, $0x0;
	_ =	strace $0x9000004A  }
0x41: {  	s0 =	sadd.s32 @!p0 $0x100000, s1;
	[bflag:$0x2] =	sbarrier.arrive $0xFFFF  }
0x42: {  	[sflag:s0] =	ssyncadd.tile.s32 @!p0 $0x1;
	_ =	shalt  }
.Lfunc_end1:
_tile_overlayer_lowered:
.L_overlay_start_2:
0x43: {  	(tag) =	ssettag $0x2  }
0x44: {  	s0 =	rddreg [dreg:$0x0];
	s2 =	stileid.u32  }
0x45: {  	s1 =	rddreg [dreg:$0x1];
	p0 =	sne.s32 s2, $0x0  }
0x46: {  	s3 =	rddreg [dreg:$0x2];
	[bflag:$0x3] =	sbarrier.arrive $0xFFFF;
	s2 =	simm.s32 @!p0 $0x1C01  }
0x47: {  	[timem:s3], [sflag:s2] =	dma.local @!p0 [hbm:s0], s1  }
0x48: {  	s0 =	simm.s32 @!p0 $0x1  }
0x49: {  	_ =	swait.ge @!p0 [sflag:s0], s1  }
0x4a: {  	s1 =	ssub.s32 @!p0 $0x0, s1;
	[sflag:s0] =	ssyncset.done @!p0 $0x0  }
0x4b: {  	[sflag:s0] =	ssyncadd.s32 @!p0 s1  }
0x4c: {  	[bflag:$0x3] =	sbarrier.arrive $0xFFFF  }
0x4d: {  	_ =	shalt  }

</sc_bundles>
